<compile_context>
chip_gen: v7x
topology: tpu7x:2x2x1
jax: 0.10.2.dev20260603
libtpu: 0.0.44.dev20260713+nightly
codegen_flags: <defaults>
</compile_context>

<pallas_src>
import functools

import jax
import jax.numpy as jnp
from jax import lax
from jax.experimental import pallas as pl
from jax.experimental.pallas import tpu as pltpu
from jax.experimental.pallas import tpu_sc as plsc

_F32 = jnp.float32
_I32 = jnp.int32


def _dot(a, b):
    return jnp.dot(a, b, preferred_element_type=_F32)


def _lrelu(m):
    return jnp.where(m >= 0.0, m, 0.2 * m)


def _t(a):
    return jnp.swapaxes(a, 0, 1)


def _flatten_rows(a):
    H = a.shape[0]
    return jnp.concatenate([a[i:i + 1, :] for i in range(H)], axis=1)


def _onehot(iota, idx):
    return jnp.equal(iota, idx).astype(_F32)



def _proj_body(
    x1r, ei1, x2r, ei2, xlit, xreg, eill, eirl,
    Wl1, Wr1, att1, Wl2, Wr2, att2,
    SUM1, SUM2, R8, EXP1w, EXP2w, D1w, D2w, P16,
    Wp_l, bp_lv, Wp_r, bp_rv,
    as_llr, ad_llr, as_rlr, ad_rlr,
    xl1p, exb1, dnb1, exl1, s1p, d1p,
    xl2p, exb2, dnb2, exl2, s2p, d2p,
    h_l, h_r, exbll, dn16ll, sllp, dllp, exbrl, dn16rl, srlp, drlp,
):
    def pad_ei(ei_ref, s_ref, d_ref, E, Epad):
        z = jnp.zeros((Epad - E,), _I32)
        s_ref[0:E] = ei_ref[0, :]
        s_ref[E:Epad] = z
        d_ref[0:E] = ei_ref[1, :]
        d_ref[E:Epad] = z

    def store_rows(ref, rowsT, E, Epad, W):
        ref[0:E, :] = _t(rowsT)
        ref[E:Epad, :] = jnp.zeros((Epad - E, W), _F32)

    def gat_scores(xT, Wl, Wr, att, SUM, EXPw, Dw, N, E):
        xlT = _dot(_t(Wl), xT)
        xrT = _dot(_t(Wr), xT)
        attc = _t(_flatten_rows(att))
        tl = _lrelu(xlT + xrT) * attc
        ex_loopT = jnp.exp(_dot(SUM, tl))
        return xlT, xrT, ex_loopT

    x1T = _t(x1r[...])
    xlT1, xrT1, exl1T = gat_scores(x1T, Wl1[...], Wr1[...], att1[...],
                                   SUM1[...], EXP1w[...], D1w[...], 85, 680)
    exl1[...] = _t(exl1T)
    z4 = jnp.zeros((4, 85), _F32)
    xl1p[...] = _t(jnp.concatenate([xlT1[0:60], z4, xlT1[60:120], z4], axis=0))
    iota1 = lax.broadcasted_iota(jnp.int32, (85, 680), 0)
    Msrc1T = _onehot(iota1, ei1[0:1, :])
    Mdst1T = _onehot(iota1, ei1[1:2, :])
    GT1 = _dot(xlT1, Msrc1T)
    mT1 = GT1 + _dot(xrT1, Mdst1T)
    tT1 = _lrelu(mT1) * _t(_flatten_rows(att1[...]))
    exT1 = jnp.exp(_dot(SUM1[...], tT1))
    store_rows(exb1, _dot(EXP1w[...], exT1), 680, 1024, 128)
    store_rows(dnb1, _dot(D1w[...], exT1), 680, 1024, 128)
    pad_ei(ei1, s1p, d1p, 680, 1024)

    x2T = _t(x2r[...])
    xlT2, xrT2, exl2T = gat_scores(x2T, Wl2[...], Wr2[...], att2[...],
                                   SUM2[...], EXP2w[...], D2w[...], 438, 3504)
    exl2[...] = _t(exl2T)
    z6 = jnp.zeros((6, 438), _F32)
    z96 = jnp.zeros((96, 438), _F32)
    xl2p[...] = _t(jnp.concatenate(
        [xlT2[0:10], z6, xlT2[10:20], z6, z96], axis=0))
    iota2 = lax.broadcasted_iota(jnp.int32, (438, 3504), 0)
    Msrc2T = _onehot(iota2, ei2[0:1, :])
    Mdst2T = _onehot(iota2, ei2[1:2, :])
    GT2 = _dot(xlT2, Msrc2T)
    mT2 = GT2 + _dot(xrT2, Mdst2T)
    tT2 = _lrelu(mT2) * _t(_flatten_rows(att2[...]))
    exT2 = jnp.exp(_dot(SUM2[...], tT2))
    store_rows(exb2, _dot(EXP2w[...], exT2), 3504, 3584, 128)
    store_rows(dnb2, _dot(D2w[...], exT2), 3504, 3584, 128)
    pad_ei(ei2, s2p, d2p, 3504, 3584)

    bplc = _t(bp_lv[...].reshape(1, 128))
    bprc = _t(bp_rv[...].reshape(1, 128))
    h_lT = _dot(_t(Wp_l[...]), _t(xlit[...])) + bplc
    h_rT = _dot(_t(Wp_r[...]), _t(xreg[...])) + bprc
    h_l[...] = _t(h_lT)
    h_r[...] = _t(h_rT)
    a_sllT = _dot(R8[...], h_lT * _t(_flatten_rows(as_llr[...])))
    a_dllT = _dot(R8[...], h_lT * _t(_flatten_rows(ad_llr[...])))
    a_srlT = _dot(R8[...], h_rT * _t(_flatten_rows(as_rlr[...])))
    a_drlT = _dot(R8[...], h_lT * _t(_flatten_rows(ad_rlr[...])))

    def han_scores(a_sT, a_dT, ei, Ns, Nd, E):
        iota_s = lax.broadcasted_iota(jnp.int32, (Ns, E), 0)
        MsrcT = _onehot(iota_s, ei[0:1, :])
        iota_d = lax.broadcasted_iota(jnp.int32, (Nd, E), 0)
        MdstT = _onehot(iota_d, ei[1:2, :])
        eT = _lrelu(_dot(a_sT, MsrcT) + _dot(a_dT, MdstT))
        return jnp.exp(eT)

    exTll = han_scores(a_sllT, a_dllT, eill[...], 85, 85, 680)
    store_rows(exbll, _dot(jnp.swapaxes(R8[...], 0, 1), exTll), 680, 1024, 128)
    store_rows(dn16ll, _dot(P16[...], exTll), 680, 1024, 128)
    pad_ei(eill, sllp, dllp, 680, 1024)

    exTrl = han_scores(a_srlT, a_drlT, eirl[...], 60, 85, 1000)
    store_rows(exbrl, _dot(jnp.swapaxes(R8[...], 0, 1), exTrl), 1000, 1024, 128)
    store_rows(dn16rl, _dot(P16[...], exTrl), 1000, 1024, 128)
    pad_ei(eirl, srlp, drlp, 1000, 1024)



def _rows_fma(ra, rb, rc, CH, W16):
    def body(i, c):
        for ci in range(W16):
            o = ci * 16
            v = ra[i, pl.ds(o, 16)] * rb[i, pl.ds(o, 16)]
            if rc is not None:
                v = v + rc[i, pl.ds(o, 16)]
            ra[i, pl.ds(o, 16)] = v
        return c

    lax.fori_loop(0, CH, body, 0)


def _sc_body(
    xl1p, exb1, dnb1, s1p, d1p, xl2p, exb2, dnb2, s2p, d2p,
    h_l, h_r, exbll, dn16ll, sllp, dllp, exbrl, dn16rl, srlp, drlp,
    z88, z440,
    op1, op2, opll, dpll, oprl, dprl,
    ra64, rb64, rc64, dd64, ra224, rb224, rc224,
    srcv64, dstv64, srcv224, dstv224,
    sh_op1, sh_op2, sh_opll, sh_dpll, sh_oprl, sh_dprl,
):
    cid = lax.axis_index("c")
    sid = lax.axis_index("s")

    @pl.when(cid == 0)
    def _work0():
        wid = sid

        @pl.when(sid == 0)
        def _z1():
            pltpu.sync_copy(z88, sh_op1)
        pltpu.sync_copy(s1p.at[pl.ds(wid * 64, 64)], srcv64)
        pltpu.sync_copy(d1p.at[pl.ds(wid * 64, 64)], dstv64)
        pltpu.sync_copy(xl1p.at[srcv64], ra64)
        pltpu.sync_copy(exb1.at[pl.ds(wid * 64, 64)], rb64)
        pltpu.sync_copy(dnb1.at[pl.ds(wid * 64, 64)], rc64)
        plsc.subcore_barrier()
        _rows_fma(ra64, rb64, rc64, 64, 8)
        pltpu.sync_copy(ra64, sh_op1.at[dstv64], add=True)
        plsc.subcore_barrier()

        @pl.when(sid == 0)
        def _o1():
            pltpu.sync_copy(sh_op1, op1)

        @pl.when(sid == 0)
        def _z3():
            pltpu.sync_copy(z88, sh_opll)
            pltpu.sync_copy(z88, sh_dpll)
        pltpu.sync_copy(sllp.at[pl.ds(wid * 64, 64)], srcv64)
        pltpu.sync_copy(dllp.at[pl.ds(wid * 64, 64)], dstv64)
        pltpu.sync_copy(h_l.at[srcv64], ra64)
        pltpu.sync_copy(exbll.at[pl.ds(wid * 64, 64)], rb64)
        pltpu.sync_copy(dn16ll.at[pl.ds(wid * 64, 64)], dd64)
        plsc.subcore_barrier()
        _rows_fma(ra64, rb64, None, 64, 8)
        pltpu.sync_copy(ra64, sh_opll.at[dstv64], add=True)
        pltpu.sync_copy(dd64, sh_dpll.at[dstv64], add=True)
        plsc.subcore_barrier()

        @pl.when(sid == 0)
        def _o3():
            pltpu.sync_copy(sh_opll, opll)
            pltpu.sync_copy(sh_dpll, dpll)

    @pl.when(cid == 1)
    def _work1():
        wid = sid

        @pl.when(sid == 0)
        def _z2():
            pltpu.sync_copy(z440, sh_op2)
        pltpu.sync_copy(s2p.at[pl.ds(wid * 224, 224)], srcv224)
        pltpu.sync_copy(d2p.at[pl.ds(wid * 224, 224)], dstv224)
        pltpu.sync_copy(xl2p.at[srcv224], ra224)
        pltpu.sync_copy(exb2.at[pl.ds(wid * 224, 224)], rb224)
        pltpu.sync_copy(dnb2.at[pl.ds(wid * 224, 224)], rc224)
        plsc.subcore_barrier()
        _rows_fma(ra224, rb224, rc224, 224, 8)
        pltpu.sync_copy(ra224, sh_op2.at[dstv224], add=True)
        plsc.subcore_barrier()

        @pl.when(sid == 0)
        def _o2():
            pltpu.sync_copy(sh_op2, op2)

        @pl.when(sid == 0)
        def _z4():
            pltpu.sync_copy(z88, sh_oprl)
            pltpu.sync_copy(z88, sh_dprl)
        pltpu.sync_copy(srlp.at[pl.ds(wid * 64, 64)], srcv64)
        pltpu.sync_copy(drlp.at[pl.ds(wid * 64, 64)], dstv64)
        pltpu.sync_copy(h_r.at[srcv64], ra64)
        pltpu.sync_copy(exbrl.at[pl.ds(wid * 64, 64)], rb64)
        pltpu.sync_copy(dn16rl.at[pl.ds(wid * 64, 64)], dd64)
        plsc.subcore_barrier()
        _rows_fma(ra64, rb64, None, 64, 8)
        pltpu.sync_copy(ra64, sh_oprl.at[dstv64], add=True)
        pltpu.sync_copy(dd64, sh_dprl.at[dstv64], add=True)
        plsc.subcore_barrier()

        @pl.when(sid == 0)
        def _o4():
            pltpu.sync_copy(sh_oprl, oprl)
            pltpu.sync_copy(sh_dprl, dprl)



def _reduce_body(
    op1, op2, opll, dpll, oprl, dprl,
    xl1p, xl2p, exl1, exl2,
    b1v, b2v, Wk, bkv, qv, Wh, bhv,
    y1o, y2o, y3o,
):
    P1 = op1[...][0:85, :]
    el1 = exl1[...]
    xl1 = xl1p[...][0:85, :]
    num0 = P1[:, 0:60] + el1[:, 0:1] * xl1[:, 0:60]
    num1 = P1[:, 64:124] + el1[:, 1:2] * xl1[:, 64:124]
    den0 = P1[:, 60:61] + el1[:, 0:1] + 1e-16
    den1 = P1[:, 61:62] + el1[:, 1:2] + 1e-16
    o1 = jnp.concatenate([num0 / den0, num1 / den1], axis=1)
    y1o[...] = jnp.maximum(o1 + b1v[...], 0.0)

    P2 = op2[...][0:438, :]
    el2 = exl2[...]
    xl2 = xl2p[...][0:438, :]
    n0 = P2[:, 0:10] + el2[:, 0:1] * xl2[:, 0:10]
    n1 = P2[:, 16:26] + el2[:, 1:2] * xl2[:, 16:26]
    d0 = P2[:, 32:33] + el2[:, 0:1] + 1e-16
    d1 = P2[:, 33:34] + el2[:, 1:2] + 1e-16
    o2 = jnp.concatenate([n0 / d0, n1 / d1], axis=1)
    y2o[...] = jnp.maximum(o2 + b2v[...], 0.0)

    def han_out(opref, dpref):
        P = opref[...][0:85, :]
        dd = dpref[...][0:85, 0:8]
        cols = [P[:, h * 16:(h + 1) * 16] / (dd[:, h:h + 1] + 1e-16)
                for h in range(8)]
        return jnp.maximum(jnp.concatenate(cols, axis=1), 0.0)

    o_llT = _t(han_out(opll, dpll))
    o_rlT = _t(han_out(oprl, dprl))

    bkc = _t(bkv[...].reshape(1, 128))
    qc = _t(qv[...].reshape(1, 128))
    k0 = jnp.tanh(_dot(_t(Wk[...]), o_llT) + bkc)
    k1 = jnp.tanh(_dot(_t(Wk[...]), o_rlT) + bkc)
    mean0 = jnp.sum(k0, axis=1, keepdims=True) * (1.0 / 85.0)
    mean1 = jnp.sum(k1, axis=1, keepdims=True) * (1.0 / 85.0)
    sc0 = jnp.sum(qc * mean0, axis=0, keepdims=True)
    sc1 = jnp.sum(qc * mean1, axis=0, keepdims=True)
    mx = jnp.maximum(sc0, sc1)
    e0 = jnp.exp(sc0 - mx)
    e1 = jnp.exp(sc1 - mx)
    inv = 1.0 / (e0 + e1)
    hT = (e0 * inv) * o_llT + (e1 * inv) * o_rlT
    y3T = _dot(_t(Wh[...]), hT)
    y3o[...] = jnp.maximum(_t(y3T) + bhv[...], 0.0)


def _final_body(x, Wf, bfv, o):
    o[...] = _dot(x[...], Wf[...]) + bfv[...]


def kernel(x1, edge_index1, x2, edge_index2, x_litter, x_region, ei_ll, ei_rl,
           Wl1, Wr1, att1, b1, Wl2, Wr2, att2, b2,
           Wp_l, bp_l, Wp_r, bp_r, as_ll, ad_ll, as_rl, ad_rl,
           Wk, bk, q, Wh, bh, Wf, bf):
    f32 = _F32
    SUM1 = jnp.kron(jnp.eye(2, dtype=f32), jnp.ones((1, 60), dtype=f32))
    SUM2 = jnp.kron(jnp.eye(2, dtype=f32), jnp.ones((1, 10), dtype=f32))
    R8 = jnp.kron(jnp.eye(8, dtype=f32), jnp.ones((1, 16), dtype=f32))
    EXP1w = jnp.kron(jnp.eye(2, dtype=f32), jnp.ones((64, 1), dtype=f32))
    EXP2w = jnp.concatenate(
        [jnp.kron(jnp.eye(2, dtype=f32), jnp.ones((16, 1), dtype=f32)),
         jnp.zeros((96, 2), dtype=f32)], axis=0)
    D1w = jnp.zeros((128, 2), f32).at[60, 0].set(1.0).at[61, 1].set(1.0)
    D2w = jnp.zeros((128, 2), f32).at[32, 0].set(1.0).at[33, 1].set(1.0)
    P16 = jnp.concatenate(
        [jnp.eye(8, dtype=f32), jnp.zeros((120, 8), f32)], axis=0)

    sds = jax.ShapeDtypeStruct
    (xl1p, exb1, dnb1, exl1, s1p, d1p,
     xl2p, exb2, dnb2, exl2, s2p, d2p,
     h_l, h_r, exbll, dn16ll, sllp, dllp,
     exbrl, dn16rl, srlp, drlp) = pl.pallas_call(
        _proj_body,
        out_shape=(
            sds((85, 128), f32), sds((1024, 128), f32), sds((1024, 128), f32),
            sds((85, 2), f32), sds((1024,), _I32), sds((1024,), _I32),
            sds((438, 128), f32), sds((3584, 128), f32), sds((3584, 128), f32),
            sds((438, 2), f32), sds((3584,), _I32), sds((3584,), _I32),
            sds((85, 128), f32), sds((60, 128), f32),
            sds((1024, 128), f32), sds((1024, 128), f32),
            sds((1024,), _I32), sds((1024,), _I32),
            sds((1024, 128), f32), sds((1024, 128), f32),
            sds((1024,), _I32), sds((1024,), _I32),
        ),
    )(x1, edge_index1, x2, edge_index2, x_litter, x_region, ei_ll, ei_rl,
      Wl1, Wr1, att1, Wl2, Wr2, att2,
      SUM1, SUM2, R8, EXP1w, EXP2w, D1w, D2w, P16,
      Wp_l, bp_l, Wp_r, bp_r, as_ll, ad_ll, as_rl, ad_rl)

    z88 = jnp.zeros((88, 128), f32)
    z440 = jnp.zeros((440, 128), f32)

    mesh = plsc.VectorSubcoreMesh(core_axis_name="c", subcore_axis_name="s")
    sc = functools.partial(
        pl.kernel, mesh=mesh,
        out_type=(
            pltpu.HBM((88, 128), f32), pltpu.HBM((440, 128), f32),
            pltpu.HBM((88, 128), f32), pltpu.HBM((88, 128), f32),
            pltpu.HBM((88, 128), f32), pltpu.HBM((88, 128), f32),
        ),
        scratch_types=[
            pltpu.VMEM((64, 128), f32), pltpu.VMEM((64, 128), f32),
            pltpu.VMEM((64, 128), f32), pltpu.VMEM((64, 128), f32),
            pltpu.VMEM((224, 128), f32), pltpu.VMEM((224, 128), f32),
            pltpu.VMEM((224, 128), f32),
            pltpu.VMEM((64,), _I32), pltpu.VMEM((64,), _I32),
            pltpu.VMEM((224,), _I32), pltpu.VMEM((224,), _I32),
            pltpu.MemorySpace.VMEM_SHARED((88, 128), f32),
            pltpu.MemorySpace.VMEM_SHARED((440, 128), f32),
            pltpu.MemorySpace.VMEM_SHARED((88, 128), f32),
            pltpu.MemorySpace.VMEM_SHARED((88, 128), f32),
            pltpu.MemorySpace.VMEM_SHARED((88, 128), f32),
            pltpu.MemorySpace.VMEM_SHARED((88, 128), f32),
        ],
    )(_sc_body)
    (op1, op2, opll, dpll, oprl, dprl) = sc(
        xl1p, exb1, dnb1, s1p, d1p, xl2p, exb2, dnb2, s2p, d2p,
        h_l, h_r, exbll, dn16ll, sllp, dllp, exbrl, dn16rl, srlp, drlp,
        z88, z440)

    y1, y2, y3 = pl.pallas_call(
        _reduce_body,
        out_shape=(
            sds((85, 120), f32), sds((438, 20), f32), sds((85, 120), f32),
        ),
    )(op1, op2, opll, dpll, oprl, dprl,
      xl1p, xl2p, exl1, exl2, b1, b2, Wk, bk, q, Wh, bh)

    xcat = jnp.concatenate(
        [y1.reshape(120, 85), y2.reshape(120, 73), y3.reshape(120, 85)], axis=1)

    return pl.pallas_call(
        _final_body,
        out_shape=sds((120, 5), f32),
    )(xcat, Wf, bf)

# --- scband reference (transcript-rebuilt; emitter-appended) ---
"""Pipeline reference for scband-spatial-net1-49538152792532 (READ-ONLY COPY).

The authoritative reference and input builder live on the scoring server;
editing this copy changes nothing except your own understanding.
"""

import jax, jax.numpy as jnp
import numpy as np


def _gatv2(x, ei, Wl, Wr, att, bias, heads, d):
    N = x.shape[0]
    loops = jnp.arange(N)
    src = jnp.concatenate([ei[0], loops])
    dst = jnp.concatenate([ei[1], loops])
    xl = (x @ Wl).reshape(N, heads, d)
    xr = (x @ Wr).reshape(N, heads, d)
    m = xl[src] + xr[dst]
    e = jnp.sum(jax.nn.leaky_relu(m, 0.2) * att[None], axis=-1)
    emax = jax.ops.segment_max(e, dst, num_segments=N)
    emax = jnp.where(jnp.isfinite(emax), emax, 0.0)
    ex = jnp.exp(e - emax[dst])
    den = jax.ops.segment_sum(ex, dst, num_segments=N)
    alpha = ex / (den[dst] + 1e-16)
    out = jax.ops.segment_sum(xl[src] * alpha[..., None], dst, num_segments=N)
    return out.reshape(N, heads * d) + bias


def _han_edge(xs, xd, ei, att_s, att_d, Ndst):
    src, dst = ei[0], ei[1]
    a_s = jnp.sum(xs * att_s[None], axis=-1)
    a_d = jnp.sum(xd * att_d[None], axis=-1)
    e = jax.nn.leaky_relu(a_s[src] + a_d[dst], 0.2)
    emax = jax.ops.segment_max(e, dst, num_segments=Ndst)
    emax = jnp.where(jnp.isfinite(emax), emax, 0.0)
    ex = jnp.exp(e - emax[dst])
    den = jax.ops.segment_sum(ex, dst, num_segments=Ndst)
    alpha = ex / (den[dst] + 1e-16)
    out = jax.ops.segment_sum(xs[src] * alpha[..., None], dst, num_segments=Ndst)
    return jax.nn.relu(out.reshape(Ndst, -1))


def setup_inputs(seed: int = 0):
    key = jax.random.key(seed)
    ks = [jax.random.fold_in(key, i) for i in range(40)]
    F1, F2 = 128, 64
    inp = {}
    inp['x1'] = jax.random.normal(ks[0], (85, F1), dtype=jnp.float32)
    inp['edge_index1'] = jax.random.randint(ks[1], (2, 680), 0, 85, dtype=jnp.int32)
    inp['x2'] = jax.random.normal(ks[2], (438, F2), dtype=jnp.float32)
    inp['edge_index2'] = jax.random.randint(ks[3], (2, 3504), 0, 438, dtype=jnp.int32)
    inp['x_litter'] = jax.random.normal(ks[4], (85, F1), dtype=jnp.float32)
    inp['x_region'] = jax.random.normal(ks[5], (60, F2), dtype=jnp.float32)
    inp['ei_ll'] = jax.random.randint(ks[6], (2, 680), 0, 85, dtype=jnp.int32)
    inp['ei_rl'] = jax.random.randint(ks[7], (2, 1000), 0, 60, dtype=jnp.int32)
    # GATv2Conv 1: in=F1, heads=2, out=60 -> 120
    inp['Wl1'] = jax.random.normal(ks[8], (F1, 120), dtype=jnp.float32) * 0.1
    inp['Wr1'] = jax.random.normal(ks[9], (F1, 120), dtype=jnp.float32) * 0.1
    inp['att1'] = jax.random.normal(ks[10], (2, 60), dtype=jnp.float32) * 0.1
    inp['b1'] = jnp.zeros((120,), dtype=jnp.float32)
    # GATv2Conv 2: in=F2, heads=2, out=10 -> 20
    inp['Wl2'] = jax.random.normal(ks[11], (F2, 20), dtype=jnp.float32) * 0.1
    inp['Wr2'] = jax.random.normal(ks[12], (F2, 20), dtype=jnp.float32) * 0.1
    inp['att2'] = jax.random.normal(ks[13], (2, 10), dtype=jnp.float32) * 0.1
    inp['b2'] = jnp.zeros((20,), dtype=jnp.float32)
    # HANConv: hidden=128, heads=8 (head_dim=16); node types litter(F1), region(F2)
    inp['Wp_l'] = jax.random.normal(ks[14], (F1, 128), dtype=jnp.float32) * 0.1
    inp['bp_l'] = jnp.zeros((128,), dtype=jnp.float32)
    inp['Wp_r'] = jax.random.normal(ks[15], (F2, 128), dtype=jnp.float32) * 0.1
    inp['bp_r'] = jnp.zeros((128,), dtype=jnp.float32)
    inp['as_ll'] = jax.random.normal(ks[16], (8, 16), dtype=jnp.float32) * 0.1
    inp['ad_ll'] = jax.random.normal(ks[17], (8, 16), dtype=jnp.float32) * 0.1
    inp['as_rl'] = jax.random.normal(ks[18], (8, 16), dtype=jnp.float32) * 0.1
    inp['ad_rl'] = jax.random.normal(ks[19], (8, 16), dtype=jnp.float32) * 0.1
    # semantic attention
    inp['Wk'] = jax.random.normal(ks[20], (128, 128), dtype=jnp.float32) * 0.1
    inp['bk'] = jnp.zeros((128,), dtype=jnp.float32)
    inp['q'] = jax.random.normal(ks[21], (128,), dtype=jnp.float32) * 0.1
    # HAN.lin: 128 -> 120
    inp['Wh'] = jax.random.normal(ks[22], (128, 120), dtype=jnp.float32) * 0.1
    inp['bh'] = jnp.zeros((120,), dtype=jnp.float32)
    # fcn: 243 -> 5
    inp['Wf'] = jax.random.normal(ks[23], (243, 5), dtype=jnp.float32) * 0.1
    inp['bf'] = jnp.zeros((5,), dtype=jnp.float32)
    return inp


def reference(x1, edge_index1, x2, edge_index2, x_litter, x_region, ei_ll, ei_rl,
              Wl1, Wr1, att1, b1, Wl2, Wr2, att2, b2,
              Wp_l, bp_l, Wp_r, bp_r, as_ll, ad_ll, as_rl, ad_rl,
              Wk, bk, q, Wh, bh, Wf, bf):
    x1o = _gatv2(x1, edge_index1, Wl1, Wr1, att1, b1, 2, 60).reshape(120, 85)
    x2o = _gatv2(x2, edge_index2, Wl2, Wr2, att2, b2, 2, 10).reshape(120, 73)
    h_l = (x_litter @ Wp_l + bp_l).reshape(85, 8, 16)
    h_r = (x_region @ Wp_r + bp_r).reshape(60, 8, 16)
    o_ll = _han_edge(h_l, h_l, ei_ll, as_ll, ad_ll, 85)
    o_rl = _han_edge(h_r, h_l, ei_rl, as_rl, ad_rl, 85)
    stk = jnp.stack([o_ll, o_rl])
    sc = jnp.sum(q * jnp.tanh(stk @ Wk + bk).mean(axis=1), axis=-1)
    w = jax.nn.softmax(sc)
    h = jnp.sum(stk * w[:, None, None], axis=0)
    x3o = (h @ Wh + bh).reshape(120, 85)
    x = jnp.concatenate([x1o, x2o, x3o], axis=1)
    x = jax.nn.relu(x)
    return x @ Wf + bf

if __name__ == "__main__":
    import jax
    _d = setup_inputs()
    print(jax.jit(kernel)(*tuple(_d.values())))

</pallas_src>

<mosaic_0001>
#map = affine_map<(d0, d1) -> (0, 0)>
#map1 = affine_map<(d0, d1) -> (0)>
module attributes {stable_mosaic.version = 14 : i64} {
  func.func @_sc_body(%arg0: i32, %arg1: i32, %arg2: memref<85x128xf32, #tpu.memory_space<hbm>>, %arg3: memref<1024x128xf32, #tpu.memory_space<hbm>>, %arg4: memref<1024x128xf32, #tpu.memory_space<hbm>>, %arg5: memref<1024xi32, #tpu.memory_space<hbm>>, %arg6: memref<1024xi32, #tpu.memory_space<hbm>>, %arg7: memref<438x128xf32, #tpu.memory_space<hbm>>, %arg8: memref<3584x128xf32, #tpu.memory_space<hbm>>, %arg9: memref<3584x128xf32, #tpu.memory_space<hbm>>, %arg10: memref<3584xi32, #tpu.memory_space<hbm>>, %arg11: memref<3584xi32, #tpu.memory_space<hbm>>, %arg12: memref<85x128xf32, #tpu.memory_space<hbm>>, %arg13: memref<60x128xf32, #tpu.memory_space<hbm>>, %arg14: memref<1024x128xf32, #tpu.memory_space<hbm>>, %arg15: memref<1024x128xf32, #tpu.memory_space<hbm>>, %arg16: memref<1024xi32, #tpu.memory_space<hbm>>, %arg17: memref<1024xi32, #tpu.memory_space<hbm>>, %arg18: memref<1024x128xf32, #tpu.memory_space<hbm>>, %arg19: memref<1024x128xf32, #tpu.memory_space<hbm>>, %arg20: memref<1024xi32, #tpu.memory_space<hbm>>, %arg21: memref<1024xi32, #tpu.memory_space<hbm>>, %arg22: memref<88x128xf32, #tpu.memory_space<hbm>>, %arg23: memref<440x128xf32, #tpu.memory_space<hbm>>, %arg24: memref<88x128xf32, #tpu.memory_space<hbm>>, %arg25: memref<440x128xf32, #tpu.memory_space<hbm>>, %arg26: memref<88x128xf32, #tpu.memory_space<hbm>>, %arg27: memref<88x128xf32, #tpu.memory_space<hbm>>, %arg28: memref<88x128xf32, #tpu.memory_space<hbm>>, %arg29: memref<88x128xf32, #tpu.memory_space<hbm>>, %arg30: memref<64x128xf32, #tpu.memory_space<vmem>>, %arg31: memref<64x128xf32, #tpu.memory_space<vmem>>, %arg32: memref<64x128xf32, #tpu.memory_space<vmem>>, %arg33: memref<64x128xf32, #tpu.memory_space<vmem>>, %arg34: memref<224x128xf32, #tpu.memory_space<vmem>>, %arg35: memref<224x128xf32, #tpu.memory_space<vmem>>, %arg36: memref<224x128xf32, #tpu.memory_space<vmem>>, %arg37: memref<64xi32, #tpu.memory_space<vmem>>, %arg38: memref<64xi32, #tpu.memory_space<vmem>>, %arg39: memref<224xi32, #tpu.memory_space<vmem>>, %arg40: memref<224xi32, #tpu.memory_space<vmem>>, %arg41: memref<88x128xf32, #tpu.memory_space<vmem_shared>>, %arg42: memref<440x128xf32, #tpu.memory_space<vmem_shared>>, %arg43: memref<88x128xf32, #tpu.memory_space<vmem_shared>>, %arg44: memref<88x128xf32, #tpu.memory_space<vmem_shared>>, %arg45: memref<88x128xf32, #tpu.memory_space<vmem_shared>>, %arg46: memref<88x128xf32, #tpu.memory_space<vmem_shared>>) attributes {dimension_semantics = [#tpu.dimension_semantics<core_parallel>, #tpu.dimension_semantics<subcore_parallel>], iteration_bounds = array<i64: 2, 16>, scalar_prefetch = 0 : i64, scratch_operands = 17 : i64, tpu.core_type = #tpu.core_type<sc_vector_subcore>, window_params = [{transform_indices = #map}, {transform_indices = #map}, {transform_indices = #map}, {transform_indices = #map1}, {transform_indices = #map1}, {transform_indices = #map}, {transform_indices = #map}, {transform_indices = #map}, {transform_indices = #map1}, {transform_indices = #map1}, {transform_indices = #map}, {transform_indices = #map}, {transform_indices = #map}, {transform_indices = #map}, {transform_indices = #map1}, {transform_indices = #map1}, {transform_indices = #map}, {transform_indices = #map}, {transform_indices = #map1}, {transform_indices = #map1}, {transform_indices = #map}, {transform_indices = #map}, {transform_indices = #map}, {transform_indices = #map}, {transform_indices = #map}, {transform_indices = #map}, {transform_indices = #map}, {transform_indices = #map}]} {
    %eq3A = arith.constant 0 : i32
    %eq3A_0 = arith.cmpi eq, %arg0, %eq3A : i32
    %convert_element_type3A = arith.extui %eq3A_0 : i1 to i32
    %cond3A = arith.constant 0 : i32
    %cond3A_1 = arith.cmpi ne, %convert_element_type3A, %cond3A : i32
    scf.if %cond3A_1 {
      %eq3A_7 = arith.constant 0 : i32
      %eq3A_8 = arith.cmpi eq, %arg1, %eq3A_7 : i32
      %convert_element_type3A_9 = arith.extui %eq3A_8 : i1 to i32
      %cond3A_10 = arith.constant 0 : i32
      %cond3A_11 = arith.cmpi ne, %convert_element_type3A_9, %cond3A_10 : i32
      scf.if %cond3A_11 {
        "tpu.region"() ({
          %run_scoped3A = tpu.sem_alloc : memref<!tpu.dma_semaphore, #tpu.memory_space<semaphore_mem>>
          tpu.enqueue_dma source(%arg22 : memref<88x128xf32, #tpu.memory_space<hbm>>) target(%arg41 : memref<88x128xf32, #tpu.memory_space<vmem_shared>>) target_semaphore(%run_scoped3A : memref<!tpu.dma_semaphore, #tpu.memory_space<semaphore_mem>>)
          tpu.wait_dma2 semaphore(%run_scoped3A : memref<!tpu.dma_semaphore, #tpu.memory_space<semaphore_mem>>) src(%arg22 : memref<88x128xf32, #tpu.memory_space<hbm>>) dst(%arg41 : memref<88x128xf32, #tpu.memory_space<vmem_shared>>)
          tpu.yield
        }) : () -> ()
      } else {
      }
      %mul3A = arith.constant 64 : i32
      %mul3A_12 = arith.muli %arg1, %mul3A : i32
      "tpu.region"() ({
        %run_scoped3A = tpu.sem_alloc : memref<!tpu.dma_semaphore, #tpu.memory_space<semaphore_mem>>
        %dma_start3A = tpu.memref_slice %arg5[%mul3A_12] : memref<1024xi32, #tpu.memory_space<hbm>> -> memref<64xi32, #tpu.memory_space<hbm>>
        %dma_start3A_56 = tpu.memref_slice %arg5[%mul3A_12] : memref<1024xi32, #tpu.memory_space<hbm>> -> memref<64xi32, #tpu.memory_space<hbm>>
        tpu.enqueue_dma source(%dma_start3A_56 : memref<64xi32, #tpu.memory_space<hbm>>) target(%arg37 : memref<64xi32, #tpu.memory_space<vmem>>) target_semaphore(%run_scoped3A : memref<!tpu.dma_semaphore, #tpu.memory_space<semaphore_mem>>)
        %dma_wait3A = tpu.memref_slice %arg5[%mul3A_12] : memref<1024xi32, #tpu.memory_space<hbm>> -> memref<64xi32, #tpu.memory_space<hbm>>
        %dma_wait3A_57 = tpu.memref_slice %arg5[%mul3A_12] : memref<1024xi32, #tpu.memory_space<hbm>> -> memref<64xi32, #tpu.memory_space<hbm>>
        tpu.wait_dma2 semaphore(%run_scoped3A : memref<!tpu.dma_semaphore, #tpu.memory_space<semaphore_mem>>) src(%dma_wait3A_57 : memref<64xi32, #tpu.memory_space<hbm>>) dst(%arg37 : memref<64xi32, #tpu.memory_space<vmem>>)
        tpu.yield
      }) : () -> ()
      %mul3A_13 = arith.constant 64 : i32
      %mul3A_14 = arith.muli %arg1, %mul3A_13 : i32
      "tpu.region"() ({
        %run_scoped3A = tpu.sem_alloc : memref<!tpu.dma_semaphore, #tpu.memory_space<semaphore_mem>>
        %dma_start3A = tpu.memref_slice %arg6[%mul3A_14] : memref<1024xi32, #tpu.memory_space<hbm>> -> memref<64xi32, #tpu.memory_space<hbm>>
        %dma_start3A_56 = tpu.memref_slice %arg6[%mul3A_14] : memref<1024xi32, #tpu.memory_space<hbm>> -> memref<64xi32, #tpu.memory_space<hbm>>
        tpu.enqueue_dma source(%dma_start3A_56 : memref<64xi32, #tpu.memory_space<hbm>>) target(%arg38 : memref<64xi32, #tpu.memory_space<vmem>>) target_semaphore(%run_scoped3A : memref<!tpu.dma_semaphore, #tpu.memory_space<semaphore_mem>>)
        %dma_wait3A = tpu.memref_slice %arg6[%mul3A_14] : memref<1024xi32, #tpu.memory_space<hbm>> -> memref<64xi32, #tpu.memory_space<hbm>>
        %dma_wait3A_57 = tpu.memref_slice %arg6[%mul3A_14] : memref<1024xi32, #tpu.memory_space<hbm>> -> memref<64xi32, #tpu.memory_space<hbm>>
        tpu.wait_dma2 semaphore(%run_scoped3A : memref<!tpu.dma_semaphore, #tpu.memory_space<semaphore_mem>>) src(%dma_wait3A_57 : memref<64xi32, #tpu.memory_space<hbm>>) dst(%arg38 : memref<64xi32, #tpu.memory_space<vmem>>)
        tpu.yield
      }) : () -> ()
      "tpu.region"() ({
        %run_scoped3A = tpu.sem_alloc : memref<!tpu.dma_semaphore, #tpu.memory_space<semaphore_mem>>
        %dma_start3A = arith.constant 0 : i32
        %dma_start3A_56 = arith.constant 0 : i32
        %dma_start3A_57 = tpu.memref_slice %arg2[%dma_start3A, %dma_start3A_56] : memref<85x128xf32, #tpu.memory_space<hbm>> -> memref<85x128xf32, #tpu.memory_space<hbm>>
        tpu.enqueue_indirect_dma source(%dma_start3A_57 : memref<85x128xf32, #tpu.memory_space<hbm>>) target(%arg30 : memref<64x128xf32, #tpu.memory_space<vmem>>) offsets(%arg37 : memref<64xi32, #tpu.memory_space<vmem>>) semaphore(%run_scoped3A : memref<!tpu.dma_semaphore, #tpu.memory_space<semaphore_mem>>)
        %dma_wait3A = arith.constant 0 : i32
        %dma_wait3A_58 = arith.constant 0 : i32
        %dma_wait3A_59 = tpu.memref_slice %arg2[%dma_wait3A, %dma_wait3A_58] : memref<85x128xf32, #tpu.memory_space<hbm>> -> memref<85x128xf32, #tpu.memory_space<hbm>>
        tpu.wait_indirect_dma semaphore(%run_scoped3A : memref<!tpu.dma_semaphore, #tpu.memory_space<semaphore_mem>>) src(%dma_wait3A_59 : memref<85x128xf32, #tpu.memory_space<hbm>>) dst(%arg30 : memref<64x128xf32, #tpu.memory_space<vmem>>)
        tpu.yield
      }) : () -> ()
      %mul3A_15 = arith.constant 64 : i32
      %mul3A_16 = arith.muli %arg1, %mul3A_15 : i32
      "tpu.region"() ({
        %run_scoped3A = tpu.sem_alloc : memref<!tpu.dma_semaphore, #tpu.memory_space<semaphore_mem>>
        %dma_start3A = arith.constant 0 : i32
        %dma_start3A_56 = tpu.memref_slice %arg3[%mul3A_16, %dma_start3A] : memref<1024x128xf32, #tpu.memory_space<hbm>> -> memref<64x128xf32, #tpu.memory_space<hbm>>
        %dma_start3A_57 = arith.constant 0 : i32
        %dma_start3A_58 = tpu.memref_slice %arg3[%mul3A_16, %dma_start3A_57] : memref<1024x128xf32, #tpu.memory_space<hbm>> -> memref<64x128xf32, #tpu.memory_space<hbm>>
        tpu.enqueue_dma source(%dma_start3A_58 : memref<64x128xf32, #tpu.memory_space<hbm>>) target(%arg31 : memref<64x128xf32, #tpu.memory_space<vmem>>) target_semaphore(%run_scoped3A : memref<!tpu.dma_semaphore, #tpu.memory_space<semaphore_mem>>)
        %dma_wait3A = arith.constant 0 : i32
        %dma_wait3A_59 = tpu.memref_slice %arg3[%mul3A_16, %dma_wait3A] : memref<1024x128xf32, #tpu.memory_space<hbm>> -> memref<64x128xf32, #tpu.memory_space<hbm>>
        %dma_wait3A_60 = arith.constant 0 : i32
        %dma_wait3A_61 = tpu.memref_slice %arg3[%mul3A_16, %dma_wait3A_60] : memref<1024x128xf32, #tpu.memory_space<hbm>> -> memref<64x128xf32, #tpu.memory_space<hbm>>
        tpu.wait_dma2 semaphore(%run_scoped3A : memref<!tpu.dma_semaphore, #tpu.memory_space<semaphore_mem>>) src(%dma_wait3A_61 : memref<64x128xf32, #tpu.memory_space<hbm>>) dst(%arg31 : memref<64x128xf32, #tpu.memory_space<vmem>>)
        tpu.yield
      }) : () -> ()
      %mul3A_17 = arith.constant 64 : i32
      %mul3A_18 = arith.muli %arg1, %mul3A_17 : i32
      "tpu.region"() ({
        %run_scoped3A = tpu.sem_alloc : memref<!tpu.dma_semaphore, #tpu.memory_space<semaphore_mem>>
        %dma_start3A = arith.constant 0 : i32
        %dma_start3A_56 = tpu.memref_slice %arg4[%mul3A_18, %dma_start3A] : memref<1024x128xf32, #tpu.memory_space<hbm>> -> memref<64x128xf32, #tpu.memory_space<hbm>>
        %dma_start3A_57 = arith.constant 0 : i32
        %dma_start3A_58 = tpu.memref_slice %arg4[%mul3A_18, %dma_start3A_57] : memref<1024x128xf32, #tpu.memory_space<hbm>> -> memref<64x128xf32, #tpu.memory_space<hbm>>
        tpu.enqueue_dma source(%dma_start3A_58 : memref<64x128xf32, #tpu.memory_space<hbm>>) target(%arg32 : memref<64x128xf32, #tpu.memory_space<vmem>>) target_semaphore(%run_scoped3A : memref<!tpu.dma_semaphore, #tpu.memory_space<semaphore_mem>>)
        %dma_wait3A = arith.constant 0 : i32
        %dma_wait3A_59 = tpu.memref_slice %arg4[%mul3A_18, %dma_wait3A] : memref<1024x128xf32, #tpu.memory_space<hbm>> -> memref<64x128xf32, #tpu.memory_space<hbm>>
        %dma_wait3A_60 = arith.constant 0 : i32
        %dma_wait3A_61 = tpu.memref_slice %arg4[%mul3A_18, %dma_wait3A_60] : memref<1024x128xf32, #tpu.memory_space<hbm>> -> memref<64x128xf32, #tpu.memory_space<hbm>>
        tpu.wait_dma2 semaphore(%run_scoped3A : memref<!tpu.dma_semaphore, #tpu.memory_space<semaphore_mem>>) src(%dma_wait3A_61 : memref<64x128xf32, #tpu.memory_space<hbm>>) dst(%arg32 : memref<64x128xf32, #tpu.memory_space<vmem>>)
        tpu.yield
      }) : () -> ()
      %barrier3A = arith.constant 0 : index
      tpu.barrier barrier_id(%barrier3A)
      %scan3A = arith.constant 0 : i32
      %scan3A_19 = arith.constant 0 : i32
      %scan3A_20 = arith.constant 64 : i32
      %scan3A_21 = arith.addi %scan3A_19, %scan3A_20 : i32
      %scan3A_22 = arith.constant 1 : i32
      scf.for %scan3A_56 = %scan3A_19 to %scan3A_21 step %scan3A_22  : i32 {
        %get3A = arith.index_cast %scan3A_56 : i32 to index
        %get3A_57 = arith.constant 0 : index
        %get3A_58 = tpu.vector_load %arg30[%get3A, %get3A_57] {strides = array<i32>} : memref<64x128xf32, #tpu.memory_space<vmem>>, vector<1x16xf32>,
        %get3A_59 = vector.shape_cast %get3A_58 : vector<1x16xf32> to vector<16xf32>
        %get3A_60 = arith.index_cast %scan3A_56 : i32 to index
        %get3A_61 = arith.constant 0 : index
        %get3A_62 = tpu.vector_load %arg31[%get3A_60, %get3A_61] {strides = array<i32>} : memref<64x128xf32, #tpu.memory_space<vmem>>, vector<1x16xf32>,
        %get3A_63 = vector.shape_cast %get3A_62 : vector<1x16xf32> to vector<16xf32>
        %mul3A_64 = arith.mulf %get3A_59, %get3A_63 : vector<16xf32>
        %get3A_65 = arith.index_cast %scan3A_56 : i32 to index
        %get3A_66 = arith.constant 0 : index
        %get3A_67 = tpu.vector_load %arg32[%get3A_65, %get3A_66] {strides = array<i32>} : memref<64x128xf32, #tpu.memory_space<vmem>>, vector<1x16xf32>,
        %get3A_68 = vector.shape_cast %get3A_67 : vector<1x16xf32> to vector<16xf32>
        %add3A = arith.addf %mul3A_64, %get3A_68 : vector<16xf32>
        %swap3A = arith.index_cast %scan3A_56 : i32 to index
        %swap3A_69 = arith.constant 0 : index
        %swap3A_70 = tpu.vector_load %arg30[%swap3A, %swap3A_69] {strides = array<i32>} : memref<64x128xf32, #tpu.memory_space<vmem>>, vector<1x16xf32>,
        %swap3A_71 = vector.shape_cast %swap3A_70 : vector<1x16xf32> to vector<16xf32>
        %swap3A_72 = vector.shape_cast %add3A : vector<16xf32> to vector<1x16xf32>
        tpu.vector_store %arg30[%swap3A, %swap3A_69], %swap3A_72 {strides = array<i32>} : memref<64x128xf32, #tpu.memory_space<vmem>>, vector<1x16xf32>,
        %get3A_73 = arith.index_cast %scan3A_56 : i32 to index
        %get3A_74 = arith.constant 16 : index
        %get3A_75 = tpu.vector_load %arg30[%get3A_73, %get3A_74] {strides = array<i32>} : memref<64x128xf32, #tpu.memory_space<vmem>>, vector<1x16xf32>,
        %get3A_76 = vector.shape_cast %get3A_75 : vector<1x16xf32> to vector<16xf32>
        %get3A_77 = arith.index_cast %scan3A_56 : i32 to index
        %get3A_78 = arith.constant 16 : index
        %get3A_79 = tpu.vector_load %arg31[%get3A_77, %get3A_78] {strides = array<i32>} : memref<64x128xf32, #tpu.memory_space<vmem>>, vector<1x16xf32>,
        %get3A_80 = vector.shape_cast %get3A_79 : vector<1x16xf32> to vector<16xf32>
        %mul3A_81 = arith.mulf %get3A_76, %get3A_80 : vector<16xf32>
        %get3A_82 = arith.index_cast %scan3A_56 : i32 to index
        %get3A_83 = arith.constant 16 : index
        %get3A_84 = tpu.vector_load %arg32[%get3A_82, %get3A_83] {strides = array<i32>} : memref<64x128xf32, #tpu.memory_space<vmem>>, vector<1x16xf32>,
        %get3A_85 = vector.shape_cast %get3A_84 : vector<1x16xf32> to vector<16xf32>
        %add3A_86 = arith.addf %mul3A_81, %get3A_85 : vector<16xf32>
        %swap3A_87 = arith.index_cast %scan3A_56 : i32 to index
        %swap3A_88 = arith.constant 16 : index
        %swap3A_89 = tpu.vector_load %arg30[%swap3A_87, %swap3A_88] {strides = array<i32>} : memref<64x128xf32, #tpu.memory_space<vmem>>, vector<1x16xf32>,
        %swap3A_90 = vector.shape_cast %swap3A_89 : vector<1x16xf32> to vector<16xf32>
        %swap3A_91 = vector.shape_cast %add3A_86 : vector<16xf32> to vector<1x16xf32>
        tpu.vector_store %arg30[%swap3A_87, %swap3A_88], %swap3A_91 {strides = array<i32>} : memref<64x128xf32, #tpu.memory_space<vmem>>, vector<1x16xf32>,
        %get3A_92 = arith.index_cast %scan3A_56 : i32 to index
        %get3A_93 = arith.constant 32 : index
        %get3A_94 = tpu.vector_load %arg30[%get3A_92, %get3A_93] {strides = array<i32>} : memref<64x128xf32, #tpu.memory_space<vmem>>, vector<1x16xf32>,
        %get3A_95 = vector.shape_cast %get3A_94 : vector<1x16xf32> to vector<16xf32>
        %get3A_96 = arith.index_cast %scan3A_56 : i32 to index
        %get3A_97 = arith.constant 32 : index
        %get3A_98 = tpu.vector_load %arg31[%get3A_96, %get3A_97] {strides = array<i32>} : memref<64x128xf32, #tpu.memory_space<vmem>>, vector<1x16xf32>,
        %get3A_99 = vector.shape_cast %get3A_98 : vector<1x16xf32> to vector<16xf32>
        %mul3A_100 = arith.mulf %get3A_95, %get3A_99 : vector<16xf32>
        %get3A_101 = arith.index_cast %scan3A_56 : i32 to index
        %get3A_102 = arith.constant 32 : index
        %get3A_103 = tpu.vector_load %arg32[%get3A_101, %get3A_102] {strides = array<i32>} : memref<64x128xf32, #tpu.memory_space<vmem>>, vector<1x16xf32>,
        %get3A_104 = vector.shape_cast %get3A_103 : vector<1x16xf32> to vector<16xf32>
        %add3A_105 = arith.addf %mul3A_100, %get3A_104 : vector<16xf32>
        %swap3A_106 = arith.index_cast %scan3A_56 : i32 to index
        %swap3A_107 = arith.constant 32 : index
        %swap3A_108 = tpu.vector_load %arg30[%swap3A_106, %swap3A_107] {strides = array<i32>} : memref<64x128xf32, #tpu.memory_space<vmem>>, vector<1x16xf32>,
        %swap3A_109 = vector.shape_cast %swap3A_108 : vector<1x16xf32> to vector<16xf32>
        %swap3A_110 = vector.shape_cast %add3A_105 : vector<16xf32> to vector<1x16xf32>
        tpu.vector_store %arg30[%swap3A_106, %swap3A_107], %swap3A_110 {strides = array<i32>} : memref<64x128xf32, #tpu.memory_space<vmem>>, vector<1x16xf32>,
        %get3A_111 = arith.index_cast %scan3A_56 : i32 to index
        %get3A_112 = arith.constant 48 : index
        %get3A_113 = tpu.vector_load %arg30[%get3A_111, %get3A_112] {strides = array<i32>} : memref<64x128xf32, #tpu.memory_space<vmem>>, vector<1x16xf32>,
        %get3A_114 = vector.shape_cast %get3A_113 : vector<1x16xf32> to vector<16xf32>
        %get3A_115 = arith.index_cast %scan3A_56 : i32 to index
        %get3A_116 = arith.constant 48 : index
        %get3A_117 = tpu.vector_load %arg31[%get3A_115, %get3A_116] {strides = array<i32>} : memref<64x128xf32, #tpu.memory_space<vmem>>, vector<1x16xf32>,
        %get3A_118 = vector.shape_cast %get3A_117 : vector<1x16xf32> to vector<16xf32>
        %mul3A_119 = arith.mulf %get3A_114, %get3A_118 : vector<16xf32>
        %get3A_120 = arith.index_cast %scan3A_56 : i32 to index
        %get3A_121 = arith.constant 48 : index
        %get3A_122 = tpu.vector_load %arg32[%get3A_120, %get3A_121] {strides = array<i32>} : memref<64x128xf32, #tpu.memory_space<vmem>>, vector<1x16xf32>,
        %get3A_123 = vector.shape_cast %get3A_122 : vector<1x16xf32> to vector<16xf32>
        %add3A_124 = arith.addf %mul3A_119, %get3A_123 : vector<16xf32>
        %swap3A_125 = arith.index_cast %scan3A_56 : i32 to index
        %swap3A_126 = arith.constant 48 : index
        %swap3A_127 = tpu.vector_load %arg30[%swap3A_125, %swap3A_126] {strides = array<i32>} : memref<64x128xf32, #tpu.memory_space<vmem>>, vector<1x16xf32>,
        %swap3A_128 = vector.shape_cast %swap3A_127 : vector<1x16xf32> to vector<16xf32>
        %swap3A_129 = vector.shape_cast %add3A_124 : vector<16xf32> to vector<1x16xf32>
        tpu.vector_store %arg30[%swap3A_125, %swap3A_126], %swap3A_129 {strides = array<i32>} : memref<64x128xf32, #tpu.memory_space<vmem>>, vector<1x16xf32>,
        %get3A_130 = arith.index_cast %scan3A_56 : i32 to index
        %get3A_131 = arith.constant 64 : index
        %get3A_132 = tpu.vector_load %arg30[%get3A_130, %get3A_131] {strides = array<i32>} : memref<64x128xf32, #tpu.memory_space<vmem>>, vector<1x16xf32>,
        %get3A_133 = vector.shape_cast %get3A_132 : vector<1x16xf32> to vector<16xf32>
        %get3A_134 = arith.index_cast %scan3A_56 : i32 to index
        %get3A_135 = arith.constant 64 : index
        %get3A_136 = tpu.vector_load %arg31[%get3A_134, %get3A_135] {strides = array<i32>} : memref<64x128xf32, #tpu.memory_space<vmem>>, vector<1x16xf32>,
        %get3A_137 = vector.shape_cast %get3A_136 : vector<1x16xf32> to vector<16xf32>
        %mul3A_138 = arith.mulf %get3A_133, %get3A_137 : vector<16xf32>
        %get3A_139 = arith.index_cast %scan3A_56 : i32 to index
        %get3A_140 = arith.constant 64 : index
        %get3A_141 = tpu.vector_load %arg32[%get3A_139, %get3A_140] {strides = array<i32>} : memref<64x128xf32, #tpu.memory_space<vmem>>, vector<1x16xf32>,
        %get3A_142 = vector.shape_cast %get3A_141 : vector<1x16xf32> to vector<16xf32>
        %add3A_143 = arith.addf %mul3A_138, %get3A_142 : vector<16xf32>
        %swap3A_144 = arith.index_cast %scan3A_56 : i32 to index
        %swap3A_145 = arith.constant 64 : index
        %swap3A_146 = tpu.vector_load %arg30[%swap3A_144, %swap3A_145] {strides = array<i32>} : memref<64x128xf32, #tpu.memory_space<vmem>>, vector<1x16xf32>,
        %swap3A_147 = vector.shape_cast %swap3A_146 : vector<1x16xf32> to vector<16xf32>
        %swap3A_148 = vector.shape_cast %add3A_143 : vector<16xf32> to vector<1x16xf32>
        tpu.vector_store %arg30[%swap3A_144, %swap3A_145], %swap3A_148 {strides = array<i32>} : memref<64x128xf32, #tpu.memory_space<vmem>>, vector<1x16xf32>,
        %get3A_149 = arith.index_cast %scan3A_56 : i32 to index
        %get3A_150 = arith.constant 80 : index
        %get3A_151 = tpu.vector_load %arg30[%get3A_149, %get3A_150] {strides = array<i32>} : memref<64x128xf32, #tpu.memory_space<vmem>>, vector<1x16xf32>,
        %get3A_152 = vector.shape_cast %get3A_151 : vector<1x16xf32> to vector<16xf32>
        %get3A_153 = arith.index_cast %scan3A_56 : i32 to index
        %get3A_154 = arith.constant 80 : index
        %get3A_155 = tpu.vector_load %arg31[%get3A_153, %get3A_154] {strides = array<i32>} : memref<64x128xf32, #tpu.memory_space<vmem>>, vector<1x16xf32>,
        %get3A_156 = vector.shape_cast %get3A_155 : vector<1x16xf32> to vector<16xf32>
        %mul3A_157 = arith.mulf %get3A_152, %get3A_156 : vector<16xf32>
        %get3A_158 = arith.index_cast %scan3A_56 : i32 to index
        %get3A_159 = arith.constant 80 : index
        %get3A_160 = tpu.vector_load %arg32[%get3A_158, %get3A_159] {strides = array<i32>} : memref<64x128xf32, #tpu.memory_space<vmem>>, vector<1x16xf32>,
        %get3A_161 = vector.shape_cast %get3A_160 : vector<1x16xf32> to vector<16xf32>
        %add3A_162 = arith.addf %mul3A_157, %get3A_161 : vector<16xf32>
        %swap3A_163 = arith.index_cast %scan3A_56 : i32 to index
        %swap3A_164 = arith.constant 80 : index
        %swap3A_165 = tpu.vector_load %arg30[%swap3A_163, %swap3A_164] {strides = array<i32>} : memref<64x128xf32, #tpu.memory_space<vmem>>, vector<1x16xf32>,
        %swap3A_166 = vector.shape_cast %swap3A_165 : vector<1x16xf32> to vector<16xf32>
        %swap3A_167 = vector.shape_cast %add3A_162 : vector<16xf32> to vector<1x16xf32>
        tpu.vector_store %arg30[%swap3A_163, %swap3A_164], %swap3A_167 {strides = array<i32>} : memref<64x128xf32, #tpu.memory_space<vmem>>, vector<1x16xf32>,
        %get3A_168 = arith.index_cast %scan3A_56 : i32 to index
        %get3A_169 = arith.constant 96 : index
        %get3A_170 = tpu.vector_load %arg30[%get3A_168, %get3A_169] {strides = array<i32>} : memref<64x128xf32, #tpu.memory_space<vmem>>, vector<1x16xf32>,
        %get3A_171 = vector.shape_cast %get3A_170 : vector<1x16xf32> to vector<16xf32>
        %get3A_172 = arith.index_cast %scan3A_56 : i32 to index
        %get3A_173 = arith.constant 96 : index
        %get3A_174 = tpu.vector_load %arg31[%get3A_172, %get3A_173] {strides = array<i32>} : memref<64x128xf32, #tpu.memory_space<vmem>>, vector<1x16xf32>,
        %get3A_175 = vector.shape_cast %get3A_174 : vector<1x16xf32> to vector<16xf32>
        %mul3A_176 = arith.mulf %get3A_171, %get3A_175 : vector<16xf32>
        %get3A_177 = arith.index_cast %scan3A_56 : i32 to index
        %get3A_178 = arith.constant 96 : index
        %get3A_179 = tpu.vector_load %arg32[%get3A_177, %get3A_178] {strides = array<i32>} : memref<64x128xf32, #tpu.memory_space<vmem>>, vector<1x16xf32>,
        %get3A_180 = vector.shape_cast %get3A_179 : vector<1x16xf32> to vector<16xf32>
        %add3A_181 = arith.addf %mul3A_176, %get3A_180 : vector<16xf32>
        %swap3A_182 = arith.index_cast %scan3A_56 : i32 to index
        %swap3A_183 = arith.constant 96 : index
        %swap3A_184 = tpu.vector_load %arg30[%swap3A_182, %swap3A_183] {strides = array<i32>} : memref<64x128xf32, #tpu.memory_space<vmem>>, vector<1x16xf32>,
        %swap3A_185 = vector.shape_cast %swap3A_184 : vector<1x16xf32> to vector<16xf32>
        %swap3A_186 = vector.shape_cast %add3A_181 : vector<16xf32> to vector<1x16xf32>
        tpu.vector_store %arg30[%swap3A_182, %swap3A_183], %swap3A_186 {strides = array<i32>} : memref<64x128xf32, #tpu.memory_space<vmem>>, vector<1x16xf32>,
        %get3A_187 = arith.index_cast %scan3A_56 : i32 to index
        %get3A_188 = arith.constant 112 : index
        %get3A_189 = tpu.vector_load %arg30[%get3A_187, %get3A_188] {strides = array<i32>} : memref<64x128xf32, #tpu.memory_space<vmem>>, vector<1x16xf32>,
        %get3A_190 = vector.shape_cast %get3A_189 : vector<1x16xf32> to vector<16xf32>
        %get3A_191 = arith.index_cast %scan3A_56 : i32 to index
        %get3A_192 = arith.constant 112 : index
        %get3A_193 = tpu.vector_load %arg31[%get3A_191, %get3A_192] {strides = array<i32>} : memref<64x128xf32, #tpu.memory_space<vmem>>, vector<1x16xf32>,
        %get3A_194 = vector.shape_cast %get3A_193 : vector<1x16xf32> to vector<16xf32>
        %mul3A_195 = arith.mulf %get3A_190, %get3A_194 : vector<16xf32>
        %get3A_196 = arith.index_cast %scan3A_56 : i32 to index
        %get3A_197 = arith.constant 112 : index
        %get3A_198 = tpu.vector_load %arg32[%get3A_196, %get3A_197] {strides = array<i32>} : memref<64x128xf32, #tpu.memory_space<vmem>>, vector<1x16xf32>,
        %get3A_199 = vector.shape_cast %get3A_198 : vector<1x16xf32> to vector<16xf32>
        %add3A_200 = arith.addf %mul3A_195, %get3A_199 : vector<16xf32>
        %swap3A_201 = arith.index_cast %scan3A_56 : i32 to index
        %swap3A_202 = arith.constant 112 : index
        %swap3A_203 = tpu.vector_load %arg30[%swap3A_201, %swap3A_202] {strides = array<i32>} : memref<64x128xf32, #tpu.memory_space<vmem>>, vector<1x16xf32>,
        %swap3A_204 = vector.shape_cast %swap3A_203 : vector<1x16xf32> to vector<16xf32>
        %swap3A_205 = vector.shape_cast %add3A_200 : vector<16xf32> to vector<1x16xf32>
        tpu.vector_store %arg30[%swap3A_201, %swap3A_202], %swap3A_205 {strides = array<i32>} : memref<64x128xf32, #tpu.memory_space<vmem>>, vector<1x16xf32>,
      }
      %scan3A_23 = arith.constant 64 : i32
      "tpu.region"() ({
        %run_scoped3A = tpu.sem_alloc : memref<!tpu.dma_semaphore, #tpu.memory_space<semaphore_mem>>
        %dma_start3A = arith.constant 0 : i32
        %dma_start3A_56 = arith.constant 0 : i32
        %dma_start3A_57 = tpu.memref_slice %arg41[%dma_start3A, %dma_start3A_56] : memref<88x128xf32, #tpu.memory_space<vmem_shared>> -> memref<88x128xf32, #tpu.memory_space<vmem_shared>>
        tpu.enqueue_indirect_dma source(%arg30 : memref<64x128xf32, #tpu.memory_space<vmem>>) target(%dma_start3A_57 : memref<88x128xf32, #tpu.memory_space<vmem_shared>>) offsets(%arg38 : memref<64xi32, #tpu.memory_space<vmem>>) semaphore(%run_scoped3A : memref<!tpu.dma_semaphore, #tpu.memory_space<semaphore_mem>>) {add = true}
        %dma_wait3A = arith.constant 0 : i32
        %dma_wait3A_58 = arith.constant 0 : i32
        %dma_wait3A_59 = tpu.memref_slice %arg41[%dma_wait3A, %dma_wait3A_58] : memref<88x128xf32, #tpu.memory_space<vmem_shared>> -> memref<88x128xf32, #tpu.memory_space<vmem_shared>>
        tpu.wait_indirect_dma semaphore(%run_scoped3A : memref<!tpu.dma_semaphore, #tpu.memory_space<semaphore_mem>>) src(%arg30 : memref<64x128xf32, #tpu.memory_space<vmem>>) dst(%dma_wait3A_59 : memref<88x128xf32, #tpu.memory_space<vmem_shared>>)
        tpu.yield
      }) : () -> ()
      %barrier3A_24 = arith.constant 0 : index
      tpu.barrier barrier_id(%barrier3A_24)
      %eq3A_25 = arith.constant 0 : i32
      %eq3A_26 = arith.cmpi eq, %arg1, %eq3A_25 : i32
      %convert_element_type3A_27 = arith.extui %eq3A_26 : i1 to i32
      %cond3A_28 = arith.constant 0 : i32
      %cond3A_29 = arith.cmpi ne, %convert_element_type3A_27, %cond3A_28 : i32
      scf.if %cond3A_29 {
        "tpu.region"() ({
          %run_scoped3A = tpu.sem_alloc : memref<!tpu.dma_semaphore, #tpu.memory_space<semaphore_mem>>
          tpu.enqueue_dma source(%arg41 : memref<88x128xf32, #tpu.memory_space<vmem_shared>>) target(%arg24 : memref<88x128xf32, #tpu.memory_space<hbm>>) target_semaphore(%run_scoped3A : memref<!tpu.dma_semaphore, #tpu.memory_space<semaphore_mem>>)
          tpu.wait_dma2 semaphore(%run_scoped3A : memref<!tpu.dma_semaphore, #tpu.memory_space<semaphore_mem>>) src(%arg41 : memref<88x128xf32, #tpu.memory_space<vmem_shared>>) dst(%arg24 : memref<88x128xf32, #tpu.memory_space<hbm>>)
          tpu.yield
        }) : () -> ()
      } else {
      }
      %eq3A_30 = arith.constant 0 : i32
      %eq3A_31 = arith.cmpi eq, %arg1, %eq3A_30 : i32
      %convert_element_type3A_32 = arith.extui %eq3A_31 : i1 to i32
      %cond3A_33 = arith.constant 0 : i32
      %cond3A_34 = arith.cmpi ne, %convert_element_type3A_32, %cond3A_33 : i32
      scf.if %cond3A_34 {
        "tpu.region"() ({
          %run_scoped3A = tpu.sem_alloc : memref<!tpu.dma_semaphore, #tpu.memory_space<semaphore_mem>>
          tpu.enqueue_dma source(%arg22 : memref<88x128xf32, #tpu.memory_space<hbm>>) target(%arg43 : memref<88x128xf32, #tpu.memory_space<vmem_shared>>) target_semaphore(%run_scoped3A : memref<!tpu.dma_semaphore, #tpu.memory_space<semaphore_mem>>)
          tpu.wait_dma2 semaphore(%run_scoped3A : memref<!tpu.dma_semaphore, #tpu.memory_space<semaphore_mem>>) src(%arg22 : memref<88x128xf32, #tpu.memory_space<hbm>>) dst(%arg43 : memref<88x128xf32, #tpu.memory_space<vmem_shared>>)
          tpu.yield
        }) : () -> ()
        "tpu.region"() ({
          %run_scoped3A = tpu.sem_alloc : memref<!tpu.dma_semaphore, #tpu.memory_space<semaphore_mem>>
          tpu.enqueue_dma source(%arg22 : memref<88x128xf32, #tpu.memory_space<hbm>>) target(%arg44 : memref<88x128xf32, #tpu.memory_space<vmem_shared>>) target_semaphore(%run_scoped3A : memref<!tpu.dma_semaphore, #tpu.memory_space<semaphore_mem>>)
          tpu.wait_dma2 semaphore(%run_scoped3A : memref<!tpu.dma_semaphore, #tpu.memory_space<semaphore_mem>>) src(%arg22 : memref<88x128xf32, #tpu.memory_space<hbm>>) dst(%arg44 : memref<88x128xf32, #tpu.memory_space<vmem_shared>>)
          tpu.yield
        }) : () -> ()
      } else {
      }
      %mul3A_35 = arith.constant 64 : i32
      %mul3A_36 = arith.muli %arg1, %mul3A_35 : i32
      "tpu.region"() ({
        %run_scoped3A = tpu.sem_alloc : memref<!tpu.dma_semaphore, #tpu.memory_space<semaphore_mem>>
        %dma_start3A = tpu.memref_slice %arg16[%mul3A_36] : memref<1024xi32, #tpu.memory_space<hbm>> -> memref<64xi32, #tpu.memory_space<hbm>>
        %dma_start3A_56 = tpu.memref_slice %arg16[%mul3A_36] : memref<1024xi32, #tpu.memory_space<hbm>> -> memref<64xi32, #tpu.memory_space<hbm>>
        tpu.enqueue_dma source(%dma_start3A_56 : memref<64xi32, #tpu.memory_space<hbm>>) target(%arg37 : memref<64xi32, #tpu.memory_space<vmem>>) target_semaphore(%run_scoped3A : memref<!tpu.dma_semaphore, #tpu.memory_space<semaphore_mem>>)
        %dma_wait3A = tpu.memref_slice %arg16[%mul3A_36] : memref<1024xi32, #tpu.memory_space<hbm>> -> memref<64xi32, #tpu.memory_space<hbm>>
        %dma_wait3A_57 = tpu.memref_slice %arg16[%mul3A_36] : memref<1024xi32, #tpu.memory_space<hbm>> -> memref<64xi32, #tpu.memory_space<hbm>>
        tpu.wait_dma2 semaphore(%run_scoped3A : memref<!tpu.dma_semaphore, #tpu.memory_space<semaphore_mem>>) src(%dma_wait3A_57 : memref<64xi32, #tpu.memory_space<hbm>>) dst(%arg37 : memref<64xi32, #tpu.memory_space<vmem>>)
        tpu.yield
      }) : () -> ()
      %mul3A_37 = arith.constant 64 : i32
      %mul3A_38 = arith.muli %arg1, %mul3A_37 : i32
      "tpu.region"() ({
        %run_scoped3A = tpu.sem_alloc : memref<!tpu.dma_semaphore, #tpu.memory_space<semaphore_mem>>
        %dma_start3A = tpu.memref_slice %arg17[%mul3A_38] : memref<1024xi32, #tpu.memory_space<hbm>> -> memref<64xi32, #tpu.memory_space<hbm>>
        %dma_start3A_56 = tpu.memref_slice %arg17[%mul3A_38] : memref<1024xi32, #tpu.memory_space<hbm>> -> memref<64xi32, #tpu.memory_space<hbm>>
        tpu.enqueue_dma source(%dma_start3A_56 : memref<64xi32, #tpu.memory_space<hbm>>) target(%arg38 : memref<64xi32, #tpu.memory_space<vmem>>) target_semaphore(%run_scoped3A : memref<!tpu.dma_semaphore, #tpu.memory_space<semaphore_mem>>)
        %dma_wait3A = tpu.memref_slice %arg17[%mul3A_38] : memref<1024xi32, #tpu.memory_space<hbm>> -> memref<64xi32, #tpu.memory_space<hbm>>
        %dma_wait3A_57 = tpu.memref_slice %arg17[%mul3A_38] : memref<1024xi32, #tpu.memory_space<hbm>> -> memref<64xi32, #tpu.memory_space<hbm>>
        tpu.wait_dma2 semaphore(%run_scoped3A : memref<!tpu.dma_semaphore, #tpu.memory_space<semaphore_mem>>) src(%dma_wait3A_57 : memref<64xi32, #tpu.memory_space<hbm>>) dst(%arg38 : memref<64xi32, #tpu.memory_space<vmem>>)
        tpu.yield
      }) : () -> ()
      "tpu.region"() ({
        %run_scoped3A = tpu.sem_alloc : memref<!tpu.dma_semaphore, #tpu.memory_space<semaphore_mem>>
        %dma_start3A = arith.constant 0 : i32
        %dma_start3A_56 = arith.constant 0 : i32
        %dma_start3A_57 = tpu.memref_slice %arg12[%dma_start3A, %dma_start3A_56] : memref<85x128xf32, #tpu.memory_space<hbm>> -> memref<85x128xf32, #tpu.memory_space<hbm>>
        tpu.enqueue_indirect_dma source(%dma_start3A_57 : memref<85x128xf32, #tpu.memory_space<hbm>>) target(%arg30 : memref<64x128xf32, #tpu.memory_space<vmem>>) offsets(%arg37 : memref<64xi32, #tpu.memory_space<vmem>>) semaphore(%run_scoped3A : memref<!tpu.dma_semaphore, #tpu.memory_space<semaphore_mem>>)
        %dma_wait3A = arith.constant 0 : i32
        %dma_wait3A_58 = arith.constant 0 : i32
        %dma_wait3A_59 = tpu.memref_slice %arg12[%dma_wait3A, %dma_wait3A_58] : memref<85x128xf32, #tpu.memory_space<hbm>> -> memref<85x128xf32, #tpu.memory_space<hbm>>
        tpu.wait_indirect_dma semaphore(%run_scoped3A : memref<!tpu.dma_semaphore, #tpu.memory_space<semaphore_mem>>) src(%dma_wait3A_59 : memref<85x128xf32, #tpu.memory_space<hbm>>) dst(%arg30 : memref<64x128xf32, #tpu.memory_space<vmem>>)
        tpu.yield
      }) : () -> ()
      %mul3A_39 = arith.constant 64 : i32
      %mul3A_40 = arith.muli %arg1, %mul3A_39 : i32
      "tpu.region"() ({
        %run_scoped3A = tpu.sem_alloc : memref<!tpu.dma_semaphore, #tpu.memory_space<semaphore_mem>>
        %dma_start3A = arith.constant 0 : i32
        %dma_start3A_56 = tpu.memref_slice %arg14[%mul3A_40, %dma_start3A] : memref<1024x128xf32, #tpu.memory_space<hbm>> -> memref<64x128xf32, #tpu.memory_space<hbm>>
        %dma_start3A_57 = arith.constant 0 : i32
        %dma_start3A_58 = tpu.memref_slice %arg14[%mul3A_40, %dma_start3A_57] : memref<1024x128xf32, #tpu.memory_space<hbm>> -> memref<64x128xf32, #tpu.memory_space<hbm>>
        tpu.enqueue_dma source(%dma_start3A_58 : memref<64x128xf32, #tpu.memory_space<hbm>>) target(%arg31 : memref<64x128xf32, #tpu.memory_space<vmem>>) target_semaphore(%run_scoped3A : memref<!tpu.dma_semaphore, #tpu.memory_space<semaphore_mem>>)
        %dma_wait3A = arith.constant 0 : i32
        %dma_wait3A_59 = tpu.memref_slice %arg14[%mul3A_40, %dma_wait3A] : memref<1024x128xf32, #tpu.memory_space<hbm>> -> memref<64x128xf32, #tpu.memory_space<hbm>>
        %dma_wait3A_60 = arith.constant 0 : i32
        %dma_wait3A_61 = tpu.memref_slice %arg14[%mul3A_40, %dma_wait3A_60] : memref<1024x128xf32, #tpu.memory_space<hbm>> -> memref<64x128xf32, #tpu.memory_space<hbm>>
        tpu.wait_dma2 semaphore(%run_scoped3A : memref<!tpu.dma_semaphore, #tpu.memory_space<semaphore_mem>>) src(%dma_wait3A_61 : memref<64x128xf32, #tpu.memory_space<hbm>>) dst(%arg31 : memref<64x128xf32, #tpu.memory_space<vmem>>)
        tpu.yield
      }) : () -> ()
      %mul3A_41 = arith.constant 64 : i32
      %mul3A_42 = arith.muli %arg1, %mul3A_41 : i32
      "tpu.region"() ({
        %run_scoped3A = tpu.sem_alloc : memref<!tpu.dma_semaphore, #tpu.memory_space<semaphore_mem>>
        %dma_start3A = arith.constant 0 : i32
        %dma_start3A_56 = tpu.memref_slice %arg15[%mul3A_42, %dma_start3A] : memref<1024x128xf32, #tpu.memory_space<hbm>> -> memref<64x128xf32, #tpu.memory_space<hbm>>
        %dma_start3A_57 = arith.constant 0 : i32
        %dma_start3A_58 = tpu.memref_slice %arg15[%mul3A_42, %dma_start3A_57] : memref<1024x128xf32, #tpu.memory_space<hbm>> -> memref<64x128xf32, #tpu.memory_space<hbm>>
        tpu.enqueue_dma source(%dma_start3A_58 : memref<64x128xf32, #tpu.memory_space<hbm>>) target(%arg33 : memref<64x128xf32, #tpu.memory_space<vmem>>) target_semaphore(%run_scoped3A : memref<!tpu.dma_semaphore, #tpu.memory_space<semaphore_mem>>)
        %dma_wait3A = arith.constant 0 : i32
        %dma_wait3A_59 = tpu.memref_slice %arg15[%mul3A_42, %dma_wait3A] : memref<1024x128xf32, #tpu.memory_space<hbm>> -> memref<64x128xf32, #tpu.memory_space<hbm>>
        %dma_wait3A_60 = arith.constant 0 : i32
        %dma_wait3A_61 = tpu.memref_slice %arg15[%mul3A_42, %dma_wait3A_60] : memref<1024x128xf32, #tpu.memory_space<hbm>> -> memref<64x128xf32, #tpu.memory_space<hbm>>
        tpu.wait_dma2 semaphore(%run_scoped3A : memref<!tpu.dma_semaphore, #tpu.memory_space<semaphore_mem>>) src(%dma_wait3A_61 : memref<64x128xf32, #tpu.memory_space<hbm>>) dst(%arg33 : memref<64x128xf32, #tpu.memory_space<vmem>>)
        tpu.yield
      }) : () -> ()
      %barrier3A_43 = arith.constant 0 : index
      tpu.barrier barrier_id(%barrier3A_43)
      %scan3A_44 = arith.constant 0 : i32
      %scan3A_45 = arith.constant 0 : i32
      %scan3A_46 = arith.constant 64 : i32
      %scan3A_47 = arith.addi %scan3A_45, %scan3A_46 : i32
      %scan3A_48 = arith.constant 1 : i32
      scf.for %scan3A_56 = %scan3A_45 to %scan3A_47 step %scan3A_48  : i32 {
        %get3A = arith.index_cast %scan3A_56 : i32 to index
        %get3A_57 = arith.constant 0 : index
        %get3A_58 = tpu.vector_load %arg30[%get3A, %get3A_57] {strides = array<i32>} : memref<64x128xf32, #tpu.memory_space<vmem>>, vector<1x16xf32>,
        %get3A_59 = vector.shape_cast %get3A_58 : vector<1x16xf32> to vector<16xf32>
        %get3A_60 = arith.index_cast %scan3A_56 : i32 to index
        %get3A_61 = arith.constant 0 : index
        %get3A_62 = tpu.vector_load %arg31[%get3A_60, %get3A_61] {strides = array<i32>} : memref<64x128xf32, #tpu.memory_space<vmem>>, vector<1x16xf32>,
        %get3A_63 = vector.shape_cast %get3A_62 : vector<1x16xf32> to vector<16xf32>
        %mul3A_64 = arith.mulf %get3A_59, %get3A_63 : vector<16xf32>
        %swap3A = arith.index_cast %scan3A_56 : i32 to index
        %swap3A_65 = arith.constant 0 : index
        %swap3A_66 = tpu.vector_load %arg30[%swap3A, %swap3A_65] {strides = array<i32>} : memref<64x128xf32, #tpu.memory_space<vmem>>, vector<1x16xf32>,
        %swap3A_67 = vector.shape_cast %swap3A_66 : vector<1x16xf32> to vector<16xf32>
        %swap3A_68 = vector.shape_cast %mul3A_64 : vector<16xf32> to vector<1x16xf32>
        tpu.vector_store %arg30[%swap3A, %swap3A_65], %swap3A_68 {strides = array<i32>} : memref<64x128xf32, #tpu.memory_space<vmem>>, vector<1x16xf32>,
        %get3A_69 = arith.index_cast %scan3A_56 : i32 to index
        %get3A_70 = arith.constant 16 : index
        %get3A_71 = tpu.vector_load %arg30[%get3A_69, %get3A_70] {strides = array<i32>} : memref<64x128xf32, #tpu.memory_space<vmem>>, vector<1x16xf32>,
        %get3A_72 = vector.shape_cast %get3A_71 : vector<1x16xf32> to vector<16xf32>
        %get3A_73 = arith.index_cast %scan3A_56 : i32 to index
        %get3A_74 = arith.constant 16 : index
        %get3A_75 = tpu.vector_load %arg31[%get3A_73, %get3A_74] {strides = array<i32>} : memref<64x128xf32, #tpu.memory_space<vmem>>, vector<1x16xf32>,
        %get3A_76 = vector.shape_cast %get3A_75 : vector<1x16xf32> to vector<16xf32>
        %mul3A_77 = arith.mulf %get3A_72, %get3A_76 : vector<16xf32>
        %swap3A_78 = arith.index_cast %scan3A_56 : i32 to index
        %swap3A_79 = arith.constant 16 : index
        %swap3A_80 = tpu.vector_load %arg30[%swap3A_78, %swap3A_79] {strides = array<i32>} : memref<64x128xf32, #tpu.memory_space<vmem>>, vector<1x16xf32>,
        %swap3A_81 = vector.shape_cast %swap3A_80 : vector<1x16xf32> to vector<16xf32>
        %swap3A_82 = vector.shape_cast %mul3A_77 : vector<16xf32> to vector<1x16xf32>
        tpu.vector_store %arg30[%swap3A_78, %swap3A_79], %swap3A_82 {strides = array<i32>} : memref<64x128xf32, #tpu.memory_space<vmem>>, vector<1x16xf32>,
        %get3A_83 = arith.index_cast %scan3A_56 : i32 to index
        %get3A_84 = arith.constant 32 : index
        %get3A_85 = tpu.vector_load %arg30[%get3A_83, %get3A_84] {strides = array<i32>} : memref<64x128xf32, #tpu.memory_space<vmem>>, vector<1x16xf32>,
        %get3A_86 = vector.shape_cast %get3A_85 : vector<1x16xf32> to vector<16xf32>
        %get3A_87 = arith.index_cast %scan3A_56 : i32 to index
        %get3A_88 = arith.constant 32 : index
        %get3A_89 = tpu.vector_load %arg31[%get3A_87, %get3A_88] {strides = array<i32>} : memref<64x128xf32, #tpu.memory_space<vmem>>, vector<1x16xf32>,
        %get3A_90 = vector.shape_cast %get3A_89 : vector<1x16xf32> to vector<16xf32>
        %mul3A_91 = arith.mulf %get3A_86, %get3A_90 : vector<16xf32>
        %swap3A_92 = arith.index_cast %scan3A_56 : i32 to index
        %swap3A_93 = arith.constant 32 : index
        %swap3A_94 = tpu.vector_load %arg30[%swap3A_92, %swap3A_93] {strides = array<i32>} : memref<64x128xf32, #tpu.memory_space<vmem>>, vector<1x16xf32>,
        %swap3A_95 = vector.shape_cast %swap3A_94 : vector<1x16xf32> to vector<16xf32>
        %swap3A_96 = vector.shape_cast %mul3A_91 : vector<16xf32> to vector<1x16xf32>
        tpu.vector_store %arg30[%swap3A_92, %swap3A_93], %swap3A_96 {strides = array<i32>} : memref<64x128xf32, #tpu.memory_space<vmem>>, vector<1x16xf32>,
        %get3A_97 = arith.index_cast %scan3A_56 : i32 to index
        %get3A_98 = arith.constant 48 : index
        %get3A_99 = tpu.vector_load %arg30[%get3A_97, %get3A_98] {strides = array<i32>} : memref<64x128xf32, #tpu.memory_space<vmem>>, vector<1x16xf32>,
        %get3A_100 = vector.shape_cast %get3A_99 : vector<1x16xf32> to vector<16xf32>
        %get3A_101 = arith.index_cast %scan3A_56 : i32 to index
        %get3A_102 = arith.constant 48 : index
        %get3A_103 = tpu.vector_load %arg31[%get3A_101, %get3A_102] {strides = array<i32>} : memref<64x128xf32, #tpu.memory_space<vmem>>, vector<1x16xf32>,
        %get3A_104 = vector.shape_cast %get3A_103 : vector<1x16xf32> to vector<16xf32>
        %mul3A_105 = arith.mulf %get3A_100, %get3A_104 : vector<16xf32>
        %swap3A_106 = arith.index_cast %scan3A_56 : i32 to index
        %swap3A_107 = arith.constant 48 : index
        %swap3A_108 = tpu.vector_load %arg30[%swap3A_106, %swap3A_107] {strides = array<i32>} : memref<64x128xf32, #tpu.memory_space<vmem>>, vector<1x16xf32>,
        %swap3A_109 = vector.shape_cast %swap3A_108 : vector<1x16xf32> to vector<16xf32>
        %swap3A_110 = vector.shape_cast %mul3A_105 : vector<16xf32> to vector<1x16xf32>
        tpu.vector_store %arg30[%swap3A_106, %swap3A_107], %swap3A_110 {strides = array<i32>} : memref<64x128xf32, #tpu.memory_space<vmem>>, vector<1x16xf32>,
        %get3A_111 = arith.index_cast %scan3A_56 : i32 to index
        %get3A_112 = arith.constant 64 : index
        %get3A_113 = tpu.vector_load %arg30[%get3A_111, %get3A_112] {strides = array<i32>} : memref<64x128xf32, #tpu.memory_space<vmem>>, vector<1x16xf32>,
        %get3A_114 = vector.shape_cast %get3A_113 : vector<1x16xf32> to vector<16xf32>
        %get3A_115 = arith.index_cast %scan3A_56 : i32 to index
        %get3A_116 = arith.constant 64 : index
        %get3A_117 = tpu.vector_load %arg31[%get3A_115, %get3A_116] {strides = array<i32>} : memref<64x128xf32, #tpu.memory_space<vmem>>, vector<1x16xf32>,
        %get3A_118 = vector.shape_cast %get3A_117 : vector<1x16xf32> to vector<16xf32>
        %mul3A_119 = arith.mulf %get3A_114, %get3A_118 : vector<16xf32>
        %swap3A_120 = arith.index_cast %scan3A_56 : i32 to index
        %swap3A_121 = arith.constant 64 : index
        %swap3A_122 = tpu.vector_load %arg30[%swap3A_120, %swap3A_121] {strides = array<i32>} : memref<64x128xf32, #tpu.memory_space<vmem>>, vector<1x16xf32>,
        %swap3A_123 = vector.shape_cast %swap3A_122 : vector<1x16xf32> to vector<16xf32>
        %swap3A_124 = vector.shape_cast %mul3A_119 : vector<16xf32> to vector<1x16xf32>
        tpu.vector_store %arg30[%swap3A_120, %swap3A_121], %swap3A_124 {strides = array<i32>} : memref<64x128xf32, #tpu.memory_space<vmem>>, vector<1x16xf32>,
        %get3A_125 = arith.index_cast %scan3A_56 : i32 to index
        %get3A_126 = arith.constant 80 : index
        %get3A_127 = tpu.vector_load %arg30[%get3A_125, %get3A_126] {strides = array<i32>} : memref<64x128xf32, #tpu.memory_space<vmem>>, vector<1x16xf32>,
        %get3A_128 = vector.shape_cast %get3A_127 : vector<1x16xf32> to vector<16xf32>
        %get3A_129 = arith.index_cast %scan3A_56 : i32 to index
        %get3A_130 = arith.constant 80 : index
        %get3A_131 = tpu.vector_load %arg31[%get3A_129, %get3A_130] {strides = array<i32>} : memref<64x128xf32, #tpu.memory_space<vmem>>, vector<1x16xf32>,
        %get3A_132 = vector.shape_cast %get3A_131 : vector<1x16xf32> to vector<16xf32>
        %mul3A_133 = arith.mulf %get3A_128, %get3A_132 : vector<16xf32>
        %swap3A_134 = arith.index_cast %scan3A_56 : i32 to index
        %swap3A_135 = arith.constant 80 : index
        %swap3A_136 = tpu.vector_load %arg30[%swap3A_134, %swap3A_135] {strides = array<i32>} : memref<64x128xf32, #tpu.memory_space<vmem>>, vector<1x16xf32>,
        %swap3A_137 = vector.shape_cast %swap3A_136 : vector<1x16xf32> to vector<16xf32>
        %swap3A_138 = vector.shape_cast %mul3A_133 : vector<16xf32> to vector<1x16xf32>
        tpu.vector_store %arg30[%swap3A_134, %swap3A_135], %swap3A_138 {strides = array<i32>} : memref<64x128xf32, #tpu.memory_space<vmem>>, vector<1x16xf32>,
        %get3A_139 = arith.index_cast %scan3A_56 : i32 to index
        %get3A_140 = arith.constant 96 : index
        %get3A_141 = tpu.vector_load %arg30[%get3A_139, %get3A_140] {strides = array<i32>} : memref<64x128xf32, #tpu.memory_space<vmem>>, vector<1x16xf32>,
        %get3A_142 = vector.shape_cast %get3A_141 : vector<1x16xf32> to vector<16xf32>
        %get3A_143 = arith.index_cast %scan3A_56 : i32 to index
        %get3A_144 = arith.constant 96 : index
        %get3A_145 = tpu.vector_load %arg31[%get3A_143, %get3A_144] {strides = array<i32>} : memref<64x128xf32, #tpu.memory_space<vmem>>, vector<1x16xf32>,
        %get3A_146 = vector.shape_cast %get3A_145 : vector<1x16xf32> to vector<16xf32>
        %mul3A_147 = arith.mulf %get3A_142, %get3A_146 : vector<16xf32>
        %swap3A_148 = arith.index_cast %scan3A_56 : i32 to index
        %swap3A_149 = arith.constant 96 : index
        %swap3A_150 = tpu.vector_load %arg30[%swap3A_148, %swap3A_149] {strides = array<i32>} : memref<64x128xf32, #tpu.memory_space<vmem>>, vector<1x16xf32>,
        %swap3A_151 = vector.shape_cast %swap3A_150 : vector<1x16xf32> to vector<16xf32>
        %swap3A_152 = vector.shape_cast %mul3A_147 : vector<16xf32> to vector<1x16xf32>
        tpu.vector_store %arg30[%swap3A_148, %swap3A_149], %swap3A_152 {strides = array<i32>} : memref<64x128xf32, #tpu.memory_space<vmem>>, vector<1x16xf32>,
        %get3A_153 = arith.index_cast %scan3A_56 : i32 to index
        %get3A_154 = arith.constant 112 : index
        %get3A_155 = tpu.vector_load %arg30[%get3A_153, %get3A_154] {strides = array<i32>} : memref<64x128xf32, #tpu.memory_space<vmem>>, vector<1x16xf32>,
        %get3A_156 = vector.shape_cast %get3A_155 : vector<1x16xf32> to vector<16xf32>
        %get3A_157 = arith.index_cast %scan3A_56 : i32 to index
        %get3A_158 = arith.constant 112 : index
        %get3A_159 = tpu.vector_load %arg31[%get3A_157, %get3A_158] {strides = array<i32>} : memref<64x128xf32, #tpu.memory_space<vmem>>, vector<1x16xf32>,
        %get3A_160 = vector.shape_cast %get3A_159 : vector<1x16xf32> to vector<16xf32>
        %mul3A_161 = arith.mulf %get3A_156, %get3A_160 : vector<16xf32>
        %swap3A_162 = arith.index_cast %scan3A_56 : i32 to index
        %swap3A_163 = arith.constant 112 : index
        %swap3A_164 = tpu.vector_load %arg30[%swap3A_162, %swap3A_163] {strides = array<i32>} : memref<64x128xf32, #tpu.memory_space<vmem>>, vector<1x16xf32>,
        %swap3A_165 = vector.shape_cast %swap3A_164 : vector<1x16xf32> to vector<16xf32>
        %swap3A_166 = vector.shape_cast %mul3A_161 : vector<16xf32> to vector<1x16xf32>
        tpu.vector_store %arg30[%swap3A_162, %swap3A_163], %swap3A_166 {strides = array<i32>} : memref<64x128xf32, #tpu.memory_space<vmem>>, vector<1x16xf32>,
      }
      %scan3A_49 = arith.constant 64 : i32
      "tpu.region"() ({
        %run_scoped3A = tpu.sem_alloc : memref<!tpu.dma_semaphore, #tpu.memory_space<semaphore_mem>>
        %dma_start3A = arith.constant 0 : i32
        %dma_start3A_56 = arith.constant 0 : i32
        %dma_start3A_57 = tpu.memref_slice %arg43[%dma_start3A, %dma_start3A_56] : memref<88x128xf32, #tpu.memory_space<vmem_shared>> -> memref<88x128xf32, #tpu.memory_space<vmem_shared>>
        tpu.enqueue_indirect_dma source(%arg30 : memref<64x128xf32, #tpu.memory_space<vmem>>) target(%dma_start3A_57 : memref<88x128xf32, #tpu.memory_space<vmem_shared>>) offsets(%arg38 : memref<64xi32, #tpu.memory_space<vmem>>) semaphore(%run_scoped3A : memref<!tpu.dma_semaphore, #tpu.memory_space<semaphore_mem>>) {add = true}
        %dma_wait3A = arith.constant 0 : i32
        %dma_wait3A_58 = arith.constant 0 : i32
        %dma_wait3A_59 = tpu.memref_slice %arg43[%dma_wait3A, %dma_wait3A_58] : memref<88x128xf32, #tpu.memory_space<vmem_shared>> -> memref<88x128xf32, #tpu.memory_space<vmem_shared>>
        tpu.wait_indirect_dma semaphore(%run_scoped3A : memref<!tpu.dma_semaphore, #tpu.memory_space<semaphore_mem>>) src(%arg30 : memref<64x128xf32, #tpu.memory_space<vmem>>) dst(%dma_wait3A_59 : memref<88x128xf32, #tpu.memory_space<vmem_shared>>)
        tpu.yield
      }) : () -> ()
      "tpu.region"() ({
        %run_scoped3A = tpu.sem_alloc : memref<!tpu.dma_semaphore, #tpu.memory_space<semaphore_mem>>
        %dma_start3A = arith.constant 0 : i32
        %dma_start3A_56 = arith.constant 0 : i32
        %dma_start3A_57 = tpu.memref_slice %arg44[%dma_start3A, %dma_start3A_56] : memref<88x128xf32, #tpu.memory_space<vmem_shared>> -> memref<88x128xf32, #tpu.memory_space<vmem_shared>>
        tpu.enqueue_indirect_dma source(%arg33 : memref<64x128xf32, #tpu.memory_space<vmem>>) target(%dma_start3A_57 : memref<88x128xf32, #tpu.memory_space<vmem_shared>>) offsets(%arg38 : memref<64xi32, #tpu.memory_space<vmem>>) semaphore(%run_scoped3A : memref<!tpu.dma_semaphore, #tpu.memory_space<semaphore_mem>>) {add = true}
        %dma_wait3A = arith.constant 0 : i32
        %dma_wait3A_58 = arith.constant 0 : i32
        %dma_wait3A_59 = tpu.memref_slice %arg44[%dma_wait3A, %dma_wait3A_58] : memref<88x128xf32, #tpu.memory_space<vmem_shared>> -> memref<88x128xf32, #tpu.memory_space<vmem_shared>>
        tpu.wait_indirect_dma semaphore(%run_scoped3A : memref<!tpu.dma_semaphore, #tpu.memory_space<semaphore_mem>>) src(%arg33 : memref<64x128xf32, #tpu.memory_space<vmem>>) dst(%dma_wait3A_59 : memref<88x128xf32, #tpu.memory_space<vmem_shared>>)
        tpu.yield
      }) : () -> ()
      %barrier3A_50 = arith.constant 0 : index
      tpu.barrier barrier_id(%barrier3A_50)
      %eq3A_51 = arith.constant 0 : i32
      %eq3A_52 = arith.cmpi eq, %arg1, %eq3A_51 : i32
      %convert_element_type3A_53 = arith.extui %eq3A_52 : i1 to i32
      %cond3A_54 = arith.constant 0 : i32
      %cond3A_55 = arith.cmpi ne, %convert_element_type3A_53, %cond3A_54 : i32
      scf.if %cond3A_55 {
        "tpu.region"() ({
          %run_scoped3A = tpu.sem_alloc : memref<!tpu.dma_semaphore, #tpu.memory_space<semaphore_mem>>
          tpu.enqueue_dma source(%arg43 : memref<88x128xf32, #tpu.memory_space<vmem_shared>>) target(%arg26 : memref<88x128xf32, #tpu.memory_space<hbm>>) target_semaphore(%run_scoped3A : memref<!tpu.dma_semaphore, #tpu.memory_space<semaphore_mem>>)
          tpu.wait_dma2 semaphore(%run_scoped3A : memref<!tpu.dma_semaphore, #tpu.memory_space<semaphore_mem>>) src(%arg43 : memref<88x128xf32, #tpu.memory_space<vmem_shared>>) dst(%arg26 : memref<88x128xf32, #tpu.memory_space<hbm>>)
          tpu.yield
        }) : () -> ()
        "tpu.region"() ({
          %run_scoped3A = tpu.sem_alloc : memref<!tpu.dma_semaphore, #tpu.memory_space<semaphore_mem>>
          tpu.enqueue_dma source(%arg44 : memref<88x128xf32, #tpu.memory_space<vmem_shared>>) target(%arg27 : memref<88x128xf32, #tpu.memory_space<hbm>>) target_semaphore(%run_scoped3A : memref<!tpu.dma_semaphore, #tpu.memory_space<semaphore_mem>>)
          tpu.wait_dma2 semaphore(%run_scoped3A : memref<!tpu.dma_semaphore, #tpu.memory_space<semaphore_mem>>) src(%arg44 : memref<88x128xf32, #tpu.memory_space<vmem_shared>>) dst(%arg27 : memref<88x128xf32, #tpu.memory_space<hbm>>)
          tpu.yield
        }) : () -> ()
      } else {
      }
    } else {
    }
    %eq3A_2 = arith.constant 1 : i32
    %eq3A_3 = arith.cmpi eq, %arg0, %eq3A_2 : i32
    %convert_element_type3A_4 = arith.extui %eq3A_3 : i1 to i32
    %cond3A_5 = arith.constant 0 : i32
    %cond3A_6 = arith.cmpi ne, %convert_element_type3A_4, %cond3A_5 : i32
    scf.if %cond3A_6 {
      %eq3A_7 = arith.constant 0 : i32
      %eq3A_8 = arith.cmpi eq, %arg1, %eq3A_7 : i32
      %convert_element_type3A_9 = arith.extui %eq3A_8 : i1 to i32
      %cond3A_10 = arith.constant 0 : i32
      %cond3A_11 = arith.cmpi ne, %convert_element_type3A_9, %cond3A_10 : i32
      scf.if %cond3A_11 {
        "tpu.region"() ({
          %run_scoped3A = tpu.sem_alloc : memref<!tpu.dma_semaphore, #tpu.memory_space<semaphore_mem>>
          tpu.enqueue_dma source(%arg23 : memref<440x128xf32, #tpu.memory_space<hbm>>) target(%arg42 : memref<440x128xf32, #tpu.memory_space<vmem_shared>>) target_semaphore(%run_scoped3A : memref<!tpu.dma_semaphore, #tpu.memory_space<semaphore_mem>>)
          tpu.wait_dma2 semaphore(%run_scoped3A : memref<!tpu.dma_semaphore, #tpu.memory_space<semaphore_mem>>) src(%arg23 : memref<440x128xf32, #tpu.memory_space<hbm>>) dst(%arg42 : memref<440x128xf32, #tpu.memory_space<vmem_shared>>)
          tpu.yield
        }) : () -> ()
      } else {
      }
      %mul3A = arith.constant 224 : i32
      %mul3A_12 = arith.muli %arg1, %mul3A : i32
      "tpu.region"() ({
        %run_scoped3A = tpu.sem_alloc : memref<!tpu.dma_semaphore, #tpu.memory_space<semaphore_mem>>
        %dma_start3A = tpu.memref_slice %arg10[%mul3A_12] : memref<3584xi32, #tpu.memory_space<hbm>> -> memref<224xi32, #tpu.memory_space<hbm>>
        %dma_start3A_56 = tpu.memref_slice %arg10[%mul3A_12] : memref<3584xi32, #tpu.memory_space<hbm>> -> memref<224xi32, #tpu.memory_space<hbm>>
        tpu.enqueue_dma source(%dma_start3A_56 : memref<224xi32, #tpu.memory_space<hbm>>) target(%arg39 : memref<224xi32, #tpu.memory_space<vmem>>) target_semaphore(%run_scoped3A : memref<!tpu.dma_semaphore, #tpu.memory_space<semaphore_mem>>)
        %dma_wait3A = tpu.memref_slice %arg10[%mul3A_12] : memref<3584xi32, #tpu.memory_space<hbm>> -> memref<224xi32, #tpu.memory_space<hbm>>
        %dma_wait3A_57 = tpu.memref_slice %arg10[%mul3A_12] : memref<3584xi32, #tpu.memory_space<hbm>> -> memref<224xi32, #tpu.memory_space<hbm>>
        tpu.wait_dma2 semaphore(%run_scoped3A : memref<!tpu.dma_semaphore, #tpu.memory_space<semaphore_mem>>) src(%dma_wait3A_57 : memref<224xi32, #tpu.memory_space<hbm>>) dst(%arg39 : memref<224xi32, #tpu.memory_space<vmem>>)
        tpu.yield
      }) : () -> ()
      %mul3A_13 = arith.constant 224 : i32
      %mul3A_14 = arith.muli %arg1, %mul3A_13 : i32
      "tpu.region"() ({
        %run_scoped3A = tpu.sem_alloc : memref<!tpu.dma_semaphore, #tpu.memory_space<semaphore_mem>>
        %dma_start3A = tpu.memref_slice %arg11[%mul3A_14] : memref<3584xi32, #tpu.memory_space<hbm>> -> memref<224xi32, #tpu.memory_space<hbm>>
        %dma_start3A_56 = tpu.memref_slice %arg11[%mul3A_14] : memref<3584xi32, #tpu.memory_space<hbm>> -> memref<224xi32, #tpu.memory_space<hbm>>
        tpu.enqueue_dma source(%dma_start3A_56 : memref<224xi32, #tpu.memory_space<hbm>>) target(%arg40 : memref<224xi32, #tpu.memory_space<vmem>>) target_semaphore(%run_scoped3A : memref<!tpu.dma_semaphore, #tpu.memory_space<semaphore_mem>>)
        %dma_wait3A = tpu.memref_slice %arg11[%mul3A_14] : memref<3584xi32, #tpu.memory_space<hbm>> -> memref<224xi32, #tpu.memory_space<hbm>>
        %dma_wait3A_57 = tpu.memref_slice %arg11[%mul3A_14] : memref<3584xi32, #tpu.memory_space<hbm>> -> memref<224xi32, #tpu.memory_space<hbm>>
        tpu.wait_dma2 semaphore(%run_scoped3A : memref<!tpu.dma_semaphore, #tpu.memory_space<semaphore_mem>>) src(%dma_wait3A_57 : memref<224xi32, #tpu.memory_space<hbm>>) dst(%arg40 : memref<224xi32, #tpu.memory_space<vmem>>)
        tpu.yield
      }) : () -> ()
      "tpu.region"() ({
        %run_scoped3A = tpu.sem_alloc : memref<!tpu.dma_semaphore, #tpu.memory_space<semaphore_mem>>
        %dma_start3A = arith.constant 0 : i32
        %dma_start3A_56 = arith.constant 0 : i32
        %dma_start3A_57 = tpu.memref_slice %arg7[%dma_start3A, %dma_start3A_56] : memref<438x128xf32, #tpu.memory_space<hbm>> -> memref<438x128xf32, #tpu.memory_space<hbm>>
        tpu.enqueue_indirect_dma source(%dma_start3A_57 : memref<438x128xf32, #tpu.memory_space<hbm>>) target(%arg34 : memref<224x128xf32, #tpu.memory_space<vmem>>) offsets(%arg39 : memref<224xi32, #tpu.memory_space<vmem>>) semaphore(%run_scoped3A : memref<!tpu.dma_semaphore, #tpu.memory_space<semaphore_mem>>)
        %dma_wait3A = arith.constant 0 : i32
        %dma_wait3A_58 = arith.constant 0 : i32
        %dma_wait3A_59 = tpu.memref_slice %arg7[%dma_wait3A, %dma_wait3A_58] : memref<438x128xf32, #tpu.memory_space<hbm>> -> memref<438x128xf32, #tpu.memory_space<hbm>>
        tpu.wait_indirect_dma semaphore(%run_scoped3A : memref<!tpu.dma_semaphore, #tpu.memory_space<semaphore_mem>>) src(%dma_wait3A_59 : memref<438x128xf32, #tpu.memory_space<hbm>>) dst(%arg34 : memref<224x128xf32, #tpu.memory_space<vmem>>)
        tpu.yield
      }) : () -> ()
      %mul3A_15 = arith.constant 224 : i32
      %mul3A_16 = arith.muli %arg1, %mul3A_15 : i32
      "tpu.region"() ({
        %run_scoped3A = tpu.sem_alloc : memref<!tpu.dma_semaphore, #tpu.memory_space<semaphore_mem>>
        %dma_start3A = arith.constant 0 : i32
        %dma_start3A_56 = tpu.memref_slice %arg8[%mul3A_16, %dma_start3A] : memref<3584x128xf32, #tpu.memory_space<hbm>> -> memref<224x128xf32, #tpu.memory_space<hbm>>
        %dma_start3A_57 = arith.constant 0 : i32
        %dma_start3A_58 = tpu.memref_slice %arg8[%mul3A_16, %dma_start3A_57] : memref<3584x128xf32, #tpu.memory_space<hbm>> -> memref<224x128xf32, #tpu.memory_space<hbm>>
        tpu.enqueue_dma source(%dma_start3A_58 : memref<224x128xf32, #tpu.memory_space<hbm>>) target(%arg35 : memref<224x128xf32, #tpu.memory_space<vmem>>) target_semaphore(%run_scoped3A : memref<!tpu.dma_semaphore, #tpu.memory_space<semaphore_mem>>)
        %dma_wait3A = arith.constant 0 : i32
        %dma_wait3A_59 = tpu.memref_slice %arg8[%mul3A_16, %dma_wait3A] : memref<3584x128xf32, #tpu.memory_space<hbm>> -> memref<224x128xf32, #tpu.memory_space<hbm>>
        %dma_wait3A_60 = arith.constant 0 : i32
        %dma_wait3A_61 = tpu.memref_slice %arg8[%mul3A_16, %dma_wait3A_60] : memref<3584x128xf32, #tpu.memory_space<hbm>> -> memref<224x128xf32, #tpu.memory_space<hbm>>
        tpu.wait_dma2 semaphore(%run_scoped3A : memref<!tpu.dma_semaphore, #tpu.memory_space<semaphore_mem>>) src(%dma_wait3A_61 : memref<224x128xf32, #tpu.memory_space<hbm>>) dst(%arg35 : memref<224x128xf32, #tpu.memory_space<vmem>>)
        tpu.yield
      }) : () -> ()
      %mul3A_17 = arith.constant 224 : i32
      %mul3A_18 = arith.muli %arg1, %mul3A_17 : i32
      "tpu.region"() ({
        %run_scoped3A = tpu.sem_alloc : memref<!tpu.dma_semaphore, #tpu.memory_space<semaphore_mem>>
        %dma_start3A = arith.constant 0 : i32
        %dma_start3A_56 = tpu.memref_slice %arg9[%mul3A_18, %dma_start3A] : memref<3584x128xf32, #tpu.memory_space<hbm>> -> memref<224x128xf32, #tpu.memory_space<hbm>>
        %dma_start3A_57 = arith.constant 0 : i32
        %dma_start3A_58 = tpu.memref_slice %arg9[%mul3A_18, %dma_start3A_57] : memref<3584x128xf32, #tpu.memory_space<hbm>> -> memref<224x128xf32, #tpu.memory_space<hbm>>
        tpu.enqueue_dma source(%dma_start3A_58 : memref<224x128xf32, #tpu.memory_space<hbm>>) target(%arg36 : memref<224x128xf32, #tpu.memory_space<vmem>>) target_semaphore(%run_scoped3A : memref<!tpu.dma_semaphore, #tpu.memory_space<semaphore_mem>>)
        %dma_wait3A = arith.constant 0 : i32
        %dma_wait3A_59 = tpu.memref_slice %arg9[%mul3A_18, %dma_wait3A] : memref<3584x128xf32, #tpu.memory_space<hbm>> -> memref<224x128xf32, #tpu.memory_space<hbm>>
        %dma_wait3A_60 = arith.constant 0 : i32
        %dma_wait3A_61 = tpu.memref_slice %arg9[%mul3A_18, %dma_wait3A_60] : memref<3584x128xf32, #tpu.memory_space<hbm>> -> memref<224x128xf32, #tpu.memory_space<hbm>>
        tpu.wait_dma2 semaphore(%run_scoped3A : memref<!tpu.dma_semaphore, #tpu.memory_space<semaphore_mem>>) src(%dma_wait3A_61 : memref<224x128xf32, #tpu.memory_space<hbm>>) dst(%arg36 : memref<224x128xf32, #tpu.memory_space<vmem>>)
        tpu.yield
      }) : () -> ()
      %barrier3A = arith.constant 0 : index
      tpu.barrier barrier_id(%barrier3A)
      %scan3A = arith.constant 0 : i32
      %scan3A_19 = arith.constant 0 : i32
      %scan3A_20 = arith.constant 224 : i32
      %scan3A_21 = arith.addi %scan3A_19, %scan3A_20 : i32
      %scan3A_22 = arith.constant 1 : i32
      scf.for %scan3A_56 = %scan3A_19 to %scan3A_21 step %scan3A_22  : i32 {
        %get3A = arith.index_cast %scan3A_56 : i32 to index
        %get3A_57 = arith.constant 0 : index
        %get3A_58 = tpu.vector_load %arg34[%get3A, %get3A_57] {strides = array<i32>} : memref<224x128xf32, #tpu.memory_space<vmem>>, vector<1x16xf32>,
        %get3A_59 = vector.shape_cast %get3A_58 : vector<1x16xf32> to vector<16xf32>
        %get3A_60 = arith.index_cast %scan3A_56 : i32 to index
        %get3A_61 = arith.constant 0 : index
        %get3A_62 = tpu.vector_load %arg35[%get3A_60, %get3A_61] {strides = array<i32>} : memref<224x128xf32, #tpu.memory_space<vmem>>, vector<1x16xf32>,
        %get3A_63 = vector.shape_cast %get3A_62 : vector<1x16xf32> to vector<16xf32>
        %mul3A_64 = arith.mulf %get3A_59, %get3A_63 : vector<16xf32>
        %get3A_65 = arith.index_cast %scan3A_56 : i32 to index
        %get3A_66 = arith.constant 0 : index
        %get3A_67 = tpu.vector_load %arg36[%get3A_65, %get3A_66] {strides = array<i32>} : memref<224x128xf32, #tpu.memory_space<vmem>>, vector<1x16xf32>,
        %get3A_68 = vector.shape_cast %get3A_67 : vector<1x16xf32> to vector<16xf32>
        %add3A = arith.addf %mul3A_64, %get3A_68 : vector<16xf32>
        %swap3A = arith.index_cast %scan3A_56 : i32 to index
        %swap3A_69 = arith.constant 0 : index
        %swap3A_70 = tpu.vector_load %arg34[%swap3A, %swap3A_69] {strides = array<i32>} : memref<224x128xf32, #tpu.memory_space<vmem>>, vector<1x16xf32>,
        %swap3A_71 = vector.shape_cast %swap3A_70 : vector<1x16xf32> to vector<16xf32>
        %swap3A_72 = vector.shape_cast %add3A : vector<16xf32> to vector<1x16xf32>
        tpu.vector_store %arg34[%swap3A, %swap3A_69], %swap3A_72 {strides = array<i32>} : memref<224x128xf32, #tpu.memory_space<vmem>>, vector<1x16xf32>,
        %get3A_73 = arith.index_cast %scan3A_56 : i32 to index
        %get3A_74 = arith.constant 16 : index
        %get3A_75 = tpu.vector_load %arg34[%get3A_73, %get3A_74] {strides = array<i32>} : memref<224x128xf32, #tpu.memory_space<vmem>>, vector<1x16xf32>,
        %get3A_76 = vector.shape_cast %get3A_75 : vector<1x16xf32> to vector<16xf32>
        %get3A_77 = arith.index_cast %scan3A_56 : i32 to index
        %get3A_78 = arith.constant 16 : index
        %get3A_79 = tpu.vector_load %arg35[%get3A_77, %get3A_78] {strides = array<i32>} : memref<224x128xf32, #tpu.memory_space<vmem>>, vector<1x16xf32>,
        %get3A_80 = vector.shape_cast %get3A_79 : vector<1x16xf32> to vector<16xf32>
        %mul3A_81 = arith.mulf %get3A_76, %get3A_80 : vector<16xf32>
        %get3A_82 = arith.index_cast %scan3A_56 : i32 to index
        %get3A_83 = arith.constant 16 : index
        %get3A_84 = tpu.vector_load %arg36[%get3A_82, %get3A_83] {strides = array<i32>} : memref<224x128xf32, #tpu.memory_space<vmem>>, vector<1x16xf32>,
        %get3A_85 = vector.shape_cast %get3A_84 : vector<1x16xf32> to vector<16xf32>
        %add3A_86 = arith.addf %mul3A_81, %get3A_85 : vector<16xf32>
        %swap3A_87 = arith.index_cast %scan3A_56 : i32 to index
        %swap3A_88 = arith.constant 16 : index
        %swap3A_89 = tpu.vector_load %arg34[%swap3A_87, %swap3A_88] {strides = array<i32>} : memref<224x128xf32, #tpu.memory_space<vmem>>, vector<1x16xf32>,
        %swap3A_90 = vector.shape_cast %swap3A_89 : vector<1x16xf32> to vector<16xf32>
        %swap3A_91 = vector.shape_cast %add3A_86 : vector<16xf32> to vector<1x16xf32>
        tpu.vector_store %arg34[%swap3A_87, %swap3A_88], %swap3A_91 {strides = array<i32>} : memref<224x128xf32, #tpu.memory_space<vmem>>, vector<1x16xf32>,
        %get3A_92 = arith.index_cast %scan3A_56 : i32 to index
        %get3A_93 = arith.constant 32 : index
        %get3A_94 = tpu.vector_load %arg34[%get3A_92, %get3A_93] {strides = array<i32>} : memref<224x128xf32, #tpu.memory_space<vmem>>, vector<1x16xf32>,
        %get3A_95 = vector.shape_cast %get3A_94 : vector<1x16xf32> to vector<16xf32>
        %get3A_96 = arith.index_cast %scan3A_56 : i32 to index
        %get3A_97 = arith.constant 32 : index
        %get3A_98 = tpu.vector_load %arg35[%get3A_96, %get3A_97] {strides = array<i32>} : memref<224x128xf32, #tpu.memory_space<vmem>>, vector<1x16xf32>,
        %get3A_99 = vector.shape_cast %get3A_98 : vector<1x16xf32> to vector<16xf32>
        %mul3A_100 = arith.mulf %get3A_95, %get3A_99 : vector<16xf32>
        %get3A_101 = arith.index_cast %scan3A_56 : i32 to index
        %get3A_102 = arith.constant 32 : index
        %get3A_103 = tpu.vector_load %arg36[%get3A_101, %get3A_102] {strides = array<i32>} : memref<224x128xf32, #tpu.memory_space<vmem>>, vector<1x16xf32>,
        %get3A_104 = vector.shape_cast %get3A_103 : vector<1x16xf32> to vector<16xf32>
        %add3A_105 = arith.addf %mul3A_100, %get3A_104 : vector<16xf32>
        %swap3A_106 = arith.index_cast %scan3A_56 : i32 to index
        %swap3A_107 = arith.constant 32 : index
        %swap3A_108 = tpu.vector_load %arg34[%swap3A_106, %swap3A_107] {strides = array<i32>} : memref<224x128xf32, #tpu.memory_space<vmem>>, vector<1x16xf32>,
        %swap3A_109 = vector.shape_cast %swap3A_108 : vector<1x16xf32> to vector<16xf32>
        %swap3A_110 = vector.shape_cast %add3A_105 : vector<16xf32> to vector<1x16xf32>
        tpu.vector_store %arg34[%swap3A_106, %swap3A_107], %swap3A_110 {strides = array<i32>} : memref<224x128xf32, #tpu.memory_space<vmem>>, vector<1x16xf32>,
        %get3A_111 = arith.index_cast %scan3A_56 : i32 to index
        %get3A_112 = arith.constant 48 : index
        %get3A_113 = tpu.vector_load %arg34[%get3A_111, %get3A_112] {strides = array<i32>} : memref<224x128xf32, #tpu.memory_space<vmem>>, vector<1x16xf32>,
        %get3A_114 = vector.shape_cast %get3A_113 : vector<1x16xf32> to vector<16xf32>
        %get3A_115 = arith.index_cast %scan3A_56 : i32 to index
        %get3A_116 = arith.constant 48 : index
        %get3A_117 = tpu.vector_load %arg35[%get3A_115, %get3A_116] {strides = array<i32>} : memref<224x128xf32, #tpu.memory_space<vmem>>, vector<1x16xf32>,
        %get3A_118 = vector.shape_cast %get3A_117 : vector<1x16xf32> to vector<16xf32>
        %mul3A_119 = arith.mulf %get3A_114, %get3A_118 : vector<16xf32>
        %get3A_120 = arith.index_cast %scan3A_56 : i32 to index
        %get3A_121 = arith.constant 48 : index
        %get3A_122 = tpu.vector_load %arg36[%get3A_120, %get3A_121] {strides = array<i32>} : memref<224x128xf32, #tpu.memory_space<vmem>>, vector<1x16xf32>,
        %get3A_123 = vector.shape_cast %get3A_122 : vector<1x16xf32> to vector<16xf32>
        %add3A_124 = arith.addf %mul3A_119, %get3A_123 : vector<16xf32>
        %swap3A_125 = arith.index_cast %scan3A_56 : i32 to index
        %swap3A_126 = arith.constant 48 : index
        %swap3A_127 = tpu.vector_load %arg34[%swap3A_125, %swap3A_126] {strides = array<i32>} : memref<224x128xf32, #tpu.memory_space<vmem>>, vector<1x16xf32>,
        %swap3A_128 = vector.shape_cast %swap3A_127 : vector<1x16xf32> to vector<16xf32>
        %swap3A_129 = vector.shape_cast %add3A_124 : vector<16xf32> to vector<1x16xf32>
        tpu.vector_store %arg34[%swap3A_125, %swap3A_126], %swap3A_129 {strides = array<i32>} : memref<224x128xf32, #tpu.memory_space<vmem>>, vector<1x16xf32>,
        %get3A_130 = arith.index_cast %scan3A_56 : i32 to index
        %get3A_131 = arith.constant 64 : index
        %get3A_132 = tpu.vector_load %arg34[%get3A_130, %get3A_131] {strides = array<i32>} : memref<224x128xf32, #tpu.memory_space<vmem>>, vector<1x16xf32>,
        %get3A_133 = vector.shape_cast %get3A_132 : vector<1x16xf32> to vector<16xf32>
        %get3A_134 = arith.index_cast %scan3A_56 : i32 to index
        %get3A_135 = arith.constant 64 : index
        %get3A_136 = tpu.vector_load %arg35[%get3A_134, %get3A_135] {strides = array<i32>} : memref<224x128xf32, #tpu.memory_space<vmem>>, vector<1x16xf32>,
        %get3A_137 = vector.shape_cast %get3A_136 : vector<1x16xf32> to vector<16xf32>
        %mul3A_138 = arith.mulf %get3A_133, %get3A_137 : vector<16xf32>
        %get3A_139 = arith.index_cast %scan3A_56 : i32 to index
        %get3A_140 = arith.constant 64 : index
        %get3A_141 = tpu.vector_load %arg36[%get3A_139, %get3A_140] {strides = array<i32>} : memref<224x128xf32, #tpu.memory_space<vmem>>, vector<1x16xf32>,
        %get3A_142 = vector.shape_cast %get3A_141 : vector<1x16xf32> to vector<16xf32>
        %add3A_143 = arith.addf %mul3A_138, %get3A_142 : vector<16xf32>
        %swap3A_144 = arith.index_cast %scan3A_56 : i32 to index
        %swap3A_145 = arith.constant 64 : index
        %swap3A_146 = tpu.vector_load %arg34[%swap3A_144, %swap3A_145] {strides = array<i32>} : memref<224x128xf32, #tpu.memory_space<vmem>>, vector<1x16xf32>,
        %swap3A_147 = vector.shape_cast %swap3A_146 : vector<1x16xf32> to vector<16xf32>
        %swap3A_148 = vector.shape_cast %add3A_143 : vector<16xf32> to vector<1x16xf32>
        tpu.vector_store %arg34[%swap3A_144, %swap3A_145], %swap3A_148 {strides = array<i32>} : memref<224x128xf32, #tpu.memory_space<vmem>>, vector<1x16xf32>,
        %get3A_149 = arith.index_cast %scan3A_56 : i32 to index
        %get3A_150 = arith.constant 80 : index
        %get3A_151 = tpu.vector_load %arg34[%get3A_149, %get3A_150] {strides = array<i32>} : memref<224x128xf32, #tpu.memory_space<vmem>>, vector<1x16xf32>,
        %get3A_152 = vector.shape_cast %get3A_151 : vector<1x16xf32> to vector<16xf32>
        %get3A_153 = arith.index_cast %scan3A_56 : i32 to index
        %get3A_154 = arith.constant 80 : index
        %get3A_155 = tpu.vector_load %arg35[%get3A_153, %get3A_154] {strides = array<i32>} : memref<224x128xf32, #tpu.memory_space<vmem>>, vector<1x16xf32>,
        %get3A_156 = vector.shape_cast %get3A_155 : vector<1x16xf32> to vector<16xf32>
        %mul3A_157 = arith.mulf %get3A_152, %get3A_156 : vector<16xf32>
        %get3A_158 = arith.index_cast %scan3A_56 : i32 to index
        %get3A_159 = arith.constant 80 : index
        %get3A_160 = tpu.vector_load %arg36[%get3A_158, %get3A_159] {strides = array<i32>} : memref<224x128xf32, #tpu.memory_space<vmem>>, vector<1x16xf32>,
        %get3A_161 = vector.shape_cast %get3A_160 : vector<1x16xf32> to vector<16xf32>
        %add3A_162 = arith.addf %mul3A_157, %get3A_161 : vector<16xf32>
        %swap3A_163 = arith.index_cast %scan3A_56 : i32 to index
        %swap3A_164 = arith.constant 80 : index
        %swap3A_165 = tpu.vector_load %arg34[%swap3A_163, %swap3A_164] {strides = array<i32>} : memref<224x128xf32, #tpu.memory_space<vmem>>, vector<1x16xf32>,
        %swap3A_166 = vector.shape_cast %swap3A_165 : vector<1x16xf32> to vector<16xf32>
        %swap3A_167 = vector.shape_cast %add3A_162 : vector<16xf32> to vector<1x16xf32>
        tpu.vector_store %arg34[%swap3A_163, %swap3A_164], %swap3A_167 {strides = array<i32>} : memref<224x128xf32, #tpu.memory_space<vmem>>, vector<1x16xf32>,
        %get3A_168 = arith.index_cast %scan3A_56 : i32 to index
        %get3A_169 = arith.constant 96 : index
        %get3A_170 = tpu.vector_load %arg34[%get3A_168, %get3A_169] {strides = array<i32>} : memref<224x128xf32, #tpu.memory_space<vmem>>, vector<1x16xf32>,
        %get3A_171 = vector.shape_cast %get3A_170 : vector<1x16xf32> to vector<16xf32>
        %get3A_172 = arith.index_cast %scan3A_56 : i32 to index
        %get3A_173 = arith.constant 96 : index
        %get3A_174 = tpu.vector_load %arg35[%get3A_172, %get3A_173] {strides = array<i32>} : memref<224x128xf32, #tpu.memory_space<vmem>>, vector<1x16xf32>,
        %get3A_175 = vector.shape_cast %get3A_174 : vector<1x16xf32> to vector<16xf32>
        %mul3A_176 = arith.mulf %get3A_171, %get3A_175 : vector<16xf32>
        %get3A_177 = arith.index_cast %scan3A_56 : i32 to index
        %get3A_178 = arith.constant 96 : index
        %get3A_179 = tpu.vector_load %arg36[%get3A_177, %get3A_178] {strides = array<i32>} : memref<224x128xf32, #tpu.memory_space<vmem>>, vector<1x16xf32>,
        %get3A_180 = vector.shape_cast %get3A_179 : vector<1x16xf32> to vector<16xf32>
        %add3A_181 = arith.addf %mul3A_176, %get3A_180 : vector<16xf32>
        %swap3A_182 = arith.index_cast %scan3A_56 : i32 to index
        %swap3A_183 = arith.constant 96 : index
        %swap3A_184 = tpu.vector_load %arg34[%swap3A_182, %swap3A_183] {strides = array<i32>} : memref<224x128xf32, #tpu.memory_space<vmem>>, vector<1x16xf32>,
        %swap3A_185 = vector.shape_cast %swap3A_184 : vector<1x16xf32> to vector<16xf32>
        %swap3A_186 = vector.shape_cast %add3A_181 : vector<16xf32> to vector<1x16xf32>
        tpu.vector_store %arg34[%swap3A_182, %swap3A_183], %swap3A_186 {strides = array<i32>} : memref<224x128xf32, #tpu.memory_space<vmem>>, vector<1x16xf32>,
        %get3A_187 = arith.index_cast %scan3A_56 : i32 to index
        %get3A_188 = arith.constant 112 : index
        %get3A_189 = tpu.vector_load %arg34[%get3A_187, %get3A_188] {strides = array<i32>} : memref<224x128xf32, #tpu.memory_space<vmem>>, vector<1x16xf32>,
        %get3A_190 = vector.shape_cast %get3A_189 : vector<1x16xf32> to vector<16xf32>
        %get3A_191 = arith.index_cast %scan3A_56 : i32 to index
        %get3A_192 = arith.constant 112 : index
        %get3A_193 = tpu.vector_load %arg35[%get3A_191, %get3A_192] {strides = array<i32>} : memref<224x128xf32, #tpu.memory_space<vmem>>, vector<1x16xf32>,
        %get3A_194 = vector.shape_cast %get3A_193 : vector<1x16xf32> to vector<16xf32>
        %mul3A_195 = arith.mulf %get3A_190, %get3A_194 : vector<16xf32>
        %get3A_196 = arith.index_cast %scan3A_56 : i32 to index
        %get3A_197 = arith.constant 112 : index
        %get3A_198 = tpu.vector_load %arg36[%get3A_196, %get3A_197] {strides = array<i32>} : memref<224x128xf32, #tpu.memory_space<vmem>>, vector<1x16xf32>,
        %get3A_199 = vector.shape_cast %get3A_198 : vector<1x16xf32> to vector<16xf32>
        %add3A_200 = arith.addf %mul3A_195, %get3A_199 : vector<16xf32>
        %swap3A_201 = arith.index_cast %scan3A_56 : i32 to index
        %swap3A_202 = arith.constant 112 : index
        %swap3A_203 = tpu.vector_load %arg34[%swap3A_201, %swap3A_202] {strides = array<i32>} : memref<224x128xf32, #tpu.memory_space<vmem>>, vector<1x16xf32>,
        %swap3A_204 = vector.shape_cast %swap3A_203 : vector<1x16xf32> to vector<16xf32>
        %swap3A_205 = vector.shape_cast %add3A_200 : vector<16xf32> to vector<1x16xf32>
        tpu.vector_store %arg34[%swap3A_201, %swap3A_202], %swap3A_205 {strides = array<i32>} : memref<224x128xf32, #tpu.memory_space<vmem>>, vector<1x16xf32>,
      }
      %scan3A_23 = arith.constant 224 : i32
      "tpu.region"() ({
        %run_scoped3A = tpu.sem_alloc : memref<!tpu.dma_semaphore, #tpu.memory_space<semaphore_mem>>
        %dma_start3A = arith.constant 0 : i32
        %dma_start3A_56 = arith.constant 0 : i32
        %dma_start3A_57 = tpu.memref_slice %arg42[%dma_start3A, %dma_start3A_56] : memref<440x128xf32, #tpu.memory_space<vmem_shared>> -> memref<440x128xf32, #tpu.memory_space<vmem_shared>>
        tpu.enqueue_indirect_dma source(%arg34 : memref<224x128xf32, #tpu.memory_space<vmem>>) target(%dma_start3A_57 : memref<440x128xf32, #tpu.memory_space<vmem_shared>>) offsets(%arg40 : memref<224xi32, #tpu.memory_space<vmem>>) semaphore(%run_scoped3A : memref<!tpu.dma_semaphore, #tpu.memory_space<semaphore_mem>>) {add = true}
        %dma_wait3A = arith.constant 0 : i32
        %dma_wait3A_58 = arith.constant 0 : i32
        %dma_wait3A_59 = tpu.memref_slice %arg42[%dma_wait3A, %dma_wait3A_58] : memref<440x128xf32, #tpu.memory_space<vmem_shared>> -> memref<440x128xf32, #tpu.memory_space<vmem_shared>>
        tpu.wait_indirect_dma semaphore(%run_scoped3A : memref<!tpu.dma_semaphore, #tpu.memory_space<semaphore_mem>>) src(%arg34 : memref<224x128xf32, #tpu.memory_space<vmem>>) dst(%dma_wait3A_59 : memref<440x128xf32, #tpu.memory_space<vmem_shared>>)
        tpu.yield
      }) : () -> ()
      %barrier3A_24 = arith.constant 0 : index
      tpu.barrier barrier_id(%barrier3A_24)
      %eq3A_25 = arith.constant 0 : i32
      %eq3A_26 = arith.cmpi eq, %arg1, %eq3A_25 : i32
      %convert_element_type3A_27 = arith.extui %eq3A_26 : i1 to i32
      %cond3A_28 = arith.constant 0 : i32
      %cond3A_29 = arith.cmpi ne, %convert_element_type3A_27, %cond3A_28 : i32
      scf.if %cond3A_29 {
        "tpu.region"() ({
          %run_scoped3A = tpu.sem_alloc : memref<!tpu.dma_semaphore, #tpu.memory_space<semaphore_mem>>
          tpu.enqueue_dma source(%arg42 : memref<440x128xf32, #tpu.memory_space<vmem_shared>>) target(%arg25 : memref<440x128xf32, #tpu.memory_space<hbm>>) target_semaphore(%run_scoped3A : memref<!tpu.dma_semaphore, #tpu.memory_space<semaphore_mem>>)
          tpu.wait_dma2 semaphore(%run_scoped3A : memref<!tpu.dma_semaphore, #tpu.memory_space<semaphore_mem>>) src(%arg42 : memref<440x128xf32, #tpu.memory_space<vmem_shared>>) dst(%arg25 : memref<440x128xf32, #tpu.memory_space<hbm>>)
          tpu.yield
        }) : () -> ()
      } else {
      }
      %eq3A_30 = arith.constant 0 : i32
      %eq3A_31 = arith.cmpi eq, %arg1, %eq3A_30 : i32
      %convert_element_type3A_32 = arith.extui %eq3A_31 : i1 to i32
      %cond3A_33 = arith.constant 0 : i32
      %cond3A_34 = arith.cmpi ne, %convert_element_type3A_32, %cond3A_33 : i32
      scf.if %cond3A_34 {
        "tpu.region"() ({
          %run_scoped3A = tpu.sem_alloc : memref<!tpu.dma_semaphore, #tpu.memory_space<semaphore_mem>>
          tpu.enqueue_dma source(%arg22 : memref<88x128xf32, #tpu.memory_space<hbm>>) target(%arg45 : memref<88x128xf32, #tpu.memory_space<vmem_shared>>) target_semaphore(%run_scoped3A : memref<!tpu.dma_semaphore, #tpu.memory_space<semaphore_mem>>)
          tpu.wait_dma2 semaphore(%run_scoped3A : memref<!tpu.dma_semaphore, #tpu.memory_space<semaphore_mem>>) src(%arg22 : memref<88x128xf32, #tpu.memory_space<hbm>>) dst(%arg45 : memref<88x128xf32, #tpu.memory_space<vmem_shared>>)
          tpu.yield
        }) : () -> ()
        "tpu.region"() ({
          %run_scoped3A = tpu.sem_alloc : memref<!tpu.dma_semaphore, #tpu.memory_space<semaphore_mem>>
          tpu.enqueue_dma source(%arg22 : memref<88x128xf32, #tpu.memory_space<hbm>>) target(%arg46 : memref<88x128xf32, #tpu.memory_space<vmem_shared>>) target_semaphore(%run_scoped3A : memref<!tpu.dma_semaphore, #tpu.memory_space<semaphore_mem>>)
          tpu.wait_dma2 semaphore(%run_scoped3A : memref<!tpu.dma_semaphore, #tpu.memory_space<semaphore_mem>>) src(%arg22 : memref<88x128xf32, #tpu.memory_space<hbm>>) dst(%arg46 : memref<88x128xf32, #tpu.memory_space<vmem_shared>>)
          tpu.yield
        }) : () -> ()
      } else {
      }
      %mul3A_35 = arith.constant 64 : i32
      %mul3A_36 = arith.muli %arg1, %mul3A_35 : i32
      "tpu.region"() ({
        %run_scoped3A = tpu.sem_alloc : memref<!tpu.dma_semaphore, #tpu.memory_space<semaphore_mem>>
        %dma_start3A = tpu.memref_slice %arg20[%mul3A_36] : memref<1024xi32, #tpu.memory_space<hbm>> -> memref<64xi32, #tpu.memory_space<hbm>>
        %dma_start3A_56 = tpu.memref_slice %arg20[%mul3A_36] : memref<1024xi32, #tpu.memory_space<hbm>> -> memref<64xi32, #tpu.memory_space<hbm>>
        tpu.enqueue_dma source(%dma_start3A_56 : memref<64xi32, #tpu.memory_space<hbm>>) target(%arg37 : memref<64xi32, #tpu.memory_space<vmem>>) target_semaphore(%run_scoped3A : memref<!tpu.dma_semaphore, #tpu.memory_space<semaphore_mem>>)
        %dma_wait3A = tpu.memref_slice %arg20[%mul3A_36] : memref<1024xi32, #tpu.memory_space<hbm>> -> memref<64xi32, #tpu.memory_space<hbm>>
        %dma_wait3A_57 = tpu.memref_slice %arg20[%mul3A_36] : memref<1024xi32, #tpu.memory_space<hbm>> -> memref<64xi32, #tpu.memory_space<hbm>>
        tpu.wait_dma2 semaphore(%run_scoped3A : memref<!tpu.dma_semaphore, #tpu.memory_space<semaphore_mem>>) src(%dma_wait3A_57 : memref<64xi32, #tpu.memory_space<hbm>>) dst(%arg37 : memref<64xi32, #tpu.memory_space<vmem>>)
        tpu.yield
      }) : () -> ()
      %mul3A_37 = arith.constant 64 : i32
      %mul3A_38 = arith.muli %arg1, %mul3A_37 : i32
      "tpu.region"() ({
        %run_scoped3A = tpu.sem_alloc : memref<!tpu.dma_semaphore, #tpu.memory_space<semaphore_mem>>
        %dma_start3A = tpu.memref_slice %arg21[%mul3A_38] : memref<1024xi32, #tpu.memory_space<hbm>> -> memref<64xi32, #tpu.memory_space<hbm>>
        %dma_start3A_56 = tpu.memref_slice %arg21[%mul3A_38] : memref<1024xi32, #tpu.memory_space<hbm>> -> memref<64xi32, #tpu.memory_space<hbm>>
        tpu.enqueue_dma source(%dma_start3A_56 : memref<64xi32, #tpu.memory_space<hbm>>) target(%arg38 : memref<64xi32, #tpu.memory_space<vmem>>) target_semaphore(%run_scoped3A : memref<!tpu.dma_semaphore, #tpu.memory_space<semaphore_mem>>)
        %dma_wait3A = tpu.memref_slice %arg21[%mul3A_38] : memref<1024xi32, #tpu.memory_space<hbm>> -> memref<64xi32, #tpu.memory_space<hbm>>
        %dma_wait3A_57 = tpu.memref_slice %arg21[%mul3A_38] : memref<1024xi32, #tpu.memory_space<hbm>> -> memref<64xi32, #tpu.memory_space<hbm>>
        tpu.wait_dma2 semaphore(%run_scoped3A : memref<!tpu.dma_semaphore, #tpu.memory_space<semaphore_mem>>) src(%dma_wait3A_57 : memref<64xi32, #tpu.memory_space<hbm>>) dst(%arg38 : memref<64xi32, #tpu.memory_space<vmem>>)
        tpu.yield
      }) : () -> ()
      "tpu.region"() ({
        %run_scoped3A = tpu.sem_alloc : memref<!tpu.dma_semaphore, #tpu.memory_space<semaphore_mem>>
        %dma_start3A = arith.constant 0 : i32
        %dma_start3A_56 = arith.constant 0 : i32
        %dma_start3A_57 = tpu.memref_slice %arg13[%dma_start3A, %dma_start3A_56] : memref<60x128xf32, #tpu.memory_space<hbm>> -> memref<60x128xf32, #tpu.memory_space<hbm>>
        tpu.enqueue_indirect_dma source(%dma_start3A_57 : memref<60x128xf32, #tpu.memory_space<hbm>>) target(%arg30 : memref<64x128xf32, #tpu.memory_space<vmem>>) offsets(%arg37 : memref<64xi32, #tpu.memory_space<vmem>>) semaphore(%run_scoped3A : memref<!tpu.dma_semaphore, #tpu.memory_space<semaphore_mem>>)
        %dma_wait3A = arith.constant 0 : i32
        %dma_wait3A_58 = arith.constant 0 : i32
        %dma_wait3A_59 = tpu.memref_slice %arg13[%dma_wait3A, %dma_wait3A_58] : memref<60x128xf32, #tpu.memory_space<hbm>> -> memref<60x128xf32, #tpu.memory_space<hbm>>
        tpu.wait_indirect_dma semaphore(%run_scoped3A : memref<!tpu.dma_semaphore, #tpu.memory_space<semaphore_mem>>) src(%dma_wait3A_59 : memref<60x128xf32, #tpu.memory_space<hbm>>) dst(%arg30 : memref<64x128xf32, #tpu.memory_space<vmem>>)
        tpu.yield
      }) : () -> ()
      %mul3A_39 = arith.constant 64 : i32
      %mul3A_40 = arith.muli %arg1, %mul3A_39 : i32
      "tpu.region"() ({
        %run_scoped3A = tpu.sem_alloc : memref<!tpu.dma_semaphore, #tpu.memory_space<semaphore_mem>>
        %dma_start3A = arith.constant 0 : i32
        %dma_start3A_56 = tpu.memref_slice %arg18[%mul3A_40, %dma_start3A] : memref<1024x128xf32, #tpu.memory_space<hbm>> -> memref<64x128xf32, #tpu.memory_space<hbm>>
        %dma_start3A_57 = arith.constant 0 : i32
        %dma_start3A_58 = tpu.memref_slice %arg18[%mul3A_40, %dma_start3A_57] : memref<1024x128xf32, #tpu.memory_space<hbm>> -> memref<64x128xf32, #tpu.memory_space<hbm>>
        tpu.enqueue_dma source(%dma_start3A_58 : memref<64x128xf32, #tpu.memory_space<hbm>>) target(%arg31 : memref<64x128xf32, #tpu.memory_space<vmem>>) target_semaphore(%run_scoped3A : memref<!tpu.dma_semaphore, #tpu.memory_space<semaphore_mem>>)
        %dma_wait3A = arith.constant 0 : i32
        %dma_wait3A_59 = tpu.memref_slice %arg18[%mul3A_40, %dma_wait3A] : memref<1024x128xf32, #tpu.memory_space<hbm>> -> memref<64x128xf32, #tpu.memory_space<hbm>>
        %dma_wait3A_60 = arith.constant 0 : i32
        %dma_wait3A_61 = tpu.memref_slice %arg18[%mul3A_40, %dma_wait3A_60] : memref<1024x128xf32, #tpu.memory_space<hbm>> -> memref<64x128xf32, #tpu.memory_space<hbm>>
        tpu.wait_dma2 semaphore(%run_scoped3A : memref<!tpu.dma_semaphore, #tpu.memory_space<semaphore_mem>>) src(%dma_wait3A_61 : memref<64x128xf32, #tpu.memory_space<hbm>>) dst(%arg31 : memref<64x128xf32, #tpu.memory_space<vmem>>)
        tpu.yield
      }) : () -> ()
      %mul3A_41 = arith.constant 64 : i32
      %mul3A_42 = arith.muli %arg1, %mul3A_41 : i32
      "tpu.region"() ({
        %run_scoped3A = tpu.sem_alloc : memref<!tpu.dma_semaphore, #tpu.memory_space<semaphore_mem>>
        %dma_start3A = arith.constant 0 : i32
        %dma_start3A_56 = tpu.memref_slice %arg19[%mul3A_42, %dma_start3A] : memref<1024x128xf32, #tpu.memory_space<hbm>> -> memref<64x128xf32, #tpu.memory_space<hbm>>
        %dma_start3A_57 = arith.constant 0 : i32
        %dma_start3A_58 = tpu.memref_slice %arg19[%mul3A_42, %dma_start3A_57] : memref<1024x128xf32, #tpu.memory_space<hbm>> -> memref<64x128xf32, #tpu.memory_space<hbm>>
        tpu.enqueue_dma source(%dma_start3A_58 : memref<64x128xf32, #tpu.memory_space<hbm>>) target(%arg33 : memref<64x128xf32, #tpu.memory_space<vmem>>) target_semaphore(%run_scoped3A : memref<!tpu.dma_semaphore, #tpu.memory_space<semaphore_mem>>)
        %dma_wait3A = arith.constant 0 : i32
        %dma_wait3A_59 = tpu.memref_slice %arg19[%mul3A_42, %dma_wait3A] : memref<1024x128xf32, #tpu.memory_space<hbm>> -> memref<64x128xf32, #tpu.memory_space<hbm>>
        %dma_wait3A_60 = arith.constant 0 : i32
        %dma_wait3A_61 = tpu.memref_slice %arg19[%mul3A_42, %dma_wait3A_60] : memref<1024x128xf32, #tpu.memory_space<hbm>> -> memref<64x128xf32, #tpu.memory_space<hbm>>
        tpu.wait_dma2 semaphore(%run_scoped3A : memref<!tpu.dma_semaphore, #tpu.memory_space<semaphore_mem>>) src(%dma_wait3A_61 : memref<64x128xf32, #tpu.memory_space<hbm>>) dst(%arg33 : memref<64x128xf32, #tpu.memory_space<vmem>>)
        tpu.yield
      }) : () -> ()
      %barrier3A_43 = arith.constant 0 : index
      tpu.barrier barrier_id(%barrier3A_43)
      %scan3A_44 = arith.constant 0 : i32
      %scan3A_45 = arith.constant 0 : i32
      %scan3A_46 = arith.constant 64 : i32
      %scan3A_47 = arith.addi %scan3A_45, %scan3A_46 : i32
      %scan3A_48 = arith.constant 1 : i32
      scf.for %scan3A_56 = %scan3A_45 to %scan3A_47 step %scan3A_48  : i32 {
        %get3A = arith.index_cast %scan3A_56 : i32 to index
        %get3A_57 = arith.constant 0 : index
        %get3A_58 = tpu.vector_load %arg30[%get3A, %get3A_57] {strides = array<i32>} : memref<64x128xf32, #tpu.memory_space<vmem>>, vector<1x16xf32>,
        %get3A_59 = vector.shape_cast %get3A_58 : vector<1x16xf32> to vector<16xf32>
        %get3A_60 = arith.index_cast %scan3A_56 : i32 to index
        %get3A_61 = arith.constant 0 : index
        %get3A_62 = tpu.vector_load %arg31[%get3A_60, %get3A_61] {strides = array<i32>} : memref<64x128xf32, #tpu.memory_space<vmem>>, vector<1x16xf32>,
        %get3A_63 = vector.shape_cast %get3A_62 : vector<1x16xf32> to vector<16xf32>
        %mul3A_64 = arith.mulf %get3A_59, %get3A_63 : vector<16xf32>
        %swap3A = arith.index_cast %scan3A_56 : i32 to index
        %swap3A_65 = arith.constant 0 : index
        %swap3A_66 = tpu.vector_load %arg30[%swap3A, %swap3A_65] {strides = array<i32>} : memref<64x128xf32, #tpu.memory_space<vmem>>, vector<1x16xf32>,
        %swap3A_67 = vector.shape_cast %swap3A_66 : vector<1x16xf32> to vector<16xf32>
        %swap3A_68 = vector.shape_cast %mul3A_64 : vector<16xf32> to vector<1x16xf32>
        tpu.vector_store %arg30[%swap3A, %swap3A_65], %swap3A_68 {strides = array<i32>} : memref<64x128xf32, #tpu.memory_space<vmem>>, vector<1x16xf32>,
        %get3A_69 = arith.index_cast %scan3A_56 : i32 to index
        %get3A_70 = arith.constant 16 : index
        %get3A_71 = tpu.vector_load %arg30[%get3A_69, %get3A_70] {strides = array<i32>} : memref<64x128xf32, #tpu.memory_space<vmem>>, vector<1x16xf32>,
        %get3A_72 = vector.shape_cast %get3A_71 : vector<1x16xf32> to vector<16xf32>
        %get3A_73 = arith.index_cast %scan3A_56 : i32 to index
        %get3A_74 = arith.constant 16 : index
        %get3A_75 = tpu.vector_load %arg31[%get3A_73, %get3A_74] {strides = array<i32>} : memref<64x128xf32, #tpu.memory_space<vmem>>, vector<1x16xf32>,
        %get3A_76 = vector.shape_cast %get3A_75 : vector<1x16xf32> to vector<16xf32>
        %mul3A_77 = arith.mulf %get3A_72, %get3A_76 : vector<16xf32>
        %swap3A_78 = arith.index_cast %scan3A_56 : i32 to index
        %swap3A_79 = arith.constant 16 : index
        %swap3A_80 = tpu.vector_load %arg30[%swap3A_78, %swap3A_79] {strides = array<i32>} : memref<64x128xf32, #tpu.memory_space<vmem>>, vector<1x16xf32>,
        %swap3A_81 = vector.shape_cast %swap3A_80 : vector<1x16xf32> to vector<16xf32>
        %swap3A_82 = vector.shape_cast %mul3A_77 : vector<16xf32> to vector<1x16xf32>
        tpu.vector_store %arg30[%swap3A_78, %swap3A_79], %swap3A_82 {strides = array<i32>} : memref<64x128xf32, #tpu.memory_space<vmem>>, vector<1x16xf32>,
        %get3A_83 = arith.index_cast %scan3A_56 : i32 to index
        %get3A_84 = arith.constant 32 : index
        %get3A_85 = tpu.vector_load %arg30[%get3A_83, %get3A_84] {strides = array<i32>} : memref<64x128xf32, #tpu.memory_space<vmem>>, vector<1x16xf32>,
        %get3A_86 = vector.shape_cast %get3A_85 : vector<1x16xf32> to vector<16xf32>
        %get3A_87 = arith.index_cast %scan3A_56 : i32 to index
        %get3A_88 = arith.constant 32 : index
        %get3A_89 = tpu.vector_load %arg31[%get3A_87, %get3A_88] {strides = array<i32>} : memref<64x128xf32, #tpu.memory_space<vmem>>, vector<1x16xf32>,
        %get3A_90 = vector.shape_cast %get3A_89 : vector<1x16xf32> to vector<16xf32>
        %mul3A_91 = arith.mulf %get3A_86, %get3A_90 : vector<16xf32>
        %swap3A_92 = arith.index_cast %scan3A_56 : i32 to index
        %swap3A_93 = arith.constant 32 : index
        %swap3A_94 = tpu.vector_load %arg30[%swap3A_92, %swap3A_93] {strides = array<i32>} : memref<64x128xf32, #tpu.memory_space<vmem>>, vector<1x16xf32>,
        %swap3A_95 = vector.shape_cast %swap3A_94 : vector<1x16xf32> to vector<16xf32>
        %swap3A_96 = vector.shape_cast %mul3A_91 : vector<16xf32> to vector<1x16xf32>
        tpu.vector_store %arg30[%swap3A_92, %swap3A_93], %swap3A_96 {strides = array<i32>} : memref<64x128xf32, #tpu.memory_space<vmem>>, vector<1x16xf32>,
        %get3A_97 = arith.index_cast %scan3A_56 : i32 to index
        %get3A_98 = arith.constant 48 : index
        %get3A_99 = tpu.vector_load %arg30[%get3A_97, %get3A_98] {strides = array<i32>} : memref<64x128xf32, #tpu.memory_space<vmem>>, vector<1x16xf32>,
        %get3A_100 = vector.shape_cast %get3A_99 : vector<1x16xf32> to vector<16xf32>
        %get3A_101 = arith.index_cast %scan3A_56 : i32 to index
        %get3A_102 = arith.constant 48 : index
        %get3A_103 = tpu.vector_load %arg31[%get3A_101, %get3A_102] {strides = array<i32>} : memref<64x128xf32, #tpu.memory_space<vmem>>, vector<1x16xf32>,
        %get3A_104 = vector.shape_cast %get3A_103 : vector<1x16xf32> to vector<16xf32>
        %mul3A_105 = arith.mulf %get3A_100, %get3A_104 : vector<16xf32>
        %swap3A_106 = arith.index_cast %scan3A_56 : i32 to index
        %swap3A_107 = arith.constant 48 : index
        %swap3A_108 = tpu.vector_load %arg30[%swap3A_106, %swap3A_107] {strides = array<i32>} : memref<64x128xf32, #tpu.memory_space<vmem>>, vector<1x16xf32>,
        %swap3A_109 = vector.shape_cast %swap3A_108 : vector<1x16xf32> to vector<16xf32>
        %swap3A_110 = vector.shape_cast %mul3A_105 : vector<16xf32> to vector<1x16xf32>
        tpu.vector_store %arg30[%swap3A_106, %swap3A_107], %swap3A_110 {strides = array<i32>} : memref<64x128xf32, #tpu.memory_space<vmem>>, vector<1x16xf32>,
        %get3A_111 = arith.index_cast %scan3A_56 : i32 to index
        %get3A_112 = arith.constant 64 : index
        %get3A_113 = tpu.vector_load %arg30[%get3A_111, %get3A_112] {strides = array<i32>} : memref<64x128xf32, #tpu.memory_space<vmem>>, vector<1x16xf32>,
        %get3A_114 = vector.shape_cast %get3A_113 : vector<1x16xf32> to vector<16xf32>
        %get3A_115 = arith.index_cast %scan3A_56 : i32 to index
        %get3A_116 = arith.constant 64 : index
        %get3A_117 = tpu.vector_load %arg31[%get3A_115, %get3A_116] {strides = array<i32>} : memref<64x128xf32, #tpu.memory_space<vmem>>, vector<1x16xf32>,
        %get3A_118 = vector.shape_cast %get3A_117 : vector<1x16xf32> to vector<16xf32>
        %mul3A_119 = arith.mulf %get3A_114, %get3A_118 : vector<16xf32>
        %swap3A_120 = arith.index_cast %scan3A_56 : i32 to index
        %swap3A_121 = arith.constant 64 : index
        %swap3A_122 = tpu.vector_load %arg30[%swap3A_120, %swap3A_121] {strides = array<i32>} : memref<64x128xf32, #tpu.memory_space<vmem>>, vector<1x16xf32>,
        %swap3A_123 = vector.shape_cast %swap3A_122 : vector<1x16xf32> to vector<16xf32>
        %swap3A_124 = vector.shape_cast %mul3A_119 : vector<16xf32> to vector<1x16xf32>
        tpu.vector_store %arg30[%swap3A_120, %swap3A_121], %swap3A_124 {strides = array<i32>} : memref<64x128xf32, #tpu.memory_space<vmem>>, vector<1x16xf32>,
        %get3A_125 = arith.index_cast %scan3A_56 : i32 to index
        %get3A_126 = arith.constant 80 : index
        %get3A_127 = tpu.vector_load %arg30[%get3A_125, %get3A_126] {strides = array<i32>} : memref<64x128xf32, #tpu.memory_space<vmem>>, vector<1x16xf32>,
        %get3A_128 = vector.shape_cast %get3A_127 : vector<1x16xf32> to vector<16xf32>
        %get3A_129 = arith.index_cast %scan3A_56 : i32 to index
        %get3A_130 = arith.constant 80 : index
        %get3A_131 = tpu.vector_load %arg31[%get3A_129, %get3A_130] {strides = array<i32>} : memref<64x128xf32, #tpu.memory_space<vmem>>, vector<1x16xf32>,
        %get3A_132 = vector.shape_cast %get3A_131 : vector<1x16xf32> to vector<16xf32>
        %mul3A_133 = arith.mulf %get3A_128, %get3A_132 : vector<16xf32>
        %swap3A_134 = arith.index_cast %scan3A_56 : i32 to index
        %swap3A_135 = arith.constant 80 : index
        %swap3A_136 = tpu.vector_load %arg30[%swap3A_134, %swap3A_135] {strides = array<i32>} : memref<64x128xf32, #tpu.memory_space<vmem>>, vector<1x16xf32>,
        %swap3A_137 = vector.shape_cast %swap3A_136 : vector<1x16xf32> to vector<16xf32>
        %swap3A_138 = vector.shape_cast %mul3A_133 : vector<16xf32> to vector<1x16xf32>
        tpu.vector_store %arg30[%swap3A_134, %swap3A_135], %swap3A_138 {strides = array<i32>} : memref<64x128xf32, #tpu.memory_space<vmem>>, vector<1x16xf32>,
        %get3A_139 = arith.index_cast %scan3A_56 : i32 to index
        %get3A_140 = arith.constant 96 : index
        %get3A_141 = tpu.vector_load %arg30[%get3A_139, %get3A_140] {strides = array<i32>} : memref<64x128xf32, #tpu.memory_space<vmem>>, vector<1x16xf32>,
        %get3A_142 = vector.shape_cast %get3A_141 : vector<1x16xf32> to vector<16xf32>
        %get3A_143 = arith.index_cast %scan3A_56 : i32 to index
        %get3A_144 = arith.constant 96 : index
        %get3A_145 = tpu.vector_load %arg31[%get3A_143, %get3A_144] {strides = array<i32>} : memref<64x128xf32, #tpu.memory_space<vmem>>, vector<1x16xf32>,
        %get3A_146 = vector.shape_cast %get3A_145 : vector<1x16xf32> to vector<16xf32>
        %mul3A_147 = arith.mulf %get3A_142, %get3A_146 : vector<16xf32>
        %swap3A_148 = arith.index_cast %scan3A_56 : i32 to index
        %swap3A_149 = arith.constant 96 : index
        %swap3A_150 = tpu.vector_load %arg30[%swap3A_148, %swap3A_149] {strides = array<i32>} : memref<64x128xf32, #tpu.memory_space<vmem>>, vector<1x16xf32>,
        %swap3A_151 = vector.shape_cast %swap3A_150 : vector<1x16xf32> to vector<16xf32>
        %swap3A_152 = vector.shape_cast %mul3A_147 : vector<16xf32> to vector<1x16xf32>
        tpu.vector_store %arg30[%swap3A_148, %swap3A_149], %swap3A_152 {strides = array<i32>} : memref<64x128xf32, #tpu.memory_space<vmem>>, vector<1x16xf32>,
        %get3A_153 = arith.index_cast %scan3A_56 : i32 to index
        %get3A_154 = arith.constant 112 : index
        %get3A_155 = tpu.vector_load %arg30[%get3A_153, %get3A_154] {strides = array<i32>} : memref<64x128xf32, #tpu.memory_space<vmem>>, vector<1x16xf32>,
        %get3A_156 = vector.shape_cast %get3A_155 : vector<1x16xf32> to vector<16xf32>
        %get3A_157 = arith.index_cast %scan3A_56 : i32 to index
        %get3A_158 = arith.constant 112 : index
        %get3A_159 = tpu.vector_load %arg31[%get3A_157, %get3A_158] {strides = array<i32>} : memref<64x128xf32, #tpu.memory_space<vmem>>, vector<1x16xf32>,
        %get3A_160 = vector.shape_cast %get3A_159 : vector<1x16xf32> to vector<16xf32>
        %mul3A_161 = arith.mulf %get3A_156, %get3A_160 : vector<16xf32>
        %swap3A_162 = arith.index_cast %scan3A_56 : i32 to index
        %swap3A_163 = arith.constant 112 : index
        %swap3A_164 = tpu.vector_load %arg30[%swap3A_162, %swap3A_163] {strides = array<i32>} : memref<64x128xf32, #tpu.memory_space<vmem>>, vector<1x16xf32>,
        %swap3A_165 = vector.shape_cast %swap3A_164 : vector<1x16xf32> to vector<16xf32>
        %swap3A_166 = vector.shape_cast %mul3A_161 : vector<16xf32> to vector<1x16xf32>
        tpu.vector_store %arg30[%swap3A_162, %swap3A_163], %swap3A_166 {strides = array<i32>} : memref<64x128xf32, #tpu.memory_space<vmem>>, vector<1x16xf32>,
      }
      %scan3A_49 = arith.constant 64 : i32
      "tpu.region"() ({
        %run_scoped3A = tpu.sem_alloc : memref<!tpu.dma_semaphore, #tpu.memory_space<semaphore_mem>>
        %dma_start3A = arith.constant 0 : i32
        %dma_start3A_56 = arith.constant 0 : i32
        %dma_start3A_57 = tpu.memref_slice %arg45[%dma_start3A, %dma_start3A_56] : memref<88x128xf32, #tpu.memory_space<vmem_shared>> -> memref<88x128xf32, #tpu.memory_space<vmem_shared>>
        tpu.enqueue_indirect_dma source(%arg30 : memref<64x128xf32, #tpu.memory_space<vmem>>) target(%dma_start3A_57 : memref<88x128xf32, #tpu.memory_space<vmem_shared>>) offsets(%arg38 : memref<64xi32, #tpu.memory_space<vmem>>) semaphore(%run_scoped3A : memref<!tpu.dma_semaphore, #tpu.memory_space<semaphore_mem>>) {add = true}
        %dma_wait3A = arith.constant 0 : i32
        %dma_wait3A_58 = arith.constant 0 : i32
        %dma_wait3A_59 = tpu.memref_slice %arg45[%dma_wait3A, %dma_wait3A_58] : memref<88x128xf32, #tpu.memory_space<vmem_shared>> -> memref<88x128xf32, #tpu.memory_space<vmem_shared>>
        tpu.wait_indirect_dma semaphore(%run_scoped3A : memref<!tpu.dma_semaphore, #tpu.memory_space<semaphore_mem>>) src(%arg30 : memref<64x128xf32, #tpu.memory_space<vmem>>) dst(%dma_wait3A_59 : memref<88x128xf32, #tpu.memory_space<vmem_shared>>)
        tpu.yield
      }) : () -> ()
      "tpu.region"() ({
        %run_scoped3A = tpu.sem_alloc : memref<!tpu.dma_semaphore, #tpu.memory_space<semaphore_mem>>
        %dma_start3A = arith.constant 0 : i32
        %dma_start3A_56 = arith.constant 0 : i32
        %dma_start3A_57 = tpu.memref_slice %arg46[%dma_start3A, %dma_start3A_56] : memref<88x128xf32, #tpu.memory_space<vmem_shared>> -> memref<88x128xf32, #tpu.memory_space<vmem_shared>>
        tpu.enqueue_indirect_dma source(%arg33 : memref<64x128xf32, #tpu.memory_space<vmem>>) target(%dma_start3A_57 : memref<88x128xf32, #tpu.memory_space<vmem_shared>>) offsets(%arg38 : memref<64xi32, #tpu.memory_space<vmem>>) semaphore(%run_scoped3A : memref<!tpu.dma_semaphore, #tpu.memory_space<semaphore_mem>>) {add = true}
        %dma_wait3A = arith.constant 0 : i32
        %dma_wait3A_58 = arith.constant 0 : i32
        %dma_wait3A_59 = tpu.memref_slice %arg46[%dma_wait3A, %dma_wait3A_58] : memref<88x128xf32, #tpu.memory_space<vmem_shared>> -> memref<88x128xf32, #tpu.memory_space<vmem_shared>>
        tpu.wait_indirect_dma semaphore(%run_scoped3A : memref<!tpu.dma_semaphore, #tpu.memory_space<semaphore_mem>>) src(%arg33 : memref<64x128xf32, #tpu.memory_space<vmem>>) dst(%dma_wait3A_59 : memref<88x128xf32, #tpu.memory_space<vmem_shared>>)
        tpu.yield
      }) : () -> ()
      %barrier3A_50 = arith.constant 0 : index
      tpu.barrier barrier_id(%barrier3A_50)
      %eq3A_51 = arith.constant 0 : i32
      %eq3A_52 = arith.cmpi eq, %arg1, %eq3A_51 : i32
      %convert_element_type3A_53 = arith.extui %eq3A_52 : i1 to i32
      %cond3A_54 = arith.constant 0 : i32
      %cond3A_55 = arith.cmpi ne, %convert_element_type3A_53, %cond3A_54 : i32
      scf.if %cond3A_55 {
        "tpu.region"() ({
          %run_scoped3A = tpu.sem_alloc : memref<!tpu.dma_semaphore, #tpu.memory_space<semaphore_mem>>
          tpu.enqueue_dma source(%arg45 : memref<88x128xf32, #tpu.memory_space<vmem_shared>>) target(%arg28 : memref<88x128xf32, #tpu.memory_space<hbm>>) target_semaphore(%run_scoped3A : memref<!tpu.dma_semaphore, #tpu.memory_space<semaphore_mem>>)
          tpu.wait_dma2 semaphore(%run_scoped3A : memref<!tpu.dma_semaphore, #tpu.memory_space<semaphore_mem>>) src(%arg45 : memref<88x128xf32, #tpu.memory_space<vmem_shared>>) dst(%arg28 : memref<88x128xf32, #tpu.memory_space<hbm>>)
          tpu.yield
        }) : () -> ()
        "tpu.region"() ({
          %run_scoped3A = tpu.sem_alloc : memref<!tpu.dma_semaphore, #tpu.memory_space<semaphore_mem>>
          tpu.enqueue_dma source(%arg46 : memref<88x128xf32, #tpu.memory_space<vmem_shared>>) target(%arg29 : memref<88x128xf32, #tpu.memory_space<hbm>>) target_semaphore(%run_scoped3A : memref<!tpu.dma_semaphore, #tpu.memory_space<semaphore_mem>>)
          tpu.wait_dma2 semaphore(%run_scoped3A : memref<!tpu.dma_semaphore, #tpu.memory_space<semaphore_mem>>) src(%arg46 : memref<88x128xf32, #tpu.memory_space<vmem_shared>>) dst(%arg29 : memref<88x128xf32, #tpu.memory_space<hbm>>)
          tpu.yield
        }) : () -> ()
      } else {
      }
    } else {
    }
    return
  }
}

module attributes {stable_mosaic.version = 14 : i64} {
  func.func @_proj_body(%arg0: memref<85x128xf32, #tpu.memory_space<vmem>>, %arg1: memref<2x680xi32, #tpu.memory_space<vmem>>, %arg2: memref<438x64xf32, #tpu.memory_space<vmem>>, %arg3: memref<2x3504xi32, #tpu.memory_space<vmem>>, %arg4: memref<85x128xf32, #tpu.memory_space<vmem>>, %arg5: memref<60x64xf32, #tpu.memory_space<vmem>>, %arg6: memref<2x680xi32, #tpu.memory_space<vmem>>, %arg7: memref<2x1000xi32, #tpu.memory_space<vmem>>, %arg8: memref<128x120xf32, #tpu.memory_space<vmem>>, %arg9: memref<128x120xf32, #tpu.memory_space<vmem>>, %arg10: memref<2x60xf32, #tpu.memory_space<vmem>>, %arg11: memref<64x20xf32, #tpu.memory_space<vmem>>, %arg12: memref<64x20xf32, #tpu.memory_space<vmem>>, %arg13: memref<2x10xf32, #tpu.memory_space<vmem>>, %arg14: memref<2x120xf32, #tpu.memory_space<vmem>>, %arg15: memref<2x20xf32, #tpu.memory_space<vmem>>, %arg16: memref<8x128xf32, #tpu.memory_space<vmem>>, %arg17: memref<128x2xf32, #tpu.memory_space<vmem>>, %arg18: memref<128x2xf32, #tpu.memory_space<vmem>>, %arg19: memref<128x2xf32, #tpu.memory_space<vmem>>, %arg20: memref<128x2xf32, #tpu.memory_space<vmem>>, %arg21: memref<128x8xf32, #tpu.memory_space<vmem>>, %arg22: memref<128x128xf32, #tpu.memory_space<vmem>>, %arg23: memref<128xf32, #tpu.memory_space<vmem>>, %arg24: memref<64x128xf32, #tpu.memory_space<vmem>>, %arg25: memref<128xf32, #tpu.memory_space<vmem>>, %arg26: memref<8x16xf32, #tpu.memory_space<vmem>>, %arg27: memref<8x16xf32, #tpu.memory_space<vmem>>, %arg28: memref<8x16xf32, #tpu.memory_space<vmem>>, %arg29: memref<8x16xf32, #tpu.memory_space<vmem>>, %arg30: memref<85x128xf32, #tpu.memory_space<vmem>>, %arg31: memref<1024x128xf32, #tpu.memory_space<vmem>>, %arg32: memref<1024x128xf32, #tpu.memory_space<vmem>>, %arg33: memref<85x2xf32, #tpu.memory_space<vmem>>, %arg34: memref<1024xi32, #tpu.memory_space<vmem>>, %arg35: memref<1024xi32, #tpu.memory_space<vmem>>, %arg36: memref<438x128xf32, #tpu.memory_space<vmem>>, %arg37: memref<3584x128xf32, #tpu.memory_space<vmem>>, %arg38: memref<3584x128xf32, #tpu.memory_space<vmem>>, %arg39: memref<438x2xf32, #tpu.memory_space<vmem>>, %arg40: memref<3584xi32, #tpu.memory_space<vmem>>, %arg41: memref<3584xi32, #tpu.memory_space<vmem>>, %arg42: memref<85x128xf32, #tpu.memory_space<vmem>>, %arg43: memref<60x128xf32, #tpu.memory_space<vmem>>, %arg44: memref<1024x128xf32, #tpu.memory_space<vmem>>, %arg45: memref<1024x128xf32, #tpu.memory_space<vmem>>, %arg46: memref<1024xi32, #tpu.memory_space<vmem>>, %arg47: memref<1024xi32, #tpu.memory_space<vmem>>, %arg48: memref<1024x128xf32, #tpu.memory_space<vmem>>, %arg49: memref<1024x128xf32, #tpu.memory_space<vmem>>, %arg50: memref<1024xi32, #tpu.memory_space<vmem>>, %arg51: memref<1024xi32, #tpu.memory_space<vmem>>) attributes {dimension_semantics = [], scalar_prefetch = 0 : i64, scratch_operands = 0 : i64, tpu.core_type = #tpu.core_type<tc>} {
    %get3A = arith.constant 0 : index
    %get3A_0 = arith.constant 0 : index
    %get3A_1 = vector.load %arg0[%get3A, %get3A_0] : memref<85x128xf32, #tpu.memory_space<vmem>>, vector<85x128xf32>
    %transpose3A = tpu.transpose %get3A_1, [1, 0] : vector<85x128xf32> -> vector<128x85xf32>
    %get3A_2 = arith.constant 0 : index
    %get3A_3 = arith.constant 0 : index
    %get3A_4 = vector.load %arg8[%get3A_2, %get3A_3] : memref<128x120xf32, #tpu.memory_space<vmem>>, vector<128x120xf32>
    %get3A_5 = arith.constant 0 : index
    %get3A_6 = arith.constant 0 : index
    %get3A_7 = vector.load %arg9[%get3A_5, %get3A_6] : memref<128x120xf32, #tpu.memory_space<vmem>>, vector<128x120xf32>
    %get3A_8 = arith.constant 0 : index
    %get3A_9 = arith.constant 0 : index
    %get3A_10 = vector.load %arg10[%get3A_8, %get3A_9] : memref<2x60xf32, #tpu.memory_space<vmem>>, vector<2x60xf32>
    %get3A_11 = arith.constant 0 : index
    %get3A_12 = arith.constant 0 : index
    %get3A_13 = vector.load %arg14[%get3A_11, %get3A_12] : memref<2x120xf32, #tpu.memory_space<vmem>>, vector<2x120xf32>
    %transpose3A_14 = tpu.transpose %get3A_4, [1, 0] : vector<128x120xf32> -> vector<120x128xf32>
    %dot_general3A = arith.constant dense<0.000000e+00> : vector<120x85xf32>
    %dot_general3A_15 = tpu.matmul %transpose3A_14, %transpose3A, %dot_general3A {dimension_numbers = #tpu.dot_dimension_numbers<[1], [0], [0], [1], [0, 0, 1, 1], [], []>, transpose_lhs_hint = false} : vector<120x128xf32>, vector<128x85xf32>, vector<120x85xf32> -> vector<120x85xf32>
    %transpose3A_16 = tpu.transpose %get3A_7, [1, 0] : vector<128x120xf32> -> vector<120x128xf32>
    %dot_general3A_17 = arith.constant dense<0.000000e+00> : vector<120x85xf32>
    %dot_general3A_18 = tpu.matmul %transpose3A_16, %transpose3A, %dot_general3A_17 {dimension_numbers = #tpu.dot_dimension_numbers<[1], [0], [0], [1], [0, 0, 1, 1], [], []>, transpose_lhs_hint = false} : vector<120x128xf32>, vector<128x85xf32>, vector<120x85xf32> -> vector<120x85xf32>
    %slice3A = vector.extract_strided_slice %get3A_10 {offsets = [0, 0], sizes = [1, 60], strides = [1, 1]} : vector<2x60xf32> to vector<1x60xf32>
    %slice3A_19 = vector.extract_strided_slice %get3A_10 {offsets = [1, 0], sizes = [1, 60], strides = [1, 1]} : vector<2x60xf32> to vector<1x60xf32>
    %concatenate3A = tpu.concatenate %slice3A, %slice3A_19 in 1 : vector<1x60xf32>, vector<1x60xf32> -> vector<1x120xf32>
    %transpose3A_20 = tpu.transpose %concatenate3A, [1, 0] : vector<1x120xf32> -> vector<120x1xf32>
    %add3A = arith.addf %dot_general3A_15, %dot_general3A_18 : vector<120x85xf32>
    %ge3A = arith.constant 0.000000e+00 : f32
    %ge3A_21 = vector.broadcast %ge3A : f32 to vector<120x85xf32>
    %ge3A_22 = arith.cmpf oge, %add3A, %ge3A_21 : vector<120x85xf32>
    %mul3A = arith.constant 2.000000e-01 : f32
    %mul3A_23 = vector.broadcast %mul3A : f32 to vector<120x85xf32>
    %mul3A_24 = arith.mulf %mul3A_23, %add3A : vector<120x85xf32>
    %select_n3A = arith.select %ge3A_22, %add3A, %mul3A_24 : vector<120x85xi1>, vector<120x85xf32>
    %mul3A_25 = vector.broadcast %transpose3A_20 : vector<120x1xf32> to vector<120x85xf32>
    %mul3A_26 = arith.mulf %select_n3A, %mul3A_25 : vector<120x85xf32>
    %dot_general3A_27 = arith.constant dense<0.000000e+00> : vector<2x85xf32>
    %dot_general3A_28 = tpu.matmul %get3A_13, %mul3A_26, %dot_general3A_27 {dimension_numbers = #tpu.dot_dimension_numbers<[1], [0], [0], [1], [0, 0, 1, 1], [], []>, transpose_lhs_hint = false} : vector<2x120xf32>, vector<120x85xf32>, vector<2x85xf32> -> vector<2x85xf32>
    %exp3A = math.exp %dot_general3A_28 : vector<2x85xf32>
    %transpose3A_29 = tpu.transpose %exp3A, [1, 0] : vector<2x85xf32> -> vector<85x2xf32>
    %swap3A = arith.constant 0 : index
    %swap3A_30 = arith.constant 0 : index
    %swap3A_31 = vector.load %arg33[%swap3A, %swap3A_30] : memref<85x2xf32, #tpu.memory_space<vmem>>, vector<85x2xf32>
    tpu.vector_store %arg33[%swap3A, %swap3A_30], %transpose3A_29 {strides = array<i32>} : memref<85x2xf32, #tpu.memory_space<vmem>>, vector<85x2xf32>,
    %broadcast_in_dim3A = arith.constant 0.000000e+00 : f32
    %broadcast_in_dim3A_32 = vector.broadcast %broadcast_in_dim3A : f32 to vector<4x85xf32>
    %slice3A_33 = vector.extract_strided_slice %dot_general3A_15 {offsets = [0, 0], sizes = [60, 85], strides = [1, 1]} : vector<120x85xf32> to vector<60x85xf32>
    %slice3A_34 = vector.extract_strided_slice %dot_general3A_15 {offsets = [60, 0], sizes = [60, 85], strides = [1, 1]} : vector<120x85xf32> to vector<60x85xf32>
    %concatenate3A_35 = tpu.concatenate %slice3A_33, %broadcast_in_dim3A_32, %slice3A_34, %broadcast_in_dim3A_32 in 0 : vector<60x85xf32>, vector<4x85xf32>, vector<60x85xf32>, vector<4x85xf32> -> vector<128x85xf32>
    %transpose3A_36 = tpu.transpose %concatenate3A_35, [1, 0] : vector<128x85xf32> -> vector<85x128xf32>
    %swap3A_37 = arith.constant 0 : index
    %swap3A_38 = arith.constant 0 : index
    %swap3A_39 = vector.load %arg30[%swap3A_37, %swap3A_38] : memref<85x128xf32, #tpu.memory_space<vmem>>, vector<85x128xf32>
    tpu.vector_store %arg30[%swap3A_37, %swap3A_38], %transpose3A_36 {strides = array<i32>} : memref<85x128xf32, #tpu.memory_space<vmem>>, vector<85x128xf32>,
    %iota3A = tpu.iota {dimensions = array<i32: 0>} : vector<85x680xi32>
    %get3A_40 = arith.constant 0 : index
    %get3A_41 = arith.constant 0 : index
    %get3A_42 = vector.load %arg1[%get3A_40, %get3A_41] : memref<2x680xi32, #tpu.memory_space<vmem>>, vector<1x680xi32>
    %eq3A = vector.broadcast %get3A_42 : vector<1x680xi32> to vector<85x680xi32>
    %eq3A_43 = arith.cmpi eq, %iota3A, %eq3A : vector<85x680xi32>
    %convert_element_type3A = arith.extui %eq3A_43 : vector<85x680xi1> to vector<85x680xi32>
    %convert_element_type3A_44 = arith.sitofp %convert_element_type3A : vector<85x680xi32> to vector<85x680xf32>
    %get3A_45 = arith.constant 1 : index
    %get3A_46 = arith.constant 0 : index
    %get3A_47 = vector.load %arg1[%get3A_45, %get3A_46] : memref<2x680xi32, #tpu.memory_space<vmem>>, vector<1x680xi32>
    %eq3A_48 = vector.broadcast %get3A_47 : vector<1x680xi32> to vector<85x680xi32>
    %eq3A_49 = arith.cmpi eq, %iota3A, %eq3A_48 : vector<85x680xi32>
    %convert_element_type3A_50 = arith.extui %eq3A_49 : vector<85x680xi1> to vector<85x680xi32>
    %convert_element_type3A_51 = arith.sitofp %convert_element_type3A_50 : vector<85x680xi32> to vector<85x680xf32>
    %dot_general3A_52 = arith.constant dense<0.000000e+00> : vector<120x680xf32>
    %dot_general3A_53 = tpu.matmul %dot_general3A_15, %convert_element_type3A_44, %dot_general3A_52 {dimension_numbers = #tpu.dot_dimension_numbers<[1], [0], [0], [1], [0, 0, 1, 1], [], []>, transpose_lhs_hint = false} : vector<120x85xf32>, vector<85x680xf32>, vector<120x680xf32> -> vector<120x680xf32>
    %dot_general3A_54 = arith.constant dense<0.000000e+00> : vector<120x680xf32>
    %dot_general3A_55 = tpu.matmul %dot_general3A_18, %convert_element_type3A_51, %dot_general3A_54 {dimension_numbers = #tpu.dot_dimension_numbers<[1], [0], [0], [1], [0, 0, 1, 1], [], []>, transpose_lhs_hint = false} : vector<120x85xf32>, vector<85x680xf32>, vector<120x680xf32> -> vector<120x680xf32>
    %add3A_56 = arith.addf %dot_general3A_53, %dot_general3A_55 : vector<120x680xf32>
    %ge3A_57 = arith.constant 0.000000e+00 : f32
    %ge3A_58 = vector.broadcast %ge3A_57 : f32 to vector<120x680xf32>
    %ge3A_59 = arith.cmpf oge, %add3A_56, %ge3A_58 : vector<120x680xf32>
    %mul3A_60 = arith.constant 2.000000e-01 : f32
    %mul3A_61 = vector.broadcast %mul3A_60 : f32 to vector<120x680xf32>
    %mul3A_62 = arith.mulf %mul3A_61, %add3A_56 : vector<120x680xf32>
    %select_n3A_63 = arith.select %ge3A_59, %add3A_56, %mul3A_62 : vector<120x680xi1>, vector<120x680xf32>
    %get3A_64 = arith.constant 0 : index
    %get3A_65 = arith.constant 0 : index
    %get3A_66 = vector.load %arg10[%get3A_64, %get3A_65] : memref<2x60xf32, #tpu.memory_space<vmem>>, vector<2x60xf32>
    %slice3A_67 = vector.extract_strided_slice %get3A_66 {offsets = [0, 0], sizes = [1, 60], strides = [1, 1]} : vector<2x60xf32> to vector<1x60xf32>
    %slice3A_68 = vector.extract_strided_slice %get3A_66 {offsets = [1, 0], sizes = [1, 60], strides = [1, 1]} : vector<2x60xf32> to vector<1x60xf32>
    %concatenate3A_69 = tpu.concatenate %slice3A_67, %slice3A_68 in 1 : vector<1x60xf32>, vector<1x60xf32> -> vector<1x120xf32>
    %transpose3A_70 = tpu.transpose %concatenate3A_69, [1, 0] : vector<1x120xf32> -> vector<120x1xf32>
    %mul3A_71 = vector.broadcast %transpose3A_70 : vector<120x1xf32> to vector<120x680xf32>
    %mul3A_72 = arith.mulf %select_n3A_63, %mul3A_71 : vector<120x680xf32>
    %get3A_73 = arith.constant 0 : index
    %get3A_74 = arith.constant 0 : index
    %get3A_75 = vector.load %arg14[%get3A_73, %get3A_74] : memref<2x120xf32, #tpu.memory_space<vmem>>, vector<2x120xf32>
    %dot_general3A_76 = arith.constant dense<0.000000e+00> : vector<2x680xf32>
    %dot_general3A_77 = tpu.matmul %get3A_75, %mul3A_72, %dot_general3A_76 {dimension_numbers = #tpu.dot_dimension_numbers<[1], [0], [0], [1], [0, 0, 1, 1], [], []>, transpose_lhs_hint = false} : vector<2x120xf32>, vector<120x680xf32>, vector<2x680xf32> -> vector<2x680xf32>
    %exp3A_78 = math.exp %dot_general3A_77 : vector<2x680xf32>
    %get3A_79 = arith.constant 0 : index
    %get3A_80 = arith.constant 0 : index
    %get3A_81 = vector.load %arg17[%get3A_79, %get3A_80] : memref<128x2xf32, #tpu.memory_space<vmem>>, vector<128x2xf32>
    %dot_general3A_82 = arith.constant dense<0.000000e+00> : vector<128x680xf32>
    %dot_general3A_83 = tpu.matmul %get3A_81, %exp3A_78, %dot_general3A_82 {dimension_numbers = #tpu.dot_dimension_numbers<[1], [0], [0], [1], [0, 0, 1, 1], [], []>, transpose_lhs_hint = false} : vector<128x2xf32>, vector<2x680xf32>, vector<128x680xf32> -> vector<128x680xf32>
    %transpose3A_84 = tpu.transpose %dot_general3A_83, [1, 0] : vector<128x680xf32> -> vector<680x128xf32>
    %swap3A_85 = arith.constant 0 : index
    %swap3A_86 = arith.constant 0 : index
    %swap3A_87 = vector.load %arg31[%swap3A_85, %swap3A_86] : memref<1024x128xf32, #tpu.memory_space<vmem>>, vector<680x128xf32>
    tpu.vector_store %arg31[%swap3A_85, %swap3A_86], %transpose3A_84 {strides = array<i32>} : memref<1024x128xf32, #tpu.memory_space<vmem>>, vector<680x128xf32>,
    %broadcast_in_dim3A_88 = arith.constant 0.000000e+00 : f32
    %broadcast_in_dim3A_89 = vector.broadcast %broadcast_in_dim3A_88 : f32 to vector<344x128xf32>
    %swap3A_90 = arith.constant 680 : index
    %swap3A_91 = arith.constant 0 : index
    %swap3A_92 = vector.load %arg31[%swap3A_90, %swap3A_91] : memref<1024x128xf32, #tpu.memory_space<vmem>>, vector<344x128xf32>
    tpu.vector_store %arg31[%swap3A_90, %swap3A_91], %broadcast_in_dim3A_89 {strides = array<i32>} : memref<1024x128xf32, #tpu.memory_space<vmem>>, vector<344x128xf32>,
    %get3A_93 = arith.constant 0 : index
    %get3A_94 = arith.constant 0 : index
    %get3A_95 = vector.load %arg19[%get3A_93, %get3A_94] : memref<128x2xf32, #tpu.memory_space<vmem>>, vector<128x2xf32>
    %dot_general3A_96 = arith.constant dense<0.000000e+00> : vector<128x680xf32>
    %dot_general3A_97 = tpu.matmul %get3A_95, %exp3A_78, %dot_general3A_96 {dimension_numbers = #tpu.dot_dimension_numbers<[1], [0], [0], [1], [0, 0, 1, 1], [], []>, transpose_lhs_hint = false} : vector<128x2xf32>, vector<2x680xf32>, vector<128x680xf32> -> vector<128x680xf32>
    %transpose3A_98 = tpu.transpose %dot_general3A_97, [1, 0] : vector<128x680xf32> -> vector<680x128xf32>
    %swap3A_99 = arith.constant 0 : index
    %swap3A_100 = arith.constant 0 : index
    %swap3A_101 = vector.load %arg32[%swap3A_99, %swap3A_100] : memref<1024x128xf32, #tpu.memory_space<vmem>>, vector<680x128xf32>
    tpu.vector_store %arg32[%swap3A_99, %swap3A_100], %transpose3A_98 {strides = array<i32>} : memref<1024x128xf32, #tpu.memory_space<vmem>>, vector<680x128xf32>,
    %broadcast_in_dim3A_102 = arith.constant 0.000000e+00 : f32
    %broadcast_in_dim3A_103 = vector.broadcast %broadcast_in_dim3A_102 : f32 to vector<344x128xf32>
    %swap3A_104 = arith.constant 680 : index
    %swap3A_105 = arith.constant 0 : index
    %swap3A_106 = vector.load %arg32[%swap3A_104, %swap3A_105] : memref<1024x128xf32, #tpu.memory_space<vmem>>, vector<344x128xf32>
    tpu.vector_store %arg32[%swap3A_104, %swap3A_105], %broadcast_in_dim3A_103 {strides = array<i32>} : memref<1024x128xf32, #tpu.memory_space<vmem>>, vector<344x128xf32>,
    %broadcast_in_dim3A_107 = arith.constant 0 : i32
    %broadcast_in_dim3A_108 = vector.broadcast %broadcast_in_dim3A_107 : i32 to vector<344xi32>
    %get3A_109 = arith.constant 0 : index
    %get3A_110 = arith.constant 0 : index
    %get3A_111 = vector.load %arg1[%get3A_109, %get3A_110] : memref<2x680xi32, #tpu.memory_space<vmem>>, vector<1x680xi32>
    %get3A_112 = vector.shape_cast %get3A_111 : vector<1x680xi32> to vector<680xi32>
    %swap3A_113 = arith.constant 0 : index
    %swap3A_114 = vector.load %arg34[%swap3A_113] : memref<1024xi32, #tpu.memory_space<vmem>>, vector<680xi32>
    tpu.vector_store %arg34[%swap3A_113], %get3A_112 {strides = array<i32>} : memref<1024xi32, #tpu.memory_space<vmem>>, vector<680xi32>,
    %swap3A_115 = arith.constant 680 : index
    %swap3A_116 = vector.load %arg34[%swap3A_115] : memref<1024xi32, #tpu.memory_space<vmem>>, vector<344xi32>
    tpu.vector_store %arg34[%swap3A_115], %broadcast_in_dim3A_108 {strides = array<i32>} : memref<1024xi32, #tpu.memory_space<vmem>>, vector<344xi32>,
    %get3A_117 = arith.constant 1 : index
    %get3A_118 = arith.constant 0 : index
    %get3A_119 = vector.load %arg1[%get3A_117, %get3A_118] : memref<2x680xi32, #tpu.memory_space<vmem>>, vector<1x680xi32>
    %get3A_120 = vector.shape_cast %get3A_119 : vector<1x680xi32> to vector<680xi32>
    %swap3A_121 = arith.constant 0 : index
    %swap3A_122 = vector.load %arg35[%swap3A_121] : memref<1024xi32, #tpu.memory_space<vmem>>, vector<680xi32>
    tpu.vector_store %arg35[%swap3A_121], %get3A_120 {strides = array<i32>} : memref<1024xi32, #tpu.memory_space<vmem>>, vector<680xi32>,
    %swap3A_123 = arith.constant 680 : index
    %swap3A_124 = vector.load %arg35[%swap3A_123] : memref<1024xi32, #tpu.memory_space<vmem>>, vector<344xi32>
    tpu.vector_store %arg35[%swap3A_123], %broadcast_in_dim3A_108 {strides = array<i32>} : memref<1024xi32, #tpu.memory_space<vmem>>, vector<344xi32>,
    %get3A_125 = arith.constant 0 : index
    %get3A_126 = arith.constant 0 : index
    %get3A_127 = vector.load %arg2[%get3A_125, %get3A_126] : memref<438x64xf32, #tpu.memory_space<vmem>>, vector<438x64xf32>
    %transpose3A_128 = tpu.transpose %get3A_127, [1, 0] : vector<438x64xf32> -> vector<64x438xf32>
    %get3A_129 = arith.constant 0 : index
    %get3A_130 = arith.constant 0 : index
    %get3A_131 = vector.load %arg11[%get3A_129, %get3A_130] : memref<64x20xf32, #tpu.memory_space<vmem>>, vector<64x20xf32>
    %get3A_132 = arith.constant 0 : index
    %get3A_133 = arith.constant 0 : index
    %get3A_134 = vector.load %arg12[%get3A_132, %get3A_133] : memref<64x20xf32, #tpu.memory_space<vmem>>, vector<64x20xf32>
    %get3A_135 = arith.constant 0 : index
    %get3A_136 = arith.constant 0 : index
    %get3A_137 = vector.load %arg13[%get3A_135, %get3A_136] : memref<2x10xf32, #tpu.memory_space<vmem>>, vector<2x10xf32>
    %get3A_138 = arith.constant 0 : index
    %get3A_139 = arith.constant 0 : index
    %get3A_140 = vector.load %arg15[%get3A_138, %get3A_139] : memref<2x20xf32, #tpu.memory_space<vmem>>, vector<2x20xf32>
    %transpose3A_141 = tpu.transpose %get3A_131, [1, 0] : vector<64x20xf32> -> vector<20x64xf32>
    %dot_general3A_142 = arith.constant dense<0.000000e+00> : vector<20x438xf32>
    %dot_general3A_143 = tpu.matmul %transpose3A_141, %transpose3A_128, %dot_general3A_142 {dimension_numbers = #tpu.dot_dimension_numbers<[1], [0], [0], [1], [0, 0, 1, 1], [], []>, transpose_lhs_hint = false} : vector<20x64xf32>, vector<64x438xf32>, vector<20x438xf32> -> vector<20x438xf32>
    %transpose3A_144 = tpu.transpose %get3A_134, [1, 0] : vector<64x20xf32> -> vector<20x64xf32>
    %dot_general3A_145 = arith.constant dense<0.000000e+00> : vector<20x438xf32>
    %dot_general3A_146 = tpu.matmul %transpose3A_144, %transpose3A_128, %dot_general3A_145 {dimension_numbers = #tpu.dot_dimension_numbers<[1], [0], [0], [1], [0, 0, 1, 1], [], []>, transpose_lhs_hint = false} : vector<20x64xf32>, vector<64x438xf32>, vector<20x438xf32> -> vector<20x438xf32>
    %slice3A_147 = vector.extract_strided_slice %get3A_137 {offsets = [0, 0], sizes = [1, 10], strides = [1, 1]} : vector<2x10xf32> to vector<1x10xf32>
    %slice3A_148 = vector.extract_strided_slice %get3A_137 {offsets = [1, 0], sizes = [1, 10], strides = [1, 1]} : vector<2x10xf32> to vector<1x10xf32>
    %concatenate3A_149 = tpu.concatenate %slice3A_147, %slice3A_148 in 1 : vector<1x10xf32>, vector<1x10xf32> -> vector<1x20xf32>
    %transpose3A_150 = tpu.transpose %concatenate3A_149, [1, 0] : vector<1x20xf32> -> vector<20x1xf32>
    %add3A_151 = arith.addf %dot_general3A_143, %dot_general3A_146 : vector<20x438xf32>
    %ge3A_152 = arith.constant 0.000000e+00 : f32
    %ge3A_153 = vector.broadcast %ge3A_152 : f32 to vector<20x438xf32>
    %ge3A_154 = arith.cmpf oge, %add3A_151, %ge3A_153 : vector<20x438xf32>
    %mul3A_155 = arith.constant 2.000000e-01 : f32
    %mul3A_156 = vector.broadcast %mul3A_155 : f32 to vector<20x438xf32>
    %mul3A_157 = arith.mulf %mul3A_156, %add3A_151 : vector<20x438xf32>
    %select_n3A_158 = arith.select %ge3A_154, %add3A_151, %mul3A_157 : vector<20x438xi1>, vector<20x438xf32>
    %mul3A_159 = vector.broadcast %transpose3A_150 : vector<20x1xf32> to vector<20x438xf32>
    %mul3A_160 = arith.mulf %select_n3A_158, %mul3A_159 : vector<20x438xf32>
    %dot_general3A_161 = arith.constant dense<0.000000e+00> : vector<2x438xf32>
    %dot_general3A_162 = tpu.matmul %get3A_140, %mul3A_160, %dot_general3A_161 {dimension_numbers = #tpu.dot_dimension_numbers<[1], [0], [0], [1], [0, 0, 1, 1], [], []>, transpose_lhs_hint = false} : vector<2x20xf32>, vector<20x438xf32>, vector<2x438xf32> -> vector<2x438xf32>
    %exp3A_163 = math.exp %dot_general3A_162 : vector<2x438xf32>
    %transpose3A_164 = tpu.transpose %exp3A_163, [1, 0] : vector<2x438xf32> -> vector<438x2xf32>
    %swap3A_165 = arith.constant 0 : index
    %swap3A_166 = arith.constant 0 : index
    %swap3A_167 = vector.load %arg39[%swap3A_165, %swap3A_166] : memref<438x2xf32, #tpu.memory_space<vmem>>, vector<438x2xf32>
    tpu.vector_store %arg39[%swap3A_165, %swap3A_166], %transpose3A_164 {strides = array<i32>} : memref<438x2xf32, #tpu.memory_space<vmem>>, vector<438x2xf32>,
    %broadcast_in_dim3A_168 = arith.constant 0.000000e+00 : f32
    %broadcast_in_dim3A_169 = vector.broadcast %broadcast_in_dim3A_168 : f32 to vector<6x438xf32>
    %broadcast_in_dim3A_170 = arith.constant 0.000000e+00 : f32
    %broadcast_in_dim3A_171 = vector.broadcast %broadcast_in_dim3A_170 : f32 to vector<96x438xf32>
    %slice3A_172 = vector.extract_strided_slice %dot_general3A_143 {offsets = [0, 0], sizes = [10, 438], strides = [1, 1]} : vector<20x438xf32> to vector<10x438xf32>
    %slice3A_173 = vector.extract_strided_slice %dot_general3A_143 {offsets = [10, 0], sizes = [10, 438], strides = [1, 1]} : vector<20x438xf32> to vector<10x438xf32>
    %concatenate3A_174 = tpu.concatenate %slice3A_172, %broadcast_in_dim3A_169, %slice3A_173, %broadcast_in_dim3A_169, %broadcast_in_dim3A_171 in 0 : vector<10x438xf32>, vector<6x438xf32>, vector<10x438xf32>, vector<6x438xf32>, vector<96x438xf32> -> vector<128x438xf32>
    %transpose3A_175 = tpu.transpose %concatenate3A_174, [1, 0] : vector<128x438xf32> -> vector<438x128xf32>
    %swap3A_176 = arith.constant 0 : index
    %swap3A_177 = arith.constant 0 : index
    %swap3A_178 = vector.load %arg36[%swap3A_176, %swap3A_177] : memref<438x128xf32, #tpu.memory_space<vmem>>, vector<438x128xf32>
    tpu.vector_store %arg36[%swap3A_176, %swap3A_177], %transpose3A_175 {strides = array<i32>} : memref<438x128xf32, #tpu.memory_space<vmem>>, vector<438x128xf32>,
    %iota3A_179 = tpu.iota {dimensions = array<i32: 0>} : vector<438x3504xi32>
    %get3A_180 = arith.constant 0 : index
    %get3A_181 = arith.constant 0 : index
    %get3A_182 = vector.load %arg3[%get3A_180, %get3A_181] : memref<2x3504xi32, #tpu.memory_space<vmem>>, vector<1x3504xi32>
    %eq3A_183 = vector.broadcast %get3A_182 : vector<1x3504xi32> to vector<438x3504xi32>
    %eq3A_184 = arith.cmpi eq, %iota3A_179, %eq3A_183 : vector<438x3504xi32>
    %convert_element_type3A_185 = arith.extui %eq3A_184 : vector<438x3504xi1> to vector<438x3504xi32>
    %convert_element_type3A_186 = arith.sitofp %convert_element_type3A_185 : vector<438x3504xi32> to vector<438x3504xf32>
    %get3A_187 = arith.constant 1 : index
    %get3A_188 = arith.constant 0 : index
    %get3A_189 = vector.load %arg3[%get3A_187, %get3A_188] : memref<2x3504xi32, #tpu.memory_space<vmem>>, vector<1x3504xi32>
    %eq3A_190 = vector.broadcast %get3A_189 : vector<1x3504xi32> to vector<438x3504xi32>
    %eq3A_191 = arith.cmpi eq, %iota3A_179, %eq3A_190 : vector<438x3504xi32>
    %convert_element_type3A_192 = arith.extui %eq3A_191 : vector<438x3504xi1> to vector<438x3504xi32>
    %convert_element_type3A_193 = arith.sitofp %convert_element_type3A_192 : vector<438x3504xi32> to vector<438x3504xf32>
    %dot_general3A_194 = arith.constant dense<0.000000e+00> : vector<20x3504xf32>
    %dot_general3A_195 = tpu.matmul %dot_general3A_143, %convert_element_type3A_186, %dot_general3A_194 {dimension_numbers = #tpu.dot_dimension_numbers<[1], [0], [0], [1], [0, 0, 1, 1], [], []>, transpose_lhs_hint = false} : vector<20x438xf32>, vector<438x3504xf32>, vector<20x3504xf32> -> vector<20x3504xf32>
    %dot_general3A_196 = arith.constant dense<0.000000e+00> : vector<20x3504xf32>
    %dot_general3A_197 = tpu.matmul %dot_general3A_146, %convert_element_type3A_193, %dot_general3A_196 {dimension_numbers = #tpu.dot_dimension_numbers<[1], [0], [0], [1], [0, 0, 1, 1], [], []>, transpose_lhs_hint = false} : vector<20x438xf32>, vector<438x3504xf32>, vector<20x3504xf32> -> vector<20x3504xf32>
    %add3A_198 = arith.addf %dot_general3A_195, %dot_general3A_197 : vector<20x3504xf32>
    %ge3A_199 = arith.constant 0.000000e+00 : f32
    %ge3A_200 = vector.broadcast %ge3A_199 : f32 to vector<20x3504xf32>
    %ge3A_201 = arith.cmpf oge, %add3A_198, %ge3A_200 : vector<20x3504xf32>
    %mul3A_202 = arith.constant 2.000000e-01 : f32
    %mul3A_203 = vector.broadcast %mul3A_202 : f32 to vector<20x3504xf32>
    %mul3A_204 = arith.mulf %mul3A_203, %add3A_198 : vector<20x3504xf32>
    %select_n3A_205 = arith.select %ge3A_201, %add3A_198, %mul3A_204 : vector<20x3504xi1>, vector<20x3504xf32>
    %get3A_206 = arith.constant 0 : index
    %get3A_207 = arith.constant 0 : index
    %get3A_208 = vector.load %arg13[%get3A_206, %get3A_207] : memref<2x10xf32, #tpu.memory_space<vmem>>, vector<2x10xf32>
    %slice3A_209 = vector.extract_strided_slice %get3A_208 {offsets = [0, 0], sizes = [1, 10], strides = [1, 1]} : vector<2x10xf32> to vector<1x10xf32>
    %slice3A_210 = vector.extract_strided_slice %get3A_208 {offsets = [1, 0], sizes = [1, 10], strides = [1, 1]} : vector<2x10xf32> to vector<1x10xf32>
    %concatenate3A_211 = tpu.concatenate %slice3A_209, %slice3A_210 in 1 : vector<1x10xf32>, vector<1x10xf32> -> vector<1x20xf32>
    %transpose3A_212 = tpu.transpose %concatenate3A_211, [1, 0] : vector<1x20xf32> -> vector<20x1xf32>
    %mul3A_213 = vector.broadcast %transpose3A_212 : vector<20x1xf32> to vector<20x3504xf32>
    %mul3A_214 = arith.mulf %select_n3A_205, %mul3A_213 : vector<20x3504xf32>
    %get3A_215 = arith.constant 0 : index
    %get3A_216 = arith.constant 0 : index
    %get3A_217 = vector.load %arg15[%get3A_215, %get3A_216] : memref<2x20xf32, #tpu.memory_space<vmem>>, vector<2x20xf32>
    %dot_general3A_218 = arith.constant dense<0.000000e+00> : vector<2x3504xf32>
    %dot_general3A_219 = tpu.matmul %get3A_217, %mul3A_214, %dot_general3A_218 {dimension_numbers = #tpu.dot_dimension_numbers<[1], [0], [0], [1], [0, 0, 1, 1], [], []>, transpose_lhs_hint = false} : vector<2x20xf32>, vector<20x3504xf32>, vector<2x3504xf32> -> vector<2x3504xf32>
    %exp3A_220 = math.exp %dot_general3A_219 : vector<2x3504xf32>
    %get3A_221 = arith.constant 0 : index
    %get3A_222 = arith.constant 0 : index
    %get3A_223 = vector.load %arg18[%get3A_221, %get3A_222] : memref<128x2xf32, #tpu.memory_space<vmem>>, vector<128x2xf32>
    %dot_general3A_224 = arith.constant dense<0.000000e+00> : vector<128x3504xf32>
    %dot_general3A_225 = tpu.matmul %get3A_223, %exp3A_220, %dot_general3A_224 {dimension_numbers = #tpu.dot_dimension_numbers<[1], [0], [0], [1], [0, 0, 1, 1], [], []>, transpose_lhs_hint = false} : vector<128x2xf32>, vector<2x3504xf32>, vector<128x3504xf32> -> vector<128x3504xf32>
    %transpose3A_226 = tpu.transpose %dot_general3A_225, [1, 0] : vector<128x3504xf32> -> vector<3504x128xf32>
    %swap3A_227 = arith.constant 0 : index
    %swap3A_228 = arith.constant 0 : index
    %swap3A_229 = vector.load %arg37[%swap3A_227, %swap3A_228] : memref<3584x128xf32, #tpu.memory_space<vmem>>, vector<3504x128xf32>
    tpu.vector_store %arg37[%swap3A_227, %swap3A_228], %transpose3A_226 {strides = array<i32>} : memref<3584x128xf32, #tpu.memory_space<vmem>>, vector<3504x128xf32>,
    %broadcast_in_dim3A_230 = arith.constant 0.000000e+00 : f32
    %broadcast_in_dim3A_231 = vector.broadcast %broadcast_in_dim3A_230 : f32 to vector<80x128xf32>
    %swap3A_232 = arith.constant 3504 : index
    %swap3A_233 = arith.constant 0 : index
    %swap3A_234 = vector.load %arg37[%swap3A_232, %swap3A_233] : memref<3584x128xf32, #tpu.memory_space<vmem>>, vector<80x128xf32>
    tpu.vector_store %arg37[%swap3A_232, %swap3A_233], %broadcast_in_dim3A_231 {strides = array<i32>} : memref<3584x128xf32, #tpu.memory_space<vmem>>, vector<80x128xf32>,
    %get3A_235 = arith.constant 0 : index
    %get3A_236 = arith.constant 0 : index
    %get3A_237 = vector.load %arg20[%get3A_235, %get3A_236] : memref<128x2xf32, #tpu.memory_space<vmem>>, vector<128x2xf32>
    %dot_general3A_238 = arith.constant dense<0.000000e+00> : vector<128x3504xf32>
    %dot_general3A_239 = tpu.matmul %get3A_237, %exp3A_220, %dot_general3A_238 {dimension_numbers = #tpu.dot_dimension_numbers<[1], [0], [0], [1], [0, 0, 1, 1], [], []>, transpose_lhs_hint = false} : vector<128x2xf32>, vector<2x3504xf32>, vector<128x3504xf32> -> vector<128x3504xf32>
    %transpose3A_240 = tpu.transpose %dot_general3A_239, [1, 0] : vector<128x3504xf32> -> vector<3504x128xf32>
    %swap3A_241 = arith.constant 0 : index
    %swap3A_242 = arith.constant 0 : index
    %swap3A_243 = vector.load %arg38[%swap3A_241, %swap3A_242] : memref<3584x128xf32, #tpu.memory_space<vmem>>, vector<3504x128xf32>
    tpu.vector_store %arg38[%swap3A_241, %swap3A_242], %transpose3A_240 {strides = array<i32>} : memref<3584x128xf32, #tpu.memory_space<vmem>>, vector<3504x128xf32>,
    %broadcast_in_dim3A_244 = arith.constant 0.000000e+00 : f32
    %broadcast_in_dim3A_245 = vector.broadcast %broadcast_in_dim3A_244 : f32 to vector<80x128xf32>
    %swap3A_246 = arith.constant 3504 : index
    %swap3A_247 = arith.constant 0 : index
    %swap3A_248 = vector.load %arg38[%swap3A_246, %swap3A_247] : memref<3584x128xf32, #tpu.memory_space<vmem>>, vector<80x128xf32>
    tpu.vector_store %arg38[%swap3A_246, %swap3A_247], %broadcast_in_dim3A_245 {strides = array<i32>} : memref<3584x128xf32, #tpu.memory_space<vmem>>, vector<80x128xf32>,
    %broadcast_in_dim3A_249 = arith.constant 0 : i32
    %broadcast_in_dim3A_250 = vector.broadcast %broadcast_in_dim3A_249 : i32 to vector<80xi32>
    %get3A_251 = arith.constant 0 : index
    %get3A_252 = arith.constant 0 : index
    %get3A_253 = vector.load %arg3[%get3A_251, %get3A_252] : memref<2x3504xi32, #tpu.memory_space<vmem>>, vector<1x3504xi32>
    %get3A_254 = vector.shape_cast %get3A_253 : vector<1x3504xi32> to vector<3504xi32>
    %swap3A_255 = arith.constant 0 : index
    %swap3A_256 = vector.load %arg40[%swap3A_255] : memref<3584xi32, #tpu.memory_space<vmem>>, vector<3504xi32>
    tpu.vector_store %arg40[%swap3A_255], %get3A_254 {strides = array<i32>} : memref<3584xi32, #tpu.memory_space<vmem>>, vector<3504xi32>,
    %swap3A_257 = arith.constant 3504 : index
    %swap3A_258 = vector.load %arg40[%swap3A_257] : memref<3584xi32, #tpu.memory_space<vmem>>, vector<80xi32>
    tpu.vector_store %arg40[%swap3A_257], %broadcast_in_dim3A_250 {strides = array<i32>} : memref<3584xi32, #tpu.memory_space<vmem>>, vector<80xi32>,
    %get3A_259 = arith.constant 1 : index
    %get3A_260 = arith.constant 0 : index
    %get3A_261 = vector.load %arg3[%get3A_259, %get3A_260] : memref<2x3504xi32, #tpu.memory_space<vmem>>, vector<1x3504xi32>
    %get3A_262 = vector.shape_cast %get3A_261 : vector<1x3504xi32> to vector<3504xi32>
    %swap3A_263 = arith.constant 0 : index
    %swap3A_264 = vector.load %arg41[%swap3A_263] : memref<3584xi32, #tpu.memory_space<vmem>>, vector<3504xi32>
    tpu.vector_store %arg41[%swap3A_263], %get3A_262 {strides = array<i32>} : memref<3584xi32, #tpu.memory_space<vmem>>, vector<3504xi32>,
    %swap3A_265 = arith.constant 3504 : index
    %swap3A_266 = vector.load %arg41[%swap3A_265] : memref<3584xi32, #tpu.memory_space<vmem>>, vector<80xi32>
    tpu.vector_store %arg41[%swap3A_265], %broadcast_in_dim3A_250 {strides = array<i32>} : memref<3584xi32, #tpu.memory_space<vmem>>, vector<80xi32>,
    %get3A_267 = arith.constant 0 : index
    %get3A_268 = vector.load %arg23[%get3A_267] : memref<128xf32, #tpu.memory_space<vmem>>, vector<128xf32>
    %reshape3A = vector.shape_cast %get3A_268 : vector<128xf32> to vector<1x128xf32>
    %transpose3A_269 = tpu.transpose %reshape3A, [1, 0] : vector<1x128xf32> -> vector<128x1xf32>
    %get3A_270 = arith.constant 0 : index
    %get3A_271 = vector.load %arg25[%get3A_270] : memref<128xf32, #tpu.memory_space<vmem>>, vector<128xf32>
    %reshape3A_272 = vector.shape_cast %get3A_271 : vector<128xf32> to vector<1x128xf32>
    %transpose3A_273 = tpu.transpose %reshape3A_272, [1, 0] : vector<1x128xf32> -> vector<128x1xf32>
    %get3A_274 = arith.constant 0 : index
    %get3A_275 = arith.constant 0 : index
    %get3A_276 = vector.load %arg22[%get3A_274, %get3A_275] : memref<128x128xf32, #tpu.memory_space<vmem>>, vector<128x128xf32>
    %transpose3A_277 = tpu.transpose %get3A_276, [1, 0] : vector<128x128xf32> -> vector<128x128xf32>
    %get3A_278 = arith.constant 0 : index
    %get3A_279 = arith.constant 0 : index
    %get3A_280 = vector.load %arg4[%get3A_278, %get3A_279] : memref<85x128xf32, #tpu.memory_space<vmem>>, vector<85x128xf32>
    %transpose3A_281 = tpu.transpose %get3A_280, [1, 0] : vector<85x128xf32> -> vector<128x85xf32>
    %dot_general3A_282 = arith.constant dense<0.000000e+00> : vector<128x85xf32>
    %dot_general3A_283 = tpu.matmul %transpose3A_277, %transpose3A_281, %dot_general3A_282 {dimension_numbers = #tpu.dot_dimension_numbers<[1], [0], [0], [1], [0, 0, 1, 1], [], []>, transpose_lhs_hint = false} : vector<128x128xf32>, vector<128x85xf32>, vector<128x85xf32> -> vector<128x85xf32>
    %add3A_284 = vector.broadcast %transpose3A_269 : vector<128x1xf32> to vector<128x85xf32>
    %add3A_285 = arith.addf %dot_general3A_283, %add3A_284 : vector<128x85xf32>
    %get3A_286 = arith.constant 0 : index
    %get3A_287 = arith.constant 0 : index
    %get3A_288 = vector.load %arg24[%get3A_286, %get3A_287] : memref<64x128xf32, #tpu.memory_space<vmem>>, vector<64x128xf32>
    %transpose3A_289 = tpu.transpose %get3A_288, [1, 0] : vector<64x128xf32> -> vector<128x64xf32>
    %get3A_290 = arith.constant 0 : index
    %get3A_291 = arith.constant 0 : index
    %get3A_292 = vector.load %arg5[%get3A_290, %get3A_291] : memref<60x64xf32, #tpu.memory_space<vmem>>, vector<60x64xf32>
    %transpose3A_293 = tpu.transpose %get3A_292, [1, 0] : vector<60x64xf32> -> vector<64x60xf32>
    %dot_general3A_294 = arith.constant dense<0.000000e+00> : vector<128x60xf32>
    %dot_general3A_295 = tpu.matmul %transpose3A_289, %transpose3A_293, %dot_general3A_294 {dimension_numbers = #tpu.dot_dimension_numbers<[1], [0], [0], [1], [0, 0, 1, 1], [], []>, transpose_lhs_hint = false} : vector<128x64xf32>, vector<64x60xf32>, vector<128x60xf32> -> vector<128x60xf32>
    %add3A_296 = vector.broadcast %transpose3A_273 : vector<128x1xf32> to vector<128x60xf32>
    %add3A_297 = arith.addf %dot_general3A_295, %add3A_296 : vector<128x60xf32>
    %transpose3A_298 = tpu.transpose %add3A_285, [1, 0] : vector<128x85xf32> -> vector<85x128xf32>
    %swap3A_299 = arith.constant 0 : index
    %swap3A_300 = arith.constant 0 : index
    %swap3A_301 = vector.load %arg42[%swap3A_299, %swap3A_300] : memref<85x128xf32, #tpu.memory_space<vmem>>, vector<85x128xf32>
    tpu.vector_store %arg42[%swap3A_299, %swap3A_300], %transpose3A_298 {strides = array<i32>} : memref<85x128xf32, #tpu.memory_space<vmem>>, vector<85x128xf32>,
    %transpose3A_302 = tpu.transpose %add3A_297, [1, 0] : vector<128x60xf32> -> vector<60x128xf32>
    %swap3A_303 = arith.constant 0 : index
    %swap3A_304 = arith.constant 0 : index
    %swap3A_305 = vector.load %arg43[%swap3A_303, %swap3A_304] : memref<60x128xf32, #tpu.memory_space<vmem>>, vector<60x128xf32>
    tpu.vector_store %arg43[%swap3A_303, %swap3A_304], %transpose3A_302 {strides = array<i32>} : memref<60x128xf32, #tpu.memory_space<vmem>>, vector<60x128xf32>,
    %get3A_306 = arith.constant 0 : index
    %get3A_307 = arith.constant 0 : index
    %get3A_308 = vector.load %arg16[%get3A_306, %get3A_307] : memref<8x128xf32, #tpu.memory_space<vmem>>, vector<8x128xf32>
    %get3A_309 = arith.constant 0 : index
    %get3A_310 = arith.constant 0 : index
    %get3A_311 = vector.load %arg26[%get3A_309, %get3A_310] : memref<8x16xf32, #tpu.memory_space<vmem>>, vector<8x16xf32>
    %slice3A_312 = vector.extract_strided_slice %get3A_311 {offsets = [0, 0], sizes = [1, 16], strides = [1, 1]} : vector<8x16xf32> to vector<1x16xf32>
    %slice3A_313 = vector.extract_strided_slice %get3A_311 {offsets = [1, 0], sizes = [1, 16], strides = [1, 1]} : vector<8x16xf32> to vector<1x16xf32>
    %slice3A_314 = vector.extract_strided_slice %get3A_311 {offsets = [2, 0], sizes = [1, 16], strides = [1, 1]} : vector<8x16xf32> to vector<1x16xf32>
    %slice3A_315 = vector.extract_strided_slice %get3A_311 {offsets = [3, 0], sizes = [1, 16], strides = [1, 1]} : vector<8x16xf32> to vector<1x16xf32>
    %slice3A_316 = vector.extract_strided_slice %get3A_311 {offsets = [4, 0], sizes = [1, 16], strides = [1, 1]} : vector<8x16xf32> to vector<1x16xf32>
    %slice3A_317 = vector.extract_strided_slice %get3A_311 {offsets = [5, 0], sizes = [1, 16], strides = [1, 1]} : vector<8x16xf32> to vector<1x16xf32>
    %slice3A_318 = vector.extract_strided_slice %get3A_311 {offsets = [6, 0], sizes = [1, 16], strides = [1, 1]} : vector<8x16xf32> to vector<1x16xf32>
    %slice3A_319 = vector.extract_strided_slice %get3A_311 {offsets = [7, 0], sizes = [1, 16], strides = [1, 1]} : vector<8x16xf32> to vector<1x16xf32>
    %concatenate3A_320 = tpu.concatenate %slice3A_312, %slice3A_313, %slice3A_314, %slice3A_315, %slice3A_316, %slice3A_317, %slice3A_318, %slice3A_319 in 1 : vector<1x16xf32>, vector<1x16xf32>, vector<1x16xf32>, vector<1x16xf32>, vector<1x16xf32>, vector<1x16xf32>, vector<1x16xf32>, vector<1x16xf32> -> vector<1x128xf32>
    %transpose3A_321 = tpu.transpose %concatenate3A_320, [1, 0] : vector<1x128xf32> -> vector<128x1xf32>
    %mul3A_322 = vector.broadcast %transpose3A_321 : vector<128x1xf32> to vector<128x85xf32>
    %mul3A_323 = arith.mulf %add3A_285, %mul3A_322 : vector<128x85xf32>
    %dot_general3A_324 = arith.constant dense<0.000000e+00> : vector<8x85xf32>
    %dot_general3A_325 = tpu.matmul %get3A_308, %mul3A_323, %dot_general3A_324 {dimension_numbers = #tpu.dot_dimension_numbers<[1], [0], [0], [1], [0, 0, 1, 1], [], []>, transpose_lhs_hint = false} : vector<8x128xf32>, vector<128x85xf32>, vector<8x85xf32> -> vector<8x85xf32>
    %get3A_326 = arith.constant 0 : index
    %get3A_327 = arith.constant 0 : index
    %get3A_328 = vector.load %arg16[%get3A_326, %get3A_327] : memref<8x128xf32, #tpu.memory_space<vmem>>, vector<8x128xf32>
    %get3A_329 = arith.constant 0 : index
    %get3A_330 = arith.constant 0 : index
    %get3A_331 = vector.load %arg27[%get3A_329, %get3A_330] : memref<8x16xf32, #tpu.memory_space<vmem>>, vector<8x16xf32>
    %slice3A_332 = vector.extract_strided_slice %get3A_331 {offsets = [0, 0], sizes = [1, 16], strides = [1, 1]} : vector<8x16xf32> to vector<1x16xf32>
    %slice3A_333 = vector.extract_strided_slice %get3A_331 {offsets = [1, 0], sizes = [1, 16], strides = [1, 1]} : vector<8x16xf32> to vector<1x16xf32>
    %slice3A_334 = vector.extract_strided_slice %get3A_331 {offsets = [2, 0], sizes = [1, 16], strides = [1, 1]} : vector<8x16xf32> to vector<1x16xf32>
    %slice3A_335 = vector.extract_strided_slice %get3A_331 {offsets = [3, 0], sizes = [1, 16], strides = [1, 1]} : vector<8x16xf32> to vector<1x16xf32>
    %slice3A_336 = vector.extract_strided_slice %get3A_331 {offsets = [4, 0], sizes = [1, 16], strides = [1, 1]} : vector<8x16xf32> to vector<1x16xf32>
    %slice3A_337 = vector.extract_strided_slice %get3A_331 {offsets = [5, 0], sizes = [1, 16], strides = [1, 1]} : vector<8x16xf32> to vector<1x16xf32>
    %slice3A_338 = vector.extract_strided_slice %get3A_331 {offsets = [6, 0], sizes = [1, 16], strides = [1, 1]} : vector<8x16xf32> to vector<1x16xf32>
    %slice3A_339 = vector.extract_strided_slice %get3A_331 {offsets = [7, 0], sizes = [1, 16], strides = [1, 1]} : vector<8x16xf32> to vector<1x16xf32>
    %concatenate3A_340 = tpu.concatenate %slice3A_332, %slice3A_333, %slice3A_334, %slice3A_335, %slice3A_336, %slice3A_337, %slice3A_338, %slice3A_339 in 1 : vector<1x16xf32>, vector<1x16xf32>, vector<1x16xf32>, vector<1x16xf32>, vector<1x16xf32>, vector<1x16xf32>, vector<1x16xf32>, vector<1x16xf32> -> vector<1x128xf32>
    %transpose3A_341 = tpu.transpose %concatenate3A_340, [1, 0] : vector<1x128xf32> -> vector<128x1xf32>
    %mul3A_342 = vector.broadcast %transpose3A_341 : vector<128x1xf32> to vector<128x85xf32>
    %mul3A_343 = arith.mulf %add3A_285, %mul3A_342 : vector<128x85xf32>
    %dot_general3A_344 = arith.constant dense<0.000000e+00> : vector<8x85xf32>
    %dot_general3A_345 = tpu.matmul %get3A_328, %mul3A_343, %dot_general3A_344 {dimension_numbers = #tpu.dot_dimension_numbers<[1], [0], [0], [1], [0, 0, 1, 1], [], []>, transpose_lhs_hint = false} : vector<8x128xf32>, vector<128x85xf32>, vector<8x85xf32> -> vector<8x85xf32>
    %get3A_346 = arith.constant 0 : index
    %get3A_347 = arith.constant 0 : index
    %get3A_348 = vector.load %arg16[%get3A_346, %get3A_347] : memref<8x128xf32, #tpu.memory_space<vmem>>, vector<8x128xf32>
    %get3A_349 = arith.constant 0 : index
    %get3A_350 = arith.constant 0 : index
    %get3A_351 = vector.load %arg28[%get3A_349, %get3A_350] : memref<8x16xf32, #tpu.memory_space<vmem>>, vector<8x16xf32>
    %slice3A_352 = vector.extract_strided_slice %get3A_351 {offsets = [0, 0], sizes = [1, 16], strides = [1, 1]} : vector<8x16xf32> to vector<1x16xf32>
    %slice3A_353 = vector.extract_strided_slice %get3A_351 {offsets = [1, 0], sizes = [1, 16], strides = [1, 1]} : vector<8x16xf32> to vector<1x16xf32>
    %slice3A_354 = vector.extract_strided_slice %get3A_351 {offsets = [2, 0], sizes = [1, 16], strides = [1, 1]} : vector<8x16xf32> to vector<1x16xf32>
    %slice3A_355 = vector.extract_strided_slice %get3A_351 {offsets = [3, 0], sizes = [1, 16], strides = [1, 1]} : vector<8x16xf32> to vector<1x16xf32>
    %slice3A_356 = vector.extract_strided_slice %get3A_351 {offsets = [4, 0], sizes = [1, 16], strides = [1, 1]} : vector<8x16xf32> to vector<1x16xf32>
    %slice3A_357 = vector.extract_strided_slice %get3A_351 {offsets = [5, 0], sizes = [1, 16], strides = [1, 1]} : vector<8x16xf32> to vector<1x16xf32>
    %slice3A_358 = vector.extract_strided_slice %get3A_351 {offsets = [6, 0], sizes = [1, 16], strides = [1, 1]} : vector<8x16xf32> to vector<1x16xf32>
    %slice3A_359 = vector.extract_strided_slice %get3A_351 {offsets = [7, 0], sizes = [1, 16], strides = [1, 1]} : vector<8x16xf32> to vector<1x16xf32>
    %concatenate3A_360 = tpu.concatenate %slice3A_352, %slice3A_353, %slice3A_354, %slice3A_355, %slice3A_356, %slice3A_357, %slice3A_358, %slice3A_359 in 1 : vector<1x16xf32>, vector<1x16xf32>, vector<1x16xf32>, vector<1x16xf32>, vector<1x16xf32>, vector<1x16xf32>, vector<1x16xf32>, vector<1x16xf32> -> vector<1x128xf32>
    %transpose3A_361 = tpu.transpose %concatenate3A_360, [1, 0] : vector<1x128xf32> -> vector<128x1xf32>
    %mul3A_362 = vector.broadcast %transpose3A_361 : vector<128x1xf32> to vector<128x60xf32>
    %mul3A_363 = arith.mulf %add3A_297, %mul3A_362 : vector<128x60xf32>
    %dot_general3A_364 = arith.constant dense<0.000000e+00> : vector<8x60xf32>
    %dot_general3A_365 = tpu.matmul %get3A_348, %mul3A_363, %dot_general3A_364 {dimension_numbers = #tpu.dot_dimension_numbers<[1], [0], [0], [1], [0, 0, 1, 1], [], []>, transpose_lhs_hint = false} : vector<8x128xf32>, vector<128x60xf32>, vector<8x60xf32> -> vector<8x60xf32>
    %get3A_366 = arith.constant 0 : index
    %get3A_367 = arith.constant 0 : index
    %get3A_368 = vector.load %arg16[%get3A_366, %get3A_367] : memref<8x128xf32, #tpu.memory_space<vmem>>, vector<8x128xf32>
    %get3A_369 = arith.constant 0 : index
    %get3A_370 = arith.constant 0 : index
    %get3A_371 = vector.load %arg29[%get3A_369, %get3A_370] : memref<8x16xf32, #tpu.memory_space<vmem>>, vector<8x16xf32>
    %slice3A_372 = vector.extract_strided_slice %get3A_371 {offsets = [0, 0], sizes = [1, 16], strides = [1, 1]} : vector<8x16xf32> to vector<1x16xf32>
    %slice3A_373 = vector.extract_strided_slice %get3A_371 {offsets = [1, 0], sizes = [1, 16], strides = [1, 1]} : vector<8x16xf32> to vector<1x16xf32>
    %slice3A_374 = vector.extract_strided_slice %get3A_371 {offsets = [2, 0], sizes = [1, 16], strides = [1, 1]} : vector<8x16xf32> to vector<1x16xf32>
    %slice3A_375 = vector.extract_strided_slice %get3A_371 {offsets = [3, 0], sizes = [1, 16], strides = [1, 1]} : vector<8x16xf32> to vector<1x16xf32>
    %slice3A_376 = vector.extract_strided_slice %get3A_371 {offsets = [4, 0], sizes = [1, 16], strides = [1, 1]} : vector<8x16xf32> to vector<1x16xf32>
    %slice3A_377 = vector.extract_strided_slice %get3A_371 {offsets = [5, 0], sizes = [1, 16], strides = [1, 1]} : vector<8x16xf32> to vector<1x16xf32>
    %slice3A_378 = vector.extract_strided_slice %get3A_371 {offsets = [6, 0], sizes = [1, 16], strides = [1, 1]} : vector<8x16xf32> to vector<1x16xf32>
    %slice3A_379 = vector.extract_strided_slice %get3A_371 {offsets = [7, 0], sizes = [1, 16], strides = [1, 1]} : vector<8x16xf32> to vector<1x16xf32>
    %concatenate3A_380 = tpu.concatenate %slice3A_372, %slice3A_373, %slice3A_374, %slice3A_375, %slice3A_376, %slice3A_377, %slice3A_378, %slice3A_379 in 1 : vector<1x16xf32>, vector<1x16xf32>, vector<1x16xf32>, vector<1x16xf32>, vector<1x16xf32>, vector<1x16xf32>, vector<1x16xf32>, vector<1x16xf32> -> vector<1x128xf32>
    %transpose3A_381 = tpu.transpose %concatenate3A_380, [1, 0] : vector<1x128xf32> -> vector<128x1xf32>
    %mul3A_382 = vector.broadcast %transpose3A_381 : vector<128x1xf32> to vector<128x85xf32>
    %mul3A_383 = arith.mulf %add3A_285, %mul3A_382 : vector<128x85xf32>
    %dot_general3A_384 = arith.constant dense<0.000000e+00> : vector<8x85xf32>
    %dot_general3A_385 = tpu.matmul %get3A_368, %mul3A_383, %dot_general3A_384 {dimension_numbers = #tpu.dot_dimension_numbers<[1], [0], [0], [1], [0, 0, 1, 1], [], []>, transpose_lhs_hint = false} : vector<8x128xf32>, vector<128x85xf32>, vector<8x85xf32> -> vector<8x85xf32>
    %get3A_386 = arith.constant 0 : index
    %get3A_387 = arith.constant 0 : index
    %get3A_388 = vector.load %arg6[%get3A_386, %get3A_387] : memref<2x680xi32, #tpu.memory_space<vmem>>, vector<2x680xi32>
    %iota3A_389 = tpu.iota {dimensions = array<i32: 0>} : vector<85x680xi32>
    %slice3A_390 = vector.extract_strided_slice %get3A_388 {offsets = [0, 0], sizes = [1, 680], strides = [1, 1]} : vector<2x680xi32> to vector<1x680xi32>
    %eq3A_391 = vector.broadcast %slice3A_390 : vector<1x680xi32> to vector<85x680xi32>
    %eq3A_392 = arith.cmpi eq, %iota3A_389, %eq3A_391 : vector<85x680xi32>
    %convert_element_type3A_393 = arith.extui %eq3A_392 : vector<85x680xi1> to vector<85x680xi32>
    %convert_element_type3A_394 = arith.sitofp %convert_element_type3A_393 : vector<85x680xi32> to vector<85x680xf32>
    %iota3A_395 = tpu.iota {dimensions = array<i32: 0>} : vector<85x680xi32>
    %slice3A_396 = vector.extract_strided_slice %get3A_388 {offsets = [1, 0], sizes = [1, 680], strides = [1, 1]} : vector<2x680xi32> to vector<1x680xi32>
    %eq3A_397 = vector.broadcast %slice3A_396 : vector<1x680xi32> to vector<85x680xi32>
    %eq3A_398 = arith.cmpi eq, %iota3A_395, %eq3A_397 : vector<85x680xi32>
    %convert_element_type3A_399 = arith.extui %eq3A_398 : vector<85x680xi1> to vector<85x680xi32>
    %convert_element_type3A_400 = arith.sitofp %convert_element_type3A_399 : vector<85x680xi32> to vector<85x680xf32>
    %dot_general3A_401 = arith.constant dense<0.000000e+00> : vector<8x680xf32>
    %dot_general3A_402 = tpu.matmul %dot_general3A_325, %convert_element_type3A_394, %dot_general3A_401 {dimension_numbers = #tpu.dot_dimension_numbers<[1], [0], [0], [1], [0, 0, 1, 1], [], []>, transpose_lhs_hint = false} : vector<8x85xf32>, vector<85x680xf32>, vector<8x680xf32> -> vector<8x680xf32>
    %dot_general3A_403 = arith.constant dense<0.000000e+00> : vector<8x680xf32>
    %dot_general3A_404 = tpu.matmul %dot_general3A_345, %convert_element_type3A_400, %dot_general3A_403 {dimension_numbers = #tpu.dot_dimension_numbers<[1], [0], [0], [1], [0, 0, 1, 1], [], []>, transpose_lhs_hint = false} : vector<8x85xf32>, vector<85x680xf32>, vector<8x680xf32> -> vector<8x680xf32>
    %add3A_405 = arith.addf %dot_general3A_402, %dot_general3A_404 : vector<8x680xf32>
    %ge3A_406 = arith.constant 0.000000e+00 : f32
    %ge3A_407 = vector.broadcast %ge3A_406 : f32 to vector<8x680xf32>
    %ge3A_408 = arith.cmpf oge, %add3A_405, %ge3A_407 : vector<8x680xf32>
    %mul3A_409 = arith.constant 2.000000e-01 : f32
    %mul3A_410 = vector.broadcast %mul3A_409 : f32 to vector<8x680xf32>
    %mul3A_411 = arith.mulf %mul3A_410, %add3A_405 : vector<8x680xf32>
    %select_n3A_412 = arith.select %ge3A_408, %add3A_405, %mul3A_411 : vector<8x680xi1>, vector<8x680xf32>
    %exp3A_413 = math.exp %select_n3A_412 : vector<8x680xf32>
    %get3A_414 = arith.constant 0 : index
    %get3A_415 = arith.constant 0 : index
    %get3A_416 = vector.load %arg16[%get3A_414, %get3A_415] : memref<8x128xf32, #tpu.memory_space<vmem>>, vector<8x128xf32>
    %transpose3A_417 = tpu.transpose %get3A_416, [1, 0] : vector<8x128xf32> -> vector<128x8xf32>
    %dot_general3A_418 = arith.constant dense<0.000000e+00> : vector<128x680xf32>
    %dot_general3A_419 = tpu.matmul %transpose3A_417, %exp3A_413, %dot_general3A_418 {dimension_numbers = #tpu.dot_dimension_numbers<[1], [0], [0], [1], [0, 0, 1, 1], [], []>, transpose_lhs_hint = false} : vector<128x8xf32>, vector<8x680xf32>, vector<128x680xf32> -> vector<128x680xf32>
    %transpose3A_420 = tpu.transpose %dot_general3A_419, [1, 0] : vector<128x680xf32> -> vector<680x128xf32>
    %swap3A_421 = arith.constant 0 : index
    %swap3A_422 = arith.constant 0 : index
    %swap3A_423 = vector.load %arg44[%swap3A_421, %swap3A_422] : memref<1024x128xf32, #tpu.memory_space<vmem>>, vector<680x128xf32>
    tpu.vector_store %arg44[%swap3A_421, %swap3A_422], %transpose3A_420 {strides = array<i32>} : memref<1024x128xf32, #tpu.memory_space<vmem>>, vector<680x128xf32>,
    %broadcast_in_dim3A_424 = arith.constant 0.000000e+00 : f32
    %broadcast_in_dim3A_425 = vector.broadcast %broadcast_in_dim3A_424 : f32 to vector<344x128xf32>
    %swap3A_426 = arith.constant 680 : index
    %swap3A_427 = arith.constant 0 : index
    %swap3A_428 = vector.load %arg44[%swap3A_426, %swap3A_427] : memref<1024x128xf32, #tpu.memory_space<vmem>>, vector<344x128xf32>
    tpu.vector_store %arg44[%swap3A_426, %swap3A_427], %broadcast_in_dim3A_425 {strides = array<i32>} : memref<1024x128xf32, #tpu.memory_space<vmem>>, vector<344x128xf32>,
    %get3A_429 = arith.constant 0 : index
    %get3A_430 = arith.constant 0 : index
    %get3A_431 = vector.load %arg21[%get3A_429, %get3A_430] : memref<128x8xf32, #tpu.memory_space<vmem>>, vector<128x8xf32>
    %dot_general3A_432 = arith.constant dense<0.000000e+00> : vector<128x680xf32>
    %dot_general3A_433 = tpu.matmul %get3A_431, %exp3A_413, %dot_general3A_432 {dimension_numbers = #tpu.dot_dimension_numbers<[1], [0], [0], [1], [0, 0, 1, 1], [], []>, transpose_lhs_hint = false} : vector<128x8xf32>, vector<8x680xf32>, vector<128x680xf32> -> vector<128x680xf32>
    %transpose3A_434 = tpu.transpose %dot_general3A_433, [1, 0] : vector<128x680xf32> -> vector<680x128xf32>
    %swap3A_435 = arith.constant 0 : index
    %swap3A_436 = arith.constant 0 : index
    %swap3A_437 = vector.load %arg45[%swap3A_435, %swap3A_436] : memref<1024x128xf32, #tpu.memory_space<vmem>>, vector<680x128xf32>
    tpu.vector_store %arg45[%swap3A_435, %swap3A_436], %transpose3A_434 {strides = array<i32>} : memref<1024x128xf32, #tpu.memory_space<vmem>>, vector<680x128xf32>,
    %broadcast_in_dim3A_438 = arith.constant 0.000000e+00 : f32
    %broadcast_in_dim3A_439 = vector.broadcast %broadcast_in_dim3A_438 : f32 to vector<344x128xf32>
    %swap3A_440 = arith.constant 680 : index
    %swap3A_441 = arith.constant 0 : index
    %swap3A_442 = vector.load %arg45[%swap3A_440, %swap3A_441] : memref<1024x128xf32, #tpu.memory_space<vmem>>, vector<344x128xf32>
    tpu.vector_store %arg45[%swap3A_440, %swap3A_441], %broadcast_in_dim3A_439 {strides = array<i32>} : memref<1024x128xf32, #tpu.memory_space<vmem>>, vector<344x128xf32>,
    %broadcast_in_dim3A_443 = arith.constant 0 : i32
    %broadcast_in_dim3A_444 = vector.broadcast %broadcast_in_dim3A_443 : i32 to vector<344xi32>
    %get3A_445 = arith.constant 0 : index
    %get3A_446 = arith.constant 0 : index
    %get3A_447 = vector.load %arg6[%get3A_445, %get3A_446] : memref<2x680xi32, #tpu.memory_space<vmem>>, vector<1x680xi32>
    %get3A_448 = vector.shape_cast %get3A_447 : vector<1x680xi32> to vector<680xi32>
    %swap3A_449 = arith.constant 0 : index
    %swap3A_450 = vector.load %arg46[%swap3A_449] : memref<1024xi32, #tpu.memory_space<vmem>>, vector<680xi32>
    tpu.vector_store %arg46[%swap3A_449], %get3A_448 {strides = array<i32>} : memref<1024xi32, #tpu.memory_space<vmem>>, vector<680xi32>,
    %swap3A_451 = arith.constant 680 : index
    %swap3A_452 = vector.load %arg46[%swap3A_451] : memref<1024xi32, #tpu.memory_space<vmem>>, vector<344xi32>
    tpu.vector_store %arg46[%swap3A_451], %broadcast_in_dim3A_444 {strides = array<i32>} : memref<1024xi32, #tpu.memory_space<vmem>>, vector<344xi32>,
    %get3A_453 = arith.constant 1 : index
    %get3A_454 = arith.constant 0 : index
    %get3A_455 = vector.load %arg6[%get3A_453, %get3A_454] : memref<2x680xi32, #tpu.memory_space<vmem>>, vector<1x680xi32>
    %get3A_456 = vector.shape_cast %get3A_455 : vector<1x680xi32> to vector<680xi32>
    %swap3A_457 = arith.constant 0 : index
    %swap3A_458 = vector.load %arg47[%swap3A_457] : memref<1024xi32, #tpu.memory_space<vmem>>, vector<680xi32>
    tpu.vector_store %arg47[%swap3A_457], %get3A_456 {strides = array<i32>} : memref<1024xi32, #tpu.memory_space<vmem>>, vector<680xi32>,
    %swap3A_459 = arith.constant 680 : index
    %swap3A_460 = vector.load %arg47[%swap3A_459] : memref<1024xi32, #tpu.memory_space<vmem>>, vector<344xi32>
    tpu.vector_store %arg47[%swap3A_459], %broadcast_in_dim3A_444 {strides = array<i32>} : memref<1024xi32, #tpu.memory_space<vmem>>, vector<344xi32>,
    %get3A_461 = arith.constant 0 : index
    %get3A_462 = arith.constant 0 : index
    %get3A_463 = vector.load %arg7[%get3A_461, %get3A_462] : memref<2x1000xi32, #tpu.memory_space<vmem>>, vector<2x1000xi32>
    %iota3A_464 = tpu.iota {dimensions = array<i32: 0>} : vector<60x1000xi32>
    %slice3A_465 = vector.extract_strided_slice %get3A_463 {offsets = [0, 0], sizes = [1, 1000], strides = [1, 1]} : vector<2x1000xi32> to vector<1x1000xi32>
    %eq3A_466 = vector.broadcast %slice3A_465 : vector<1x1000xi32> to vector<60x1000xi32>
    %eq3A_467 = arith.cmpi eq, %iota3A_464, %eq3A_466 : vector<60x1000xi32>
    %convert_element_type3A_468 = arith.extui %eq3A_467 : vector<60x1000xi1> to vector<60x1000xi32>
    %convert_element_type3A_469 = arith.sitofp %convert_element_type3A_468 : vector<60x1000xi32> to vector<60x1000xf32>
    %iota3A_470 = tpu.iota {dimensions = array<i32: 0>} : vector<85x1000xi32>
    %slice3A_471 = vector.extract_strided_slice %get3A_463 {offsets = [1, 0], sizes = [1, 1000], strides = [1, 1]} : vector<2x1000xi32> to vector<1x1000xi32>
    %eq3A_472 = vector.broadcast %slice3A_471 : vector<1x1000xi32> to vector<85x1000xi32>
    %eq3A_473 = arith.cmpi eq, %iota3A_470, %eq3A_472 : vector<85x1000xi32>
    %convert_element_type3A_474 = arith.extui %eq3A_473 : vector<85x1000xi1> to vector<85x1000xi32>
    %convert_element_type3A_475 = arith.sitofp %convert_element_type3A_474 : vector<85x1000xi32> to vector<85x1000xf32>
    %dot_general3A_476 = arith.constant dense<0.000000e+00> : vector<8x1000xf32>
    %dot_general3A_477 = tpu.matmul %dot_general3A_365, %convert_element_type3A_469, %dot_general3A_476 {dimension_numbers = #tpu.dot_dimension_numbers<[1], [0], [0], [1], [0, 0, 1, 1], [], []>, transpose_lhs_hint = false} : vector<8x60xf32>, vector<60x1000xf32>, vector<8x1000xf32> -> vector<8x1000xf32>
    %dot_general3A_478 = arith.constant dense<0.000000e+00> : vector<8x1000xf32>
    %dot_general3A_479 = tpu.matmul %dot_general3A_385, %convert_element_type3A_475, %dot_general3A_478 {dimension_numbers = #tpu.dot_dimension_numbers<[1], [0], [0], [1], [0, 0, 1, 1], [], []>, transpose_lhs_hint = false} : vector<8x85xf32>, vector<85x1000xf32>, vector<8x1000xf32> -> vector<8x1000xf32>
    %add3A_480 = arith.addf %dot_general3A_477, %dot_general3A_479 : vector<8x1000xf32>
    %ge3A_481 = arith.constant 0.000000e+00 : f32
    %ge3A_482 = vector.broadcast %ge3A_481 : f32 to vector<8x1000xf32>
    %ge3A_483 = arith.cmpf oge, %add3A_480, %ge3A_482 : vector<8x1000xf32>
    %mul3A_484 = arith.constant 2.000000e-01 : f32
    %mul3A_485 = vector.broadcast %mul3A_484 : f32 to vector<8x1000xf32>
    %mul3A_486 = arith.mulf %mul3A_485, %add3A_480 : vector<8x1000xf32>
    %select_n3A_487 = arith.select %ge3A_483, %add3A_480, %mul3A_486 : vector<8x1000xi1>, vector<8x1000xf32>
    %exp3A_488 = math.exp %select_n3A_487 : vector<8x1000xf32>
    %get3A_489 = arith.constant 0 : index
    %get3A_490 = arith.constant 0 : index
    %get3A_491 = vector.load %arg16[%get3A_489, %get3A_490] : memref<8x128xf32, #tpu.memory_space<vmem>>, vector<8x128xf32>
    %transpose3A_492 = tpu.transpose %get3A_491, [1, 0] : vector<8x128xf32> -> vector<128x8xf32>
    %dot_general3A_493 = arith.constant dense<0.000000e+00> : vector<128x1000xf32>
    %dot_general3A_494 = tpu.matmul %transpose3A_492, %exp3A_488, %dot_general3A_493 {dimension_numbers = #tpu.dot_dimension_numbers<[1], [0], [0], [1], [0, 0, 1, 1], [], []>, transpose_lhs_hint = false} : vector<128x8xf32>, vector<8x1000xf32>, vector<128x1000xf32> -> vector<128x1000xf32>
    %transpose3A_495 = tpu.transpose %dot_general3A_494, [1, 0] : vector<128x1000xf32> -> vector<1000x128xf32>
    %swap3A_496 = arith.constant 0 : index
    %swap3A_497 = arith.constant 0 : index
    %swap3A_498 = vector.load %arg48[%swap3A_496, %swap3A_497] : memref<1024x128xf32, #tpu.memory_space<vmem>>, vector<1000x128xf32>
    tpu.vector_store %arg48[%swap3A_496, %swap3A_497], %transpose3A_495 {strides = array<i32>} : memref<1024x128xf32, #tpu.memory_space<vmem>>, vector<1000x128xf32>,
    %broadcast_in_dim3A_499 = arith.constant 0.000000e+00 : f32
    %broadcast_in_dim3A_500 = vector.broadcast %broadcast_in_dim3A_499 : f32 to vector<24x128xf32>
    %swap3A_501 = arith.constant 1000 : index
    %swap3A_502 = arith.constant 0 : index
    %swap3A_503 = vector.load %arg48[%swap3A_501, %swap3A_502] : memref<1024x128xf32, #tpu.memory_space<vmem>>, vector<24x128xf32>
    tpu.vector_store %arg48[%swap3A_501, %swap3A_502], %broadcast_in_dim3A_500 {strides = array<i32>} : memref<1024x128xf32, #tpu.memory_space<vmem>>, vector<24x128xf32>,
    %get3A_504 = arith.constant 0 : index
    %get3A_505 = arith.constant 0 : index
    %get3A_506 = vector.load %arg21[%get3A_504, %get3A_505] : memref<128x8xf32, #tpu.memory_space<vmem>>, vector<128x8xf32>
    %dot_general3A_507 = arith.constant dense<0.000000e+00> : vector<128x1000xf32>
    %dot_general3A_508 = tpu.matmul %get3A_506, %exp3A_488, %dot_general3A_507 {dimension_numbers = #tpu.dot_dimension_numbers<[1], [0], [0], [1], [0, 0, 1, 1], [], []>, transpose_lhs_hint = false} : vector<128x8xf32>, vector<8x1000xf32>, vector<128x1000xf32> -> vector<128x1000xf32>
    %transpose3A_509 = tpu.transpose %dot_general3A_508, [1, 0] : vector<128x1000xf32> -> vector<1000x128xf32>
    %swap3A_510 = arith.constant 0 : index
    %swap3A_511 = arith.constant 0 : index
    %swap3A_512 = vector.load %arg49[%swap3A_510, %swap3A_511] : memref<1024x128xf32, #tpu.memory_space<vmem>>, vector<1000x128xf32>
    tpu.vector_store %arg49[%swap3A_510, %swap3A_511], %transpose3A_509 {strides = array<i32>} : memref<1024x128xf32, #tpu.memory_space<vmem>>, vector<1000x128xf32>,
    %broadcast_in_dim3A_513 = arith.constant 0.000000e+00 : f32
    %broadcast_in_dim3A_514 = vector.broadcast %broadcast_in_dim3A_513 : f32 to vector<24x128xf32>
    %swap3A_515 = arith.constant 1000 : index
    %swap3A_516 = arith.constant 0 : index
    %swap3A_517 = vector.load %arg49[%swap3A_515, %swap3A_516] : memref<1024x128xf32, #tpu.memory_space<vmem>>, vector<24x128xf32>
    tpu.vector_store %arg49[%swap3A_515, %swap3A_516], %broadcast_in_dim3A_514 {strides = array<i32>} : memref<1024x128xf32, #tpu.memory_space<vmem>>, vector<24x128xf32>,
    %broadcast_in_dim3A_518 = arith.constant 0 : i32
    %broadcast_in_dim3A_519 = vector.broadcast %broadcast_in_dim3A_518 : i32 to vector<24xi32>
    %get3A_520 = arith.constant 0 : index
    %get3A_521 = arith.constant 0 : index
    %get3A_522 = vector.load %arg7[%get3A_520, %get3A_521] : memref<2x1000xi32, #tpu.memory_space<vmem>>, vector<1x1000xi32>
    %get3A_523 = vector.shape_cast %get3A_522 : vector<1x1000xi32> to vector<1000xi32>
    %swap3A_524 = arith.constant 0 : index
    %swap3A_525 = vector.load %arg50[%swap3A_524] : memref<1024xi32, #tpu.memory_space<vmem>>, vector<1000xi32>
    tpu.vector_store %arg50[%swap3A_524], %get3A_523 {strides = array<i32>} : memref<1024xi32, #tpu.memory_space<vmem>>, vector<1000xi32>,
    %swap3A_526 = arith.constant 1000 : index
    %swap3A_527 = vector.load %arg50[%swap3A_526] : memref<1024xi32, #tpu.memory_space<vmem>>, vector<24xi32>
    tpu.vector_store %arg50[%swap3A_526], %broadcast_in_dim3A_519 {strides = array<i32>} : memref<1024xi32, #tpu.memory_space<vmem>>, vector<24xi32>,
    %get3A_528 = arith.constant 1 : index
    %get3A_529 = arith.constant 0 : index
    %get3A_530 = vector.load %arg7[%get3A_528, %get3A_529] : memref<2x1000xi32, #tpu.memory_space<vmem>>, vector<1x1000xi32>
    %get3A_531 = vector.shape_cast %get3A_530 : vector<1x1000xi32> to vector<1000xi32>
    %swap3A_532 = arith.constant 0 : index
    %swap3A_533 = vector.load %arg51[%swap3A_532] : memref<1024xi32, #tpu.memory_space<vmem>>, vector<1000xi32>
    tpu.vector_store %arg51[%swap3A_532], %get3A_531 {strides = array<i32>} : memref<1024xi32, #tpu.memory_space<vmem>>, vector<1000xi32>,
    %swap3A_534 = arith.constant 1000 : index
    %swap3A_535 = vector.load %arg51[%swap3A_534] : memref<1024xi32, #tpu.memory_space<vmem>>, vector<24xi32>
    tpu.vector_store %arg51[%swap3A_534], %broadcast_in_dim3A_519 {strides = array<i32>} : memref<1024xi32, #tpu.memory_space<vmem>>, vector<24xi32>,
    return
  }
}

module attributes {stable_mosaic.version = 14 : i64} {
  func.func @_reduce_body(%arg0: memref<88x128xf32, #tpu.memory_space<vmem>>, %arg1: memref<440x128xf32, #tpu.memory_space<vmem>>, %arg2: memref<88x128xf32, #tpu.memory_space<vmem>>, %arg3: memref<88x128xf32, #tpu.memory_space<vmem>>, %arg4: memref<88x128xf32, #tpu.memory_space<vmem>>, %arg5: memref<88x128xf32, #tpu.memory_space<vmem>>, %arg6: memref<85x128xf32, #tpu.memory_space<vmem>>, %arg7: memref<438x128xf32, #tpu.memory_space<vmem>>, %arg8: memref<85x2xf32, #tpu.memory_space<vmem>>, %arg9: memref<438x2xf32, #tpu.memory_space<vmem>>, %arg10: memref<120xf32, #tpu.memory_space<vmem>>, %arg11: memref<20xf32, #tpu.memory_space<vmem>>, %arg12: memref<128x128xf32, #tpu.memory_space<vmem>>, %arg13: memref<128xf32, #tpu.memory_space<vmem>>, %arg14: memref<128xf32, #tpu.memory_space<vmem>>, %arg15: memref<128x120xf32, #tpu.memory_space<vmem>>, %arg16: memref<120xf32, #tpu.memory_space<vmem>>, %arg17: memref<85x120xf32, #tpu.memory_space<vmem>>, %arg18: memref<438x20xf32, #tpu.memory_space<vmem>>, %arg19: memref<85x120xf32, #tpu.memory_space<vmem>>) attributes {dimension_semantics = [], scalar_prefetch = 0 : i64, scratch_operands = 0 : i64, tpu.core_type = #tpu.core_type<tc>} {
    %get3A = arith.constant 0 : index
    %get3A_0 = arith.constant 0 : index
    %get3A_1 = vector.load %arg0[%get3A, %get3A_0] : memref<88x128xf32, #tpu.memory_space<vmem>>, vector<88x128xf32>
    %slice3A = vector.extract_strided_slice %get3A_1 {offsets = [0, 0], sizes = [85, 128], strides = [1, 1]} : vector<88x128xf32> to vector<85x128xf32>
    %get3A_2 = arith.constant 0 : index
    %get3A_3 = arith.constant 0 : index
    %get3A_4 = vector.load %arg8[%get3A_2, %get3A_3] : memref<85x2xf32, #tpu.memory_space<vmem>>, vector<85x2xf32>
    %get3A_5 = arith.constant 0 : index
    %get3A_6 = arith.constant 0 : index
    %get3A_7 = vector.load %arg6[%get3A_5, %get3A_6] : memref<85x128xf32, #tpu.memory_space<vmem>>, vector<85x128xf32>
    %slice3A_8 = vector.extract_strided_slice %slice3A {offsets = [0, 0], sizes = [85, 60], strides = [1, 1]} : vector<85x128xf32> to vector<85x60xf32>
    %slice3A_9 = vector.extract_strided_slice %get3A_4 {offsets = [0, 0], sizes = [85, 1], strides = [1, 1]} : vector<85x2xf32> to vector<85x1xf32>
    %slice3A_10 = vector.extract_strided_slice %get3A_7 {offsets = [0, 0], sizes = [85, 60], strides = [1, 1]} : vector<85x128xf32> to vector<85x60xf32>
    %mul3A = vector.broadcast %slice3A_9 : vector<85x1xf32> to vector<85x60xf32>
    %mul3A_11 = arith.mulf %mul3A, %slice3A_10 : vector<85x60xf32>
    %add3A = arith.addf %slice3A_8, %mul3A_11 : vector<85x60xf32>
    %slice3A_12 = vector.extract_strided_slice %slice3A {offsets = [0, 64], sizes = [85, 60], strides = [1, 1]} : vector<85x128xf32> to vector<85x60xf32>
    %slice3A_13 = vector.extract_strided_slice %get3A_4 {offsets = [0, 1], sizes = [85, 1], strides = [1, 1]} : vector<85x2xf32> to vector<85x1xf32>
    %slice3A_14 = vector.extract_strided_slice %get3A_7 {offsets = [0, 64], sizes = [85, 60], strides = [1, 1]} : vector<85x128xf32> to vector<85x60xf32>
    %mul3A_15 = vector.broadcast %slice3A_13 : vector<85x1xf32> to vector<85x60xf32>
    %mul3A_16 = arith.mulf %mul3A_15, %slice3A_14 : vector<85x60xf32>
    %add3A_17 = arith.addf %slice3A_12, %mul3A_16 : vector<85x60xf32>
    %slice3A_18 = vector.extract_strided_slice %slice3A {offsets = [0, 60], sizes = [85, 1], strides = [1, 1]} : vector<85x128xf32> to vector<85x1xf32>
    %slice3A_19 = vector.extract_strided_slice %get3A_4 {offsets = [0, 0], sizes = [85, 1], strides = [1, 1]} : vector<85x2xf32> to vector<85x1xf32>
    %add3A_20 = arith.addf %slice3A_18, %slice3A_19 : vector<85x1xf32>
    %add3A_21 = arith.constant 1.000000e-16 : f32
    %add3A_22 = vector.broadcast %add3A_21 : f32 to vector<85x1xf32>
    %add3A_23 = arith.addf %add3A_20, %add3A_22 : vector<85x1xf32>
    %slice3A_24 = vector.extract_strided_slice %slice3A {offsets = [0, 61], sizes = [85, 1], strides = [1, 1]} : vector<85x128xf32> to vector<85x1xf32>
    %slice3A_25 = vector.extract_strided_slice %get3A_4 {offsets = [0, 1], sizes = [85, 1], strides = [1, 1]} : vector<85x2xf32> to vector<85x1xf32>
    %add3A_26 = arith.addf %slice3A_24, %slice3A_25 : vector<85x1xf32>
    %add3A_27 = arith.constant 1.000000e-16 : f32
    %add3A_28 = vector.broadcast %add3A_27 : f32 to vector<85x1xf32>
    %add3A_29 = arith.addf %add3A_26, %add3A_28 : vector<85x1xf32>
    %div3A = vector.broadcast %add3A_23 : vector<85x1xf32> to vector<85x60xf32>
    %div3A_30 = arith.divf %add3A, %div3A : vector<85x60xf32>
    %div3A_31 = vector.broadcast %add3A_29 : vector<85x1xf32> to vector<85x60xf32>
    %div3A_32 = arith.divf %add3A_17, %div3A_31 : vector<85x60xf32>
    %concatenate3A = tpu.concatenate %div3A_30, %div3A_32 in 1 : vector<85x60xf32>, vector<85x60xf32> -> vector<85x120xf32>
    %get3A_33 = arith.constant 0 : index
    %get3A_34 = vector.load %arg10[%get3A_33] : memref<120xf32, #tpu.memory_space<vmem>>, vector<120xf32>
    %broadcast_in_dim3A = vector.shape_cast %get3A_34 : vector<120xf32> to vector<1x120xf32>
    %add3A_35 = vector.broadcast %broadcast_in_dim3A : vector<1x120xf32> to vector<85x120xf32>
    %add3A_36 = arith.addf %concatenate3A, %add3A_35 : vector<85x120xf32>
    %max3A = arith.constant 0.000000e+00 : f32
    %max3A_37 = vector.broadcast %max3A : f32 to vector<85x120xf32>
    %max3A_38 = arith.maximumf %add3A_36, %max3A_37 : vector<85x120xf32>
    %swap3A = arith.constant 0 : index
    %swap3A_39 = arith.constant 0 : index
    %swap3A_40 = vector.load %arg17[%swap3A, %swap3A_39] : memref<85x120xf32, #tpu.memory_space<vmem>>, vector<85x120xf32>
    tpu.vector_store %arg17[%swap3A, %swap3A_39], %max3A_38 {strides = array<i32>} : memref<85x120xf32, #tpu.memory_space<vmem>>, vector<85x120xf32>,
    %get3A_41 = arith.constant 0 : index
    %get3A_42 = arith.constant 0 : index
    %get3A_43 = vector.load %arg1[%get3A_41, %get3A_42] : memref<440x128xf32, #tpu.memory_space<vmem>>, vector<440x128xf32>
    %slice3A_44 = vector.extract_strided_slice %get3A_43 {offsets = [0, 0], sizes = [438, 128], strides = [1, 1]} : vector<440x128xf32> to vector<438x128xf32>
    %get3A_45 = arith.constant 0 : index
    %get3A_46 = arith.constant 0 : index
    %get3A_47 = vector.load %arg9[%get3A_45, %get3A_46] : memref<438x2xf32, #tpu.memory_space<vmem>>, vector<438x2xf32>
    %get3A_48 = arith.constant 0 : index
    %get3A_49 = arith.constant 0 : index
    %get3A_50 = vector.load %arg7[%get3A_48, %get3A_49] : memref<438x128xf32, #tpu.memory_space<vmem>>, vector<438x128xf32>
    %slice3A_51 = vector.extract_strided_slice %slice3A_44 {offsets = [0, 0], sizes = [438, 10], strides = [1, 1]} : vector<438x128xf32> to vector<438x10xf32>
    %slice3A_52 = vector.extract_strided_slice %get3A_47 {offsets = [0, 0], sizes = [438, 1], strides = [1, 1]} : vector<438x2xf32> to vector<438x1xf32>
    %slice3A_53 = vector.extract_strided_slice %get3A_50 {offsets = [0, 0], sizes = [438, 10], strides = [1, 1]} : vector<438x128xf32> to vector<438x10xf32>
    %mul3A_54 = vector.broadcast %slice3A_52 : vector<438x1xf32> to vector<438x10xf32>
    %mul3A_55 = arith.mulf %mul3A_54, %slice3A_53 : vector<438x10xf32>
    %add3A_56 = arith.addf %slice3A_51, %mul3A_55 : vector<438x10xf32>
    %slice3A_57 = vector.extract_strided_slice %slice3A_44 {offsets = [0, 16], sizes = [438, 10], strides = [1, 1]} : vector<438x128xf32> to vector<438x10xf32>
    %slice3A_58 = vector.extract_strided_slice %get3A_47 {offsets = [0, 1], sizes = [438, 1], strides = [1, 1]} : vector<438x2xf32> to vector<438x1xf32>
    %slice3A_59 = vector.extract_strided_slice %get3A_50 {offsets = [0, 16], sizes = [438, 10], strides = [1, 1]} : vector<438x128xf32> to vector<438x10xf32>
    %mul3A_60 = vector.broadcast %slice3A_58 : vector<438x1xf32> to vector<438x10xf32>
    %mul3A_61 = arith.mulf %mul3A_60, %slice3A_59 : vector<438x10xf32>
    %add3A_62 = arith.addf %slice3A_57, %mul3A_61 : vector<438x10xf32>
    %slice3A_63 = vector.extract_strided_slice %slice3A_44 {offsets = [0, 32], sizes = [438, 1], strides = [1, 1]} : vector<438x128xf32> to vector<438x1xf32>
    %slice3A_64 = vector.extract_strided_slice %get3A_47 {offsets = [0, 0], sizes = [438, 1], strides = [1, 1]} : vector<438x2xf32> to vector<438x1xf32>
    %add3A_65 = arith.addf %slice3A_63, %slice3A_64 : vector<438x1xf32>
    %add3A_66 = arith.constant 1.000000e-16 : f32
    %add3A_67 = vector.broadcast %add3A_66 : f32 to vector<438x1xf32>
    %add3A_68 = arith.addf %add3A_65, %add3A_67 : vector<438x1xf32>
    %slice3A_69 = vector.extract_strided_slice %slice3A_44 {offsets = [0, 33], sizes = [438, 1], strides = [1, 1]} : vector<438x128xf32> to vector<438x1xf32>
    %slice3A_70 = vector.extract_strided_slice %get3A_47 {offsets = [0, 1], sizes = [438, 1], strides = [1, 1]} : vector<438x2xf32> to vector<438x1xf32>
    %add3A_71 = arith.addf %slice3A_69, %slice3A_70 : vector<438x1xf32>
    %add3A_72 = arith.constant 1.000000e-16 : f32
    %add3A_73 = vector.broadcast %add3A_72 : f32 to vector<438x1xf32>
    %add3A_74 = arith.addf %add3A_71, %add3A_73 : vector<438x1xf32>
    %div3A_75 = vector.broadcast %add3A_68 : vector<438x1xf32> to vector<438x10xf32>
    %div3A_76 = arith.divf %add3A_56, %div3A_75 : vector<438x10xf32>
    %div3A_77 = vector.broadcast %add3A_74 : vector<438x1xf32> to vector<438x10xf32>
    %div3A_78 = arith.divf %add3A_62, %div3A_77 : vector<438x10xf32>
    %concatenate3A_79 = tpu.concatenate %div3A_76, %div3A_78 in 1 : vector<438x10xf32>, vector<438x10xf32> -> vector<438x20xf32>
    %get3A_80 = arith.constant 0 : index
    %get3A_81 = vector.load %arg11[%get3A_80] : memref<20xf32, #tpu.memory_space<vmem>>, vector<20xf32>
    %broadcast_in_dim3A_82 = vector.shape_cast %get3A_81 : vector<20xf32> to vector<1x20xf32>
    %add3A_83 = vector.broadcast %broadcast_in_dim3A_82 : vector<1x20xf32> to vector<438x20xf32>
    %add3A_84 = arith.addf %concatenate3A_79, %add3A_83 : vector<438x20xf32>
    %max3A_85 = arith.constant 0.000000e+00 : f32
    %max3A_86 = vector.broadcast %max3A_85 : f32 to vector<438x20xf32>
    %max3A_87 = arith.maximumf %add3A_84, %max3A_86 : vector<438x20xf32>
    %swap3A_88 = arith.constant 0 : index
    %swap3A_89 = arith.constant 0 : index
    %swap3A_90 = vector.load %arg18[%swap3A_88, %swap3A_89] : memref<438x20xf32, #tpu.memory_space<vmem>>, vector<438x20xf32>
    tpu.vector_store %arg18[%swap3A_88, %swap3A_89], %max3A_87 {strides = array<i32>} : memref<438x20xf32, #tpu.memory_space<vmem>>, vector<438x20xf32>,
    %get3A_91 = arith.constant 0 : index
    %get3A_92 = arith.constant 0 : index
    %get3A_93 = vector.load %arg2[%get3A_91, %get3A_92] : memref<88x128xf32, #tpu.memory_space<vmem>>, vector<88x128xf32>
    %slice3A_94 = vector.extract_strided_slice %get3A_93 {offsets = [0, 0], sizes = [85, 128], strides = [1, 1]} : vector<88x128xf32> to vector<85x128xf32>
    %get3A_95 = arith.constant 0 : index
    %get3A_96 = arith.constant 0 : index
    %get3A_97 = vector.load %arg3[%get3A_95, %get3A_96] : memref<88x128xf32, #tpu.memory_space<vmem>>, vector<88x128xf32>
    %slice3A_98 = vector.extract_strided_slice %get3A_97 {offsets = [0, 0], sizes = [85, 8], strides = [1, 1]} : vector<88x128xf32> to vector<85x8xf32>
    %slice3A_99 = vector.extract_strided_slice %slice3A_94 {offsets = [0, 0], sizes = [85, 16], strides = [1, 1]} : vector<85x128xf32> to vector<85x16xf32>
    %slice3A_100 = vector.extract_strided_slice %slice3A_98 {offsets = [0, 0], sizes = [85, 1], strides = [1, 1]} : vector<85x8xf32> to vector<85x1xf32>
    %add3A_101 = arith.constant 1.000000e-16 : f32
    %add3A_102 = vector.broadcast %add3A_101 : f32 to vector<85x1xf32>
    %add3A_103 = arith.addf %slice3A_100, %add3A_102 : vector<85x1xf32>
    %div3A_104 = vector.broadcast %add3A_103 : vector<85x1xf32> to vector<85x16xf32>
    %div3A_105 = arith.divf %slice3A_99, %div3A_104 : vector<85x16xf32>
    %slice3A_106 = vector.extract_strided_slice %slice3A_94 {offsets = [0, 16], sizes = [85, 16], strides = [1, 1]} : vector<85x128xf32> to vector<85x16xf32>
    %slice3A_107 = vector.extract_strided_slice %slice3A_98 {offsets = [0, 1], sizes = [85, 1], strides = [1, 1]} : vector<85x8xf32> to vector<85x1xf32>
    %add3A_108 = arith.constant 1.000000e-16 : f32
    %add3A_109 = vector.broadcast %add3A_108 : f32 to vector<85x1xf32>
    %add3A_110 = arith.addf %slice3A_107, %add3A_109 : vector<85x1xf32>
    %div3A_111 = vector.broadcast %add3A_110 : vector<85x1xf32> to vector<85x16xf32>
    %div3A_112 = arith.divf %slice3A_106, %div3A_111 : vector<85x16xf32>
    %slice3A_113 = vector.extract_strided_slice %slice3A_94 {offsets = [0, 32], sizes = [85, 16], strides = [1, 1]} : vector<85x128xf32> to vector<85x16xf32>
    %slice3A_114 = vector.extract_strided_slice %slice3A_98 {offsets = [0, 2], sizes = [85, 1], strides = [1, 1]} : vector<85x8xf32> to vector<85x1xf32>
    %add3A_115 = arith.constant 1.000000e-16 : f32
    %add3A_116 = vector.broadcast %add3A_115 : f32 to vector<85x1xf32>
    %add3A_117 = arith.addf %slice3A_114, %add3A_116 : vector<85x1xf32>
    %div3A_118 = vector.broadcast %add3A_117 : vector<85x1xf32> to vector<85x16xf32>
    %div3A_119 = arith.divf %slice3A_113, %div3A_118 : vector<85x16xf32>
    %slice3A_120 = vector.extract_strided_slice %slice3A_94 {offsets = [0, 48], sizes = [85, 16], strides = [1, 1]} : vector<85x128xf32> to vector<85x16xf32>
    %slice3A_121 = vector.extract_strided_slice %slice3A_98 {offsets = [0, 3], sizes = [85, 1], strides = [1, 1]} : vector<85x8xf32> to vector<85x1xf32>
    %add3A_122 = arith.constant 1.000000e-16 : f32
    %add3A_123 = vector.broadcast %add3A_122 : f32 to vector<85x1xf32>
    %add3A_124 = arith.addf %slice3A_121, %add3A_123 : vector<85x1xf32>
    %div3A_125 = vector.broadcast %add3A_124 : vector<85x1xf32> to vector<85x16xf32>
    %div3A_126 = arith.divf %slice3A_120, %div3A_125 : vector<85x16xf32>
    %slice3A_127 = vector.extract_strided_slice %slice3A_94 {offsets = [0, 64], sizes = [85, 16], strides = [1, 1]} : vector<85x128xf32> to vector<85x16xf32>
    %slice3A_128 = vector.extract_strided_slice %slice3A_98 {offsets = [0, 4], sizes = [85, 1], strides = [1, 1]} : vector<85x8xf32> to vector<85x1xf32>
    %add3A_129 = arith.constant 1.000000e-16 : f32
    %add3A_130 = vector.broadcast %add3A_129 : f32 to vector<85x1xf32>
    %add3A_131 = arith.addf %slice3A_128, %add3A_130 : vector<85x1xf32>
    %div3A_132 = vector.broadcast %add3A_131 : vector<85x1xf32> to vector<85x16xf32>
    %div3A_133 = arith.divf %slice3A_127, %div3A_132 : vector<85x16xf32>
    %slice3A_134 = vector.extract_strided_slice %slice3A_94 {offsets = [0, 80], sizes = [85, 16], strides = [1, 1]} : vector<85x128xf32> to vector<85x16xf32>
    %slice3A_135 = vector.extract_strided_slice %slice3A_98 {offsets = [0, 5], sizes = [85, 1], strides = [1, 1]} : vector<85x8xf32> to vector<85x1xf32>
    %add3A_136 = arith.constant 1.000000e-16 : f32
    %add3A_137 = vector.broadcast %add3A_136 : f32 to vector<85x1xf32>
    %add3A_138 = arith.addf %slice3A_135, %add3A_137 : vector<85x1xf32>
    %div3A_139 = vector.broadcast %add3A_138 : vector<85x1xf32> to vector<85x16xf32>
    %div3A_140 = arith.divf %slice3A_134, %div3A_139 : vector<85x16xf32>
    %slice3A_141 = vector.extract_strided_slice %slice3A_94 {offsets = [0, 96], sizes = [85, 16], strides = [1, 1]} : vector<85x128xf32> to vector<85x16xf32>
    %slice3A_142 = vector.extract_strided_slice %slice3A_98 {offsets = [0, 6], sizes = [85, 1], strides = [1, 1]} : vector<85x8xf32> to vector<85x1xf32>
    %add3A_143 = arith.constant 1.000000e-16 : f32
    %add3A_144 = vector.broadcast %add3A_143 : f32 to vector<85x1xf32>
    %add3A_145 = arith.addf %slice3A_142, %add3A_144 : vector<85x1xf32>
    %div3A_146 = vector.broadcast %add3A_145 : vector<85x1xf32> to vector<85x16xf32>
    %div3A_147 = arith.divf %slice3A_141, %div3A_146 : vector<85x16xf32>
    %slice3A_148 = vector.extract_strided_slice %slice3A_94 {offsets = [0, 112], sizes = [85, 16], strides = [1, 1]} : vector<85x128xf32> to vector<85x16xf32>
    %slice3A_149 = vector.extract_strided_slice %slice3A_98 {offsets = [0, 7], sizes = [85, 1], strides = [1, 1]} : vector<85x8xf32> to vector<85x1xf32>
    %add3A_150 = arith.constant 1.000000e-16 : f32
    %add3A_151 = vector.broadcast %add3A_150 : f32 to vector<85x1xf32>
    %add3A_152 = arith.addf %slice3A_149, %add3A_151 : vector<85x1xf32>
    %div3A_153 = vector.broadcast %add3A_152 : vector<85x1xf32> to vector<85x16xf32>
    %div3A_154 = arith.divf %slice3A_148, %div3A_153 : vector<85x16xf32>
    %concatenate3A_155 = tpu.concatenate %div3A_105, %div3A_112, %div3A_119, %div3A_126, %div3A_133, %div3A_140, %div3A_147, %div3A_154 in 1 : vector<85x16xf32>, vector<85x16xf32>, vector<85x16xf32>, vector<85x16xf32>, vector<85x16xf32>, vector<85x16xf32>, vector<85x16xf32>, vector<85x16xf32> -> vector<85x128xf32>
    %max3A_156 = arith.constant 0.000000e+00 : f32
    %max3A_157 = vector.broadcast %max3A_156 : f32 to vector<85x128xf32>
    %max3A_158 = arith.maximumf %concatenate3A_155, %max3A_157 : vector<85x128xf32>
    %transpose3A = tpu.transpose %max3A_158, [1, 0] : vector<85x128xf32> -> vector<128x85xf32>
    %get3A_159 = arith.constant 0 : index
    %get3A_160 = arith.constant 0 : index
    %get3A_161 = vector.load %arg4[%get3A_159, %get3A_160] : memref<88x128xf32, #tpu.memory_space<vmem>>, vector<88x128xf32>
    %slice3A_162 = vector.extract_strided_slice %get3A_161 {offsets = [0, 0], sizes = [85, 128], strides = [1, 1]} : vector<88x128xf32> to vector<85x128xf32>
    %get3A_163 = arith.constant 0 : index
    %get3A_164 = arith.constant 0 : index
    %get3A_165 = vector.load %arg5[%get3A_163, %get3A_164] : memref<88x128xf32, #tpu.memory_space<vmem>>, vector<88x128xf32>
    %slice3A_166 = vector.extract_strided_slice %get3A_165 {offsets = [0, 0], sizes = [85, 8], strides = [1, 1]} : vector<88x128xf32> to vector<85x8xf32>
    %slice3A_167 = vector.extract_strided_slice %slice3A_162 {offsets = [0, 0], sizes = [85, 16], strides = [1, 1]} : vector<85x128xf32> to vector<85x16xf32>
    %slice3A_168 = vector.extract_strided_slice %slice3A_166 {offsets = [0, 0], sizes = [85, 1], strides = [1, 1]} : vector<85x8xf32> to vector<85x1xf32>
    %add3A_169 = arith.constant 1.000000e-16 : f32
    %add3A_170 = vector.broadcast %add3A_169 : f32 to vector<85x1xf32>
    %add3A_171 = arith.addf %slice3A_168, %add3A_170 : vector<85x1xf32>
    %div3A_172 = vector.broadcast %add3A_171 : vector<85x1xf32> to vector<85x16xf32>
    %div3A_173 = arith.divf %slice3A_167, %div3A_172 : vector<85x16xf32>
    %slice3A_174 = vector.extract_strided_slice %slice3A_162 {offsets = [0, 16], sizes = [85, 16], strides = [1, 1]} : vector<85x128xf32> to vector<85x16xf32>
    %slice3A_175 = vector.extract_strided_slice %slice3A_166 {offsets = [0, 1], sizes = [85, 1], strides = [1, 1]} : vector<85x8xf32> to vector<85x1xf32>
    %add3A_176 = arith.constant 1.000000e-16 : f32
    %add3A_177 = vector.broadcast %add3A_176 : f32 to vector<85x1xf32>
    %add3A_178 = arith.addf %slice3A_175, %add3A_177 : vector<85x1xf32>
    %div3A_179 = vector.broadcast %add3A_178 : vector<85x1xf32> to vector<85x16xf32>
    %div3A_180 = arith.divf %slice3A_174, %div3A_179 : vector<85x16xf32>
    %slice3A_181 = vector.extract_strided_slice %slice3A_162 {offsets = [0, 32], sizes = [85, 16], strides = [1, 1]} : vector<85x128xf32> to vector<85x16xf32>
    %slice3A_182 = vector.extract_strided_slice %slice3A_166 {offsets = [0, 2], sizes = [85, 1], strides = [1, 1]} : vector<85x8xf32> to vector<85x1xf32>
    %add3A_183 = arith.constant 1.000000e-16 : f32
    %add3A_184 = vector.broadcast %add3A_183 : f32 to vector<85x1xf32>
    %add3A_185 = arith.addf %slice3A_182, %add3A_184 : vector<85x1xf32>
    %div3A_186 = vector.broadcast %add3A_185 : vector<85x1xf32> to vector<85x16xf32>
    %div3A_187 = arith.divf %slice3A_181, %div3A_186 : vector<85x16xf32>
    %slice3A_188 = vector.extract_strided_slice %slice3A_162 {offsets = [0, 48], sizes = [85, 16], strides = [1, 1]} : vector<85x128xf32> to vector<85x16xf32>
    %slice3A_189 = vector.extract_strided_slice %slice3A_166 {offsets = [0, 3], sizes = [85, 1], strides = [1, 1]} : vector<85x8xf32> to vector<85x1xf32>
    %add3A_190 = arith.constant 1.000000e-16 : f32
    %add3A_191 = vector.broadcast %add3A_190 : f32 to vector<85x1xf32>
    %add3A_192 = arith.addf %slice3A_189, %add3A_191 : vector<85x1xf32>
    %div3A_193 = vector.broadcast %add3A_192 : vector<85x1xf32> to vector<85x16xf32>
    %div3A_194 = arith.divf %slice3A_188, %div3A_193 : vector<85x16xf32>
    %slice3A_195 = vector.extract_strided_slice %slice3A_162 {offsets = [0, 64], sizes = [85, 16], strides = [1, 1]} : vector<85x128xf32> to vector<85x16xf32>
    %slice3A_196 = vector.extract_strided_slice %slice3A_166 {offsets = [0, 4], sizes = [85, 1], strides = [1, 1]} : vector<85x8xf32> to vector<85x1xf32>
    %add3A_197 = arith.constant 1.000000e-16 : f32
    %add3A_198 = vector.broadcast %add3A_197 : f32 to vector<85x1xf32>
    %add3A_199 = arith.addf %slice3A_196, %add3A_198 : vector<85x1xf32>
    %div3A_200 = vector.broadcast %add3A_199 : vector<85x1xf32> to vector<85x16xf32>
    %div3A_201 = arith.divf %slice3A_195, %div3A_200 : vector<85x16xf32>
    %slice3A_202 = vector.extract_strided_slice %slice3A_162 {offsets = [0, 80], sizes = [85, 16], strides = [1, 1]} : vector<85x128xf32> to vector<85x16xf32>
    %slice3A_203 = vector.extract_strided_slice %slice3A_166 {offsets = [0, 5], sizes = [85, 1], strides = [1, 1]} : vector<85x8xf32> to vector<85x1xf32>
    %add3A_204 = arith.constant 1.000000e-16 : f32
    %add3A_205 = vector.broadcast %add3A_204 : f32 to vector<85x1xf32>
    %add3A_206 = arith.addf %slice3A_203, %add3A_205 : vector<85x1xf32>
    %div3A_207 = vector.broadcast %add3A_206 : vector<85x1xf32> to vector<85x16xf32>
    %div3A_208 = arith.divf %slice3A_202, %div3A_207 : vector<85x16xf32>
    %slice3A_209 = vector.extract_strided_slice %slice3A_162 {offsets = [0, 96], sizes = [85, 16], strides = [1, 1]} : vector<85x128xf32> to vector<85x16xf32>
    %slice3A_210 = vector.extract_strided_slice %slice3A_166 {offsets = [0, 6], sizes = [85, 1], strides = [1, 1]} : vector<85x8xf32> to vector<85x1xf32>
    %add3A_211 = arith.constant 1.000000e-16 : f32
    %add3A_212 = vector.broadcast %add3A_211 : f32 to vector<85x1xf32>
    %add3A_213 = arith.addf %slice3A_210, %add3A_212 : vector<85x1xf32>
    %div3A_214 = vector.broadcast %add3A_213 : vector<85x1xf32> to vector<85x16xf32>
    %div3A_215 = arith.divf %slice3A_209, %div3A_214 : vector<85x16xf32>
    %slice3A_216 = vector.extract_strided_slice %slice3A_162 {offsets = [0, 112], sizes = [85, 16], strides = [1, 1]} : vector<85x128xf32> to vector<85x16xf32>
    %slice3A_217 = vector.extract_strided_slice %slice3A_166 {offsets = [0, 7], sizes = [85, 1], strides = [1, 1]} : vector<85x8xf32> to vector<85x1xf32>
    %add3A_218 = arith.constant 1.000000e-16 : f32
    %add3A_219 = vector.broadcast %add3A_218 : f32 to vector<85x1xf32>
    %add3A_220 = arith.addf %slice3A_217, %add3A_219 : vector<85x1xf32>
    %div3A_221 = vector.broadcast %add3A_220 : vector<85x1xf32> to vector<85x16xf32>
    %div3A_222 = arith.divf %slice3A_216, %div3A_221 : vector<85x16xf32>
    %concatenate3A_223 = tpu.concatenate %div3A_173, %div3A_180, %div3A_187, %div3A_194, %div3A_201, %div3A_208, %div3A_215, %div3A_222 in 1 : vector<85x16xf32>, vector<85x16xf32>, vector<85x16xf32>, vector<85x16xf32>, vector<85x16xf32>, vector<85x16xf32>, vector<85x16xf32>, vector<85x16xf32> -> vector<85x128xf32>
    %max3A_224 = arith.constant 0.000000e+00 : f32
    %max3A_225 = vector.broadcast %max3A_224 : f32 to vector<85x128xf32>
    %max3A_226 = arith.maximumf %concatenate3A_223, %max3A_225 : vector<85x128xf32>
    %transpose3A_227 = tpu.transpose %max3A_226, [1, 0] : vector<85x128xf32> -> vector<128x85xf32>
    %get3A_228 = arith.constant 0 : index
    %get3A_229 = vector.load %arg13[%get3A_228] : memref<128xf32, #tpu.memory_space<vmem>>, vector<128xf32>
    %reshape3A = vector.shape_cast %get3A_229 : vector<128xf32> to vector<1x128xf32>
    %transpose3A_230 = tpu.transpose %reshape3A, [1, 0] : vector<1x128xf32> -> vector<128x1xf32>
    %get3A_231 = arith.constant 0 : index
    %get3A_232 = vector.load %arg14[%get3A_231] : memref<128xf32, #tpu.memory_space<vmem>>, vector<128xf32>
    %reshape3A_233 = vector.shape_cast %get3A_232 : vector<128xf32> to vector<1x128xf32>
    %transpose3A_234 = tpu.transpose %reshape3A_233, [1, 0] : vector<1x128xf32> -> vector<128x1xf32>
    %get3A_235 = arith.constant 0 : index
    %get3A_236 = arith.constant 0 : index
    %get3A_237 = vector.load %arg12[%get3A_235, %get3A_236] : memref<128x128xf32, #tpu.memory_space<vmem>>, vector<128x128xf32>
    %transpose3A_238 = tpu.transpose %get3A_237, [1, 0] : vector<128x128xf32> -> vector<128x128xf32>
    %dot_general3A = arith.constant dense<0.000000e+00> : vector<128x85xf32>
    %dot_general3A_239 = tpu.matmul %transpose3A_238, %transpose3A, %dot_general3A {dimension_numbers = #tpu.dot_dimension_numbers<[1], [0], [0], [1], [0, 0, 1, 1], [], []>, transpose_lhs_hint = false} : vector<128x128xf32>, vector<128x85xf32>, vector<128x85xf32> -> vector<128x85xf32>
    %add3A_240 = vector.broadcast %transpose3A_230 : vector<128x1xf32> to vector<128x85xf32>
    %add3A_241 = arith.addf %dot_general3A_239, %add3A_240 : vector<128x85xf32>
    %tanh3A = math.tanh %add3A_241 : vector<128x85xf32>
    %get3A_242 = arith.constant 0 : index
    %get3A_243 = arith.constant 0 : index
    %get3A_244 = vector.load %arg12[%get3A_242, %get3A_243] : memref<128x128xf32, #tpu.memory_space<vmem>>, vector<128x128xf32>
    %transpose3A_245 = tpu.transpose %get3A_244, [1, 0] : vector<128x128xf32> -> vector<128x128xf32>
    %dot_general3A_246 = arith.constant dense<0.000000e+00> : vector<128x85xf32>
    %dot_general3A_247 = tpu.matmul %transpose3A_245, %transpose3A_227, %dot_general3A_246 {dimension_numbers = #tpu.dot_dimension_numbers<[1], [0], [0], [1], [0, 0, 1, 1], [], []>, transpose_lhs_hint = false} : vector<128x128xf32>, vector<128x85xf32>, vector<128x85xf32> -> vector<128x85xf32>
    %add3A_248 = vector.broadcast %transpose3A_230 : vector<128x1xf32> to vector<128x85xf32>
    %add3A_249 = arith.addf %dot_general3A_247, %add3A_248 : vector<128x85xf32>
    %tanh3A_250 = math.tanh %add3A_249 : vector<128x85xf32>
    %reduce_sum3A = arith.constant dense<0.000000e+00> : vector<128xf32>
    %reduce_sum3A_251 = vector.multi_reduction <add>, %tanh3A, %reduce_sum3A [1] : vector<128x85xf32> to vector<128xf32>
    %broadcast_in_dim3A_252 = vector.shape_cast %reduce_sum3A_251 : vector<128xf32> to vector<128x1xf32>
    %mul3A_253 = arith.constant 0.0117647061 : f32
    %mul3A_254 = vector.broadcast %mul3A_253 : f32 to vector<128x1xf32>
    %mul3A_255 = arith.mulf %broadcast_in_dim3A_252, %mul3A_254 : vector<128x1xf32>
    %reduce_sum3A_256 = arith.constant dense<0.000000e+00> : vector<128xf32>
    %reduce_sum3A_257 = vector.multi_reduction <add>, %tanh3A_250, %reduce_sum3A_256 [1] : vector<128x85xf32> to vector<128xf32>
    %broadcast_in_dim3A_258 = vector.shape_cast %reduce_sum3A_257 : vector<128xf32> to vector<128x1xf32>
    %mul3A_259 = arith.constant 0.0117647061 : f32
    %mul3A_260 = vector.broadcast %mul3A_259 : f32 to vector<128x1xf32>
    %mul3A_261 = arith.mulf %broadcast_in_dim3A_258, %mul3A_260 : vector<128x1xf32>
    %mul3A_262 = arith.mulf %transpose3A_234, %mul3A_255 : vector<128x1xf32>
    %reduce_sum3A_263 = arith.constant dense<0.000000e+00> : vector<1xf32>
    %reduce_sum3A_264 = vector.multi_reduction <add>, %mul3A_262, %reduce_sum3A_263 [0] : vector<128x1xf32> to vector<1xf32>
    %broadcast_in_dim3A_265 = vector.shape_cast %reduce_sum3A_264 : vector<1xf32> to vector<1x1xf32>
    %mul3A_266 = arith.mulf %transpose3A_234, %mul3A_261 : vector<128x1xf32>
    %reduce_sum3A_267 = arith.constant dense<0.000000e+00> : vector<1xf32>
    %reduce_sum3A_268 = vector.multi_reduction <add>, %mul3A_266, %reduce_sum3A_267 [0] : vector<128x1xf32> to vector<1xf32>
    %broadcast_in_dim3A_269 = vector.shape_cast %reduce_sum3A_268 : vector<1xf32> to vector<1x1xf32>
    %max3A_270 = arith.maximumf %broadcast_in_dim3A_265, %broadcast_in_dim3A_269 : vector<1x1xf32>
    %sub3A = arith.subf %broadcast_in_dim3A_265, %max3A_270 : vector<1x1xf32>
    %exp3A = math.exp %sub3A : vector<1x1xf32>
    %sub3A_271 = arith.subf %broadcast_in_dim3A_269, %max3A_270 : vector<1x1xf32>
    %exp3A_272 = math.exp %sub3A_271 : vector<1x1xf32>
    %add3A_273 = arith.addf %exp3A, %exp3A_272 : vector<1x1xf32>
    %div3A_274 = arith.constant 1.000000e+00 : f32
    %div3A_275 = vector.broadcast %div3A_274 : f32 to vector<1x1xf32>
    %div3A_276 = arith.divf %div3A_275, %add3A_273 : vector<1x1xf32>
    %mul3A_277 = arith.mulf %exp3A, %div3A_276 : vector<1x1xf32>
    %mul3A_278 = vector.broadcast %mul3A_277 : vector<1x1xf32> to vector<128x85xf32>
    %mul3A_279 = arith.mulf %mul3A_278, %transpose3A : vector<128x85xf32>
    %mul3A_280 = arith.mulf %exp3A_272, %div3A_276 : vector<1x1xf32>
    %mul3A_281 = vector.broadcast %mul3A_280 : vector<1x1xf32> to vector<128x85xf32>
    %mul3A_282 = arith.mulf %mul3A_281, %transpose3A_227 : vector<128x85xf32>
    %add3A_283 = arith.addf %mul3A_279, %mul3A_282 : vector<128x85xf32>
    %get3A_284 = arith.constant 0 : index
    %get3A_285 = arith.constant 0 : index
    %get3A_286 = vector.load %arg15[%get3A_284, %get3A_285] : memref<128x120xf32, #tpu.memory_space<vmem>>, vector<128x120xf32>
    %transpose3A_287 = tpu.transpose %get3A_286, [1, 0] : vector<128x120xf32> -> vector<120x128xf32>
    %dot_general3A_288 = arith.constant dense<0.000000e+00> : vector<120x85xf32>
    %dot_general3A_289 = tpu.matmul %transpose3A_287, %add3A_283, %dot_general3A_288 {dimension_numbers = #tpu.dot_dimension_numbers<[1], [0], [0], [1], [0, 0, 1, 1], [], []>, transpose_lhs_hint = false} : vector<120x128xf32>, vector<128x85xf32>, vector<120x85xf32> -> vector<120x85xf32>
    %transpose3A_290 = tpu.transpose %dot_general3A_289, [1, 0] : vector<120x85xf32> -> vector<85x120xf32>
    %get3A_291 = arith.constant 0 : index
    %get3A_292 = vector.load %arg16[%get3A_291] : memref<120xf32, #tpu.memory_space<vmem>>, vector<120xf32>
    %broadcast_in_dim3A_293 = vector.shape_cast %get3A_292 : vector<120xf32> to vector<1x120xf32>
    %add3A_294 = vector.broadcast %broadcast_in_dim3A_293 : vector<1x120xf32> to vector<85x120xf32>
    %add3A_295 = arith.addf %transpose3A_290, %add3A_294 : vector<85x120xf32>
    %max3A_296 = arith.constant 0.000000e+00 : f32
    %max3A_297 = vector.broadcast %max3A_296 : f32 to vector<85x120xf32>
    %max3A_298 = arith.maximumf %add3A_295, %max3A_297 : vector<85x120xf32>
    %swap3A_299 = arith.constant 0 : index
    %swap3A_300 = arith.constant 0 : index
    %swap3A_301 = vector.load %arg19[%swap3A_299, %swap3A_300] : memref<85x120xf32, #tpu.memory_space<vmem>>, vector<85x120xf32>
    tpu.vector_store %arg19[%swap3A_299, %swap3A_300], %max3A_298 {strides = array<i32>} : memref<85x120xf32, #tpu.memory_space<vmem>>, vector<85x120xf32>,
    return
  }
}

module attributes {stable_mosaic.version = 14 : i64} {
  func.func @_final_body(%arg0: memref<120x243xf32, #tpu.memory_space<vmem>>, %arg1: memref<243x5xf32, #tpu.memory_space<vmem>>, %arg2: memref<5xf32, #tpu.memory_space<vmem>>, %arg3: memref<120x5xf32, #tpu.memory_space<vmem>>) attributes {dimension_semantics = [], scalar_prefetch = 0 : i64, scratch_operands = 0 : i64, tpu.core_type = #tpu.core_type<tc>} {
    %get3A = arith.constant 0 : index
    %get3A_0 = arith.constant 0 : index
    %get3A_1 = vector.load %arg0[%get3A, %get3A_0] : memref<120x243xf32, #tpu.memory_space<vmem>>, vector<120x243xf32>
    %get3A_2 = arith.constant 0 : index
    %get3A_3 = arith.constant 0 : index
    %get3A_4 = vector.load %arg1[%get3A_2, %get3A_3] : memref<243x5xf32, #tpu.memory_space<vmem>>, vector<243x5xf32>
    %dot_general3A = arith.constant dense<0.000000e+00> : vector<120x5xf32>
    %dot_general3A_5 = tpu.matmul %get3A_1, %get3A_4, %dot_general3A {dimension_numbers = #tpu.dot_dimension_numbers<[1], [0], [0], [1], [0, 0, 1, 1], [], []>, transpose_lhs_hint = false} : vector<120x243xf32>, vector<243x5xf32>, vector<120x5xf32> -> vector<120x5xf32>
    %get3A_6 = arith.constant 0 : index
    %get3A_7 = vector.load %arg2[%get3A_6] : memref<5xf32, #tpu.memory_space<vmem>>, vector<5xf32>
    %broadcast_in_dim3A = vector.shape_cast %get3A_7 : vector<5xf32> to vector<1x5xf32>
    %add3A = vector.broadcast %broadcast_in_dim3A : vector<1x5xf32> to vector<120x5xf32>
    %add3A_8 = arith.addf %dot_general3A_5, %add3A : vector<120x5xf32>
    %swap3A = arith.constant 0 : index
    %swap3A_9 = arith.constant 0 : index
    %swap3A_10 = vector.load %arg3[%swap3A, %swap3A_9] : memref<120x5xf32, #tpu.memory_space<vmem>>, vector<120x5xf32>
    tpu.vector_store %arg3[%swap3A, %swap3A_9], %add3A_8 {strides = array<i32>} : memref<120x5xf32, #tpu.memory_space<vmem>>, vector<120x5xf32>,
    return
  }
}

</mosaic_0001>

<sc_bundles>
// kernel: kernel.6.cloned.1.call-start
scs
__scs_entry_jumppad:
0x0: {  	(pc) =	sbr.rel $0x88, $3  }
0x1: {  	(tag) =	ssettag $0x0;
	lr =	simm.s32 $0x1  }
0x2: {  	[smem:$0x3F82] =	sst lr;
	_ =	strace $0xD0000000  }
0x3: {  	_ = 	snop  }
0x4: {  	_ = 	snop  }
0x5: {  	_ = 	snop  }
0x6: {  	_ = 	snop  }
0x7: {  	_ = 	snop  }
__scs_overlays_trampoline_lowered:
0x8: {  	[smem:$0x3F91] =	sst s0  }
0x9: {  	[smem:$0x3F92] =	sst s1  }
0xa: {  	[smem:$0x3F93] =	sst s2  }
0xb: {  	[smem:$0x3F94] =	sst s3  }
0xc: {  	[smem:$0x3F95] =	sst s4  }
0xd: {  	[smem:$0x3F96] =	sst s5  }
0xe: {  	[smem:$0x3F97] =	sst s6  }
0xf: {  	[smem:$0x3F98] =	sst s7  }
0x10: {  	[smem:$0x3F99] =	sst s8  }
0x11: {  	[smem:$0x3F9A] =	sst s9;
	s0 =	simm.s32 @!p0 $0x0  }
0x12: {  	s1 =	sld [smem:$0x3F80];
	s0 =	simm.s32 @p0 $0x1  }
0x13: {  	[smem:$0x3F9B] =	sst s0;
	s0 =	simm.s32 @!p1 $0x0  }
0x14: {  	s2 =	sld [smem:$0x3F7F];
	s0 =	simm.s32 @p1 $0x1  }
0x15: {  	[smem:$0x3F9C] =	sst s0;
	s0 =	simm.s32 @!p2 $0x0  }
0x16: {  	s3 =	sld [smem:$0x3FDB];
	s0 =	simm.s32 @p2 $0x1  }
0x17: {  	s4 =	simm.s32 $0x1BF5;
	[smem:$0x3F9E] =	sst s0  }
0x18: {  	s0 =	sld [smem:$0x3F81];
	_ =	swait.ge [sflag:s4], $0x0  }
0x19: {  	s7 =	sld [smem:$0x3F82]  }
0x1a: {  	s8 =	sadd.s32 $0xFFFFE003, lr  }
0x1b: {  	s9 =	sadd.s32 $0xFFFFFEF7, lr;
	s5 =	simm.s32 $0xFFFFFFFF;
	p2 =	slt.u32 s8, $0xFFFFF086  }
0x1c: {  	p1 =	slt.u32 s9, $0xF7A;
	s5 =	simm.s32 @!p2 $0x0  }
0x1d: {  	s5 =	simm.s32 @p1 $0x1;
	p0 =	seq.s32 s7, s2  }
0x1e: {  	s7 =	smul.u32 @!p0 $0xF7A, s2;
	p2 =	seq.s32 @!p0 s5, $0x0  }
0x1f: {  	s9 =	smul.u32 $0xF7A, s1;
	s8 =	simm.s32 @!p0 $0x1BF5;
	p2 =	por !p2, p0  }
0x20: {  	[sflag:s8] =	ssyncset.s32 @!p0 $0xFFFFF086;
	s6 =	sadd.s32 @!p0 s3, s7;
	s7 =	simm.s32 @!p0 $0x108  }
0x21: {  	s3 =	sadd.s32 s3, s9;
	s6 =	sadd.s32 @!p0 $0x88, s6;
	s7 =	simm.s32 @p2 $0x1082  }
0x22: {  	[simem:s7], [sflag:s8] =	dma.local @!p0 [hbm:s6], $0xF7A  }
0x23: {  	s9 =	sor.u32 $0xD0000000, s2;
	s6 =	simm.s32 $0x108;
	_ =	swait.ge @!p0 [sflag:s8], $0x0  }
0x24: {  	s3 =	sadd.s32 $0x88, s3;
	s6 =	simm.s32 @!p1 $0x1082;
	[sflag:s4] =	ssyncset.s32 $0xFFFFF086  }
0x25: {  	[simem:s6], [sflag:s4] =	dma.local [hbm:s3], $0xF7A  }
0x26: {  	[smem:$0x3F82] =	sst s1;
	(tag) =	ssettag s2;
	_ =	strace s9  }
0x27: {  	s1 =	sld [smem:$0x3F92]  }
0x28: {  	s2 =	sld [smem:$0x3F93]  }
0x29: {  	s4 =	sld [smem:$0x3F95]  }
0x2a: {  	p0 =	seq.s32 s5, $0x0;
	s5 =	sld [smem:$0x3F96]  }
0x2b: {  	s6 =	sld [smem:$0x3F97]  }
0x2c: {  	s7 =	sld [smem:$0x3F98]  }
0x2d: {  	s3 =	simm.s32 $0x108;
	s8 =	sld [smem:$0x3F99]  }
0x2e: {  	s3 =	simm.s32 @!p0 $0x1082;
	s9 =	sld [smem:$0x3F9A]  }
0x2f: {  	lr =	sadd.s32 s0, s3;
	s0 =	sld [smem:$0x3F91]  }
0x30: {  	s3 =	sld [smem:$0x3F94]  }
0x31: {  	[smem:$0x3F9D] =	sst s10  }
0x32: {  	s10 =	sld [smem:$0x3F9B];
	_ =	sdelay $0x3  }
0x33: {  	p0 =	seq.s32 s10, $0x1;
	s10 =	sld [smem:$0x3F9D];
	_ =	sdelay $0x3  }
0x34: {  	[smem:$0x3F9D] =	sst s10  }
0x35: {  	s10 =	sld [smem:$0x3F9C];
	_ =	sdelay $0x3  }
0x36: {  	p1 =	seq.s32 s10, $0x1;
	s10 =	sld [smem:$0x3F9D];
	_ =	sdelay $0x3  }
0x37: {  	[smem:$0x3F9D] =	sst s10  }
0x38: {  	s10 =	sld [smem:$0x3F9E]  }
0x39: {  	_ = 	snop;
	(pc) =	sbr.ind lr, $3  }
0x3a: {  	_ = 	snop  }
0x3b: {  	_ = 	snop  }
0x3c: {  	p2 =	seq.s32 s10, $0x1;
	s10 =	sld [smem:$0x3F9D]  }
0x3d: {  	_ =	shalt  }
0x3e: {  	_ =	shalt  }
0x3f: {  	_ =	shalt  }
0x40: {  	_ =	shalt  }
0x41: {  	_ =	shalt  }
0x42: {  	_ =	shalt  }
0x43: {  	_ =	shalt  }
0x44: {  	_ =	shalt  }
0x45: {  	_ =	shalt  }
0x46: {  	_ =	shalt  }
0x47: {  	_ =	shalt  }
0x48: {  	_ =	shalt  }
0x49: {  	_ =	shalt  }
0x4a: {  	_ =	shalt  }
0x4b: {  	_ =	shalt  }
0x4c: {  	_ =	shalt  }
0x4d: {  	_ =	shalt  }
0x4e: {  	_ =	shalt  }
0x4f: {  	_ =	shalt  }
0x50: {  	_ =	shalt  }
0x51: {  	_ =	shalt  }
0x52: {  	_ =	shalt  }
0x53: {  	_ =	shalt  }
0x54: {  	_ =	shalt  }
0x55: {  	_ =	shalt  }
0x56: {  	_ =	shalt  }
0x57: {  	_ =	shalt  }
0x58: {  	_ =	shalt  }
0x59: {  	_ =	shalt  }
0x5a: {  	_ =	shalt  }
0x5b: {  	_ =	shalt  }
0x5c: {  	_ =	shalt  }
0x5d: {  	_ =	shalt  }
0x5e: {  	_ =	shalt  }
0x5f: {  	_ =	shalt  }
0x60: {  	_ =	shalt  }
0x61: {  	_ =	shalt  }
0x62: {  	_ =	shalt  }
0x63: {  	_ =	shalt  }
0x64: {  	_ =	shalt  }
0x65: {  	_ =	shalt  }
0x66: {  	_ =	shalt  }
0x67: {  	_ =	shalt  }
0x68: {  	_ =	shalt  }
0x69: {  	_ =	shalt  }
0x6a: {  	_ =	shalt  }
0x6b: {  	_ =	shalt  }
0x6c: {  	_ =	shalt  }
0x6d: {  	_ =	shalt  }
0x6e: {  	_ =	shalt  }
0x6f: {  	_ =	shalt  }
0x70: {  	_ =	shalt  }
0x71: {  	_ =	shalt  }
0x72: {  	_ =	shalt  }
0x73: {  	_ =	shalt  }
0x74: {  	_ =	shalt  }
0x75: {  	_ =	shalt  }
0x76: {  	_ =	shalt  }
0x77: {  	_ =	shalt  }
0x78: {  	_ =	shalt  }
0x79: {  	_ =	shalt  }
0x7a: {  	_ =	shalt  }
0x7b: {  	_ =	shalt  }
0x7c: {  	_ =	shalt  }
0x7d: {  	_ =	shalt  }
0x7e: {  	_ =	shalt  }
0x7f: {  	_ =	shalt  }
0x80: {  	_ =	shalt  }
0x81: {  	_ =	shalt  }
0x82: {  	_ =	shalt  }
0x83: {  	_ =	shalt  }
0x84: {  	_ =	shalt  }
0x85: {  	_ =	shalt  }
0x86: {  	_ =	shalt  }
0x87: {  	_ =	shalt  }
.Lfunc_end0:
.L_simem_size_0:
called_computation_lowered:
.L_overlay_start_0:
0x88: {  	s2 =	sld [smem:$0x3FD9]  }
0x89: {  	s3 =	sld [smem:$0x3FFE];
	_ =	sdelay $0x1  }
0x8a: {  	s1 =	srdreg.scid  }
0x8b: {  	s0 =	sand.u32 $0x1, s1  }
0x8c: {  	s17 =	sshll.u32 s0, $0xA;
	s2 =	sadd.s32 s3, s2  }
0x8d: {  	s2 =	sadd.s32 s2, s17  }
0x8e: {  	[smem:$0x3FA9] =	sst s2  }
0x8f: {  	_ = 	snop  }
0x90: {  	s2 =	sld [smem:$0x3FD0];
	(tm) =	ssettm $0x1  }
0x91: {  	s18 =	sld [smem:$0x3FFB];
	_ =	sdelay $0x3  }
0x92: {  	_ =	strace s18  }
0x93: {  	s3 =	sld [smem:$0x3FFC];
	_ =	sdelay $0x3  }
0x94: {  	_ =	strace s3  }
0x95: {  	s3 =	sld [smem:$0x3FFD];
	_ =	sdelay $0x3  }
0x96: {  	_ =	strace s3  }
0x97: {  	_ =	strace $0x8FFFFFFF  }
0x98: {  	s19 =	sld [smem:$0x3FDB];
	_ =	sdelay $0x1  }
0x99: {  	s4 =	simm.s32 $_scs_section_size  }
0x9a: {  	s5 =	simm.s32 $_size__tile_overlayer_lowered;
	s6 =	simm.s32 $_tile_overlayer_lowered  }
0x9b: {  	s22 =	simm.s32 $0x1BFF;
	s21 =	sshll.u32 s6, $0x1;
	s3 =	sadd.s32 s4, s19  }
0x9c: {  	s7 =	simm.s32 $0x0;
	s20 =	sshll.u32 s5, $0x1;
	s5 =	sadd.s32 s21, s3  }
0x9d: {  	[timem:s7], [sflag:s22] =	dma.local [hbm:s5], s20  }
0x9e: {  	_ =	swait.ge [sflag:s22], s20  }
0x9f: {  	s4 =	ssub.s32 $0x0, s20;
	[sflag:s22] =	ssyncset.done $0x0  }
0xa0: {  	[sflag:s22] =	ssyncadd.s32 s4;
	_ =	sdelay $0x1  }
0xa1: {  	s23 =	simm.s32 $0x1B8B  }
0xa2: {  	_ =	swait.ge [sflag:s23], $0x1  }
0xa3: {  	[sflag:s23] =	ssyncset.done $0x0  }
0xa4: {  	s25 =	simm.s32 $0x1B8E;
	s24 =	sld [smem:$0x3FFE];
	[sflag:s23] =	ssyncadd.s32 $0xFFFFFFFF  }
0xa5: {  	s26 =	simm.s32 $execute0_lowered;
	[smem:$0x3FD2] =	sst s25  }
0xa6: {  	s5 =	sshll.u32 s26, $0x1;
	_ =	strace $0x80000046;
	[dreg:$0x1] =	wrdreg $0xFFFFFFFF  }
0xa7: {  	s28 =	simm.s32 $_size_execute0_lowered;
	s3 =	sadd.s32 s3, s5;
	[dreg:$0x0] =	wrdreg $0x0  }
0xa8: {  	s5 =	sshll.u32 s28, $0x1;
	[dreg:$0x2] =	wrdreg s3  }
0xa9: {  	[dreg:$0x3] =	wrdreg s5  }
0xaa: {  	[dreg:$0x4] =	wrdreg $0xC0  }
0xab: {  	_ =	task [dreg:s7], $0x5FFFF  }
0xac: {  	[dreg:$0x1] =	wrdreg $0xFFFFFFFF  }
0xad: {  	[dreg:$0x0] =	wrdreg $0x60  }
0xae: {  	[dreg:$0x2] =	wrdreg s24  }
0xaf: {  	[dreg:$0x3] =	wrdreg s2  }
0xb0: {  	[dreg:$0x4] =	wrdreg $0x1D3000  }
0xb1: {  	[dreg:$0x5] =	wrdreg $0x1D5C00  }
0xb2: {  	[dreg:$0x6] =	wrdreg $0x1E3800  }
0xb3: {  	[dreg:$0x7] =	wrdreg $0x1E6400  }
0xb4: {  	[dreg:$0x8] =	wrdreg $0x1E9000  }
0xb5: {  	[dreg:$0x9] =	wrdreg $0x1EBC00  }
0xb6: {  	[dreg:$0xa] =	wrdreg $0x9  }
0xb7: {  	_ =	task.clear_ibuf [dreg:s7], $0xBFFFF;
	_ =	strace $0x90000046  }
0xb8: {  	s29 =	simm.s32 $0x9;
	_ =	strace $0x80000048  }
0xb9: {  	_ =	swait.ge [sflag:s29], $0x1  }
0xba: {  	[sflag:s29] =	ssyncadd.s32 $0xFFFFFFFF  }
0xbb: {  	_ =	strace $0x90000048  }
0xbc: {  	_ =	sfence  }
0xbd: {  	s30 =	sld [smem:$0x0];
	_ =	sdelay $0x2  }
0xbe: {  	s31 =	sshll.u32 s1, $0xD;
	s1 =	sshrl.u32 s1, $0x2  }
0xbf: {  	s3 =	sand.u32 $0x4000, s31;
	s1 =	sadd.s32 s1, s30  }
0xc0: {  	s0 =	sor.u32 s3, s0;
	s1 =	sshll.u32 s1, $0x11  }
0xc1: {  	s0 =	sor.u32 s1, s0  }
0xc2: {  	s0 =	sadd.s32 $0x8F2B, s0  }
0xc3: {  	[sflag:s0] =	ssyncadd.remote.s32 $0x1  }
0xc4: {  	_ =	sfence.sel $0xFFFF  }
0xc5: {  	[dreg:$0x0] =	wrdreg $0xFFFFFFFF;
	(pc) =	sbr.abs _section_cstart, $3  }
0xc6: {  	[dreg:$0x1] =	wrdreg $0xFFFFFFFF  }
0xc7: {  	_ =	task.clear_ibuf [dreg:s7], $0x2FFFF;
	_ =	strace $0x9FFFFFFF  }
0xc8: {  	(tm) =	ssettm $0x7FFFFFFF  }
0xc9: {  	_ =	shalt  }
tec
execute0_lowered:
.L_overlay_start_1:
0x0: {  	(tag) =	ssettag $0x1  }
0x1: {  	s0 =	rddreg [dreg:$0x0]  }
0x2: {  	s1 =	rddreg [dreg:$0x1]  }
0x3: {  	s3 =	rddreg [dreg:$0x4]  }
0x4: {  	s4 =	rddreg [dreg:$0x5]  }
0x5: {  	s5 =	rddreg [dreg:$0x6]  }
0x6: {  	s6 =	rddreg [dreg:$0x7];
	s2 =	stileid.u32  }
0x7: {  	s7 =	simm.s32 $0x0;
	s16 =	srdreg.scid;
	s8 =	smul.u32 $0xE00, s2  }
0x8: {  	[smem:$0x7FF] =	sst s7;
	s9 =	smul.u32 $0x1C, s2;
	s10 =	sadd.s32 $0x3E000, s0  }
0x9: {  	s14 =	sadd.s32 $0x3C400, s0;
	s15 =	sadd.s32 $0x3B000, s0;
	s11 =	sadd.s32 $0x3E600, s0  }
0xa: {  	s17 =	sshll.u32 s2, $0xA;
	_ =	strace $0x80000047;
	[dreg:$0x9] =	wrdreg s10  }
0xb: {  	s13 =	sshll.u32 s2, $0x3;
	s12 =	sadd.s32 $0x40600, s0;
	[dreg:$0xa] =	wrdreg s14  }
0xc: {  	s18 =	sadd.s32 $0x40C00, s0;
	s19 =	sadd.s32 $0x41200, s0;
	[dreg:$0xb] =	wrdreg s15  }
0xd: {  	s20 =	sadd.s32 $0x42E00, s0;
	s21 =	sadd.s32 $0x43400, s0;
	[dreg:$0xc] =	wrdreg s11  }
0xe: {  	p0 =	sne.s32 s2, $0x0;
	s22 =	sadd.s32 $0x43A00, s0;
	[dreg:$0xe] =	wrdreg s18  }
0xf: {  	s2 =	simm.s32 $0x6000;
	s10 =	sand.u32 $0x1, s16;
	[dreg:$0xf] =	wrdreg s19  }
0x10: {  	s11 =	sadd.s32 s17, s0;
	s15 =	sadd.s32 s13, s0;
	[dreg:$0x10] =	wrdreg s20  }
0x11: {  	s17 =	sadd.s32 $0x3EA00, s0;
	s1 =	sadd.s32 s1, s13;
	[dreg:$0x12] =	wrdreg s21  }
0x12: {  	[dreg:$0x13] =	wrdreg s22;
	s13 =	simm.s32 $0x1D000;
	s8 =	sadd.s32 s8, s0  }
0x13: {  	s9 =	sadd.s32 s9, s0;
	s14 =	ssub.s32 $0x2, s10;
	[dreg:$0xd] =	wrdreg s17  }
0x14: {  	p1 =	seq.s32 s10, $0x1;
	[dreg:$0x11] =	wrdreg s1;
	s0 =	sadd.s32 $0x44000, s0  }
0x15: {  	s28 =	sadd.s32 $0x3BE00, s15;
	s29 =	sadd.s32 $0x3C000, s15;
	s30 =	sadd.s32 $0x3C200, s15  }
0x16: {  	s31 =	sadd.s32 $0x23000, s11;
	s1 =	sadd.s32 $0x27000, s11;
	s18 =	sadd.s32 $0x2F000, s11  }
0x17: {  	s19 =	sadd.s32 $0x33000, s11;
	s20 =	sadd.s32 $0x37000, s11;
	s17 =	simm.s32 $0x2000  }
0x18: {  	s16 =	sshrl.u32 s14, $0x1;
	[dreg:$0x14] =	wrdreg s0;
	s23 =	sadd.s32 $0x3B600, s9  }
0x19: {  	s24 =	sadd.s32 $0x3B800, s9;
	s25 =	sadd.s32 $0x7000, s8;
	[dreg:$0x15] =	wrdreg s23  }
.Ltmp0:
0x1a: {  	s26 =	sadd.s32 $0x15000, s8;
	[dreg:$0x16] =	wrdreg s24;
	(pc) =	sbr.rel .LBB2_1-.Ltmp0, $4  }
0x1b: {  	s8 =	simm.s32 $0x1;
	s9 =	simm.s32 $0x0;
	[dreg:$0x17] =	wrdreg s25  }
0x1c: {  	s14 =	ssub.s32 s14, s16;
	[dreg:$0x18] =	wrdreg s26;
	s25 =	sadd.s32 $0x3BA00, s15  }
0x1d: {  	s26 =	sadd.s32 $0x3BC00, s15;
	s16 =	sadd.s32 $0x2B000, s11;
	s15 =	simm.s32 $0x40  }
0x1e: {  	s24 =	simm.s32 $0x8000;
	s0 =	smax.u32 s14, $0x1;
	s14 =	simm.s32 $0x1D080  }
.LBB2_14:
0x1f: {  	_ =	swait.ge [sflag:s8], $0x580  }
0x20: {  	[sflag:s8] =	ssyncset.done $0x0  }
0x21: {  	[sflag:s8] =	ssyncadd.s32 $0xFFFFFA80  }
.LBB2_15:
0x22: {  	s9 =	sadd.s32 $0x1, s9  }
0x23: {  	p2 =	sne.s32 s9, s0  }
.Ltmp1:
0x24: {  	_ = 	snop;
	(pc) =	sbr.rel @!p2 .LBB2_16-.Ltmp1, $1  }
0x25: {  	_ =	sdelay $0x3  }
.LBB2_1:
.Ltmp2:
0x26: {  	(pc) =	sbr.rel @!p1 .LBB2_2-.Ltmp2, $1  }
0x27: {  	_ =	sdelay $0x3  }
0x28: {  	s10 =	rddreg [dreg:$0x3]  }
0x29: {  	s11 =	simm.s32 @!p0 $0x1C01;
	s21 =	rddreg [dreg:$0xd];
	s10 =	sshrl.u32 @!p0 s10, $0x3  }
0x2a: {  	[spmem:s10], [sflag:s11] =	dma.local @!p0 [hbm:s21], $0x1B80  }
0x2b: {  	s11 =	simm.s32 @!p0 $0x1  }
0x2c: {  	_ =	swait.ge @!p0 [sflag:s11], $0x1B80  }
0x2d: {  	s22 =	simm.s32 $0x1D100;
	[sflag:s11] =	ssyncset.done @!p0 $0x0  }
0x2e: {  	s23 =	rddreg [dreg:$0x15];
	[sflag:s11] =	ssyncadd.s32 @!p0 $0xFFFFE480;
	s11 =	simm.s32 $0x0  }
0x2f: {  	[tilespmem:s22], [sflag:$0x1] =	stream.linear.gather [hbm4b:s23+s11], $0xE0, $0x38;
	[tilespmem:$0x1EE80] =	vst v63  }
0x30: {  	_ =	swait.ge [sflag:s8], $0xE0  }
0x31: {  	[sflag:s8] =	ssyncset.done $0x0  }
0x32: {  	s23 =	simm.s32 $0x1D200;
	s21 =	rddreg [dreg:$0x16];
	[sflag:s8] =	ssyncadd.s32 $0xFFFFFF20  }
0x33: {  	[tilespmem:s23], [sflag:$0x1] =	stream.linear.gather [hbm4b:s21+s11], $0xE0, $0x38;
	[tilespmem:$0x1EE80] =	vst v63  }
0x34: {  	_ =	swait.ge [sflag:s8], $0xE0  }
0x35: {  	[sflag:s8] =	ssyncset.done $0x0  }
0x36: {  	s23 =	simm.s32 $0xE0;
	s21 =	rddreg [dreg:$0xa];
	[sflag:s8] =	ssyncadd.s32 $0xFFFFFF20  }
0x37: {  	[tilespmem:s24], [sflag:$0x1] =	stream.indirect.gather [hbm4b:s21+s23], $0x80, s22, s23, $0xb8;
	[tilespmem:$0x1EE80] =	vst v63  }
0x38: {  	_ =	swait.ge [sflag:s8], $0x7000  }
0x39: {  	[sflag:s8] =	ssyncset.done $0x0  }
0x3a: {  	s22 =	simm.s32 $0xF000;
	s21 =	rddreg [dreg:$0x17];
	[sflag:s8] =	ssyncadd.s32 $0xFFFF9000  }
0x3b: {  	[tilespmem:s22], [sflag:$0x1] =	stream.linear.gather [hbm4b:s21+s11], $0x7000, $0x38;
	[tilespmem:$0x1EE80] =	vst v63  }
0x3c: {  	_ =	swait.ge [sflag:s8], $0x7000  }
0x3d: {  	[sflag:s8] =	ssyncset.done $0x0  }
0x3e: {  	s22 =	simm.s32 $0x16000;
	s21 =	rddreg [dreg:$0x18];
	[sflag:s8] =	ssyncadd.s32 $0xFFFF9000  }
0x3f: {  	[tilespmem:s22], [sflag:$0x1] =	stream.linear.gather [hbm4b:s21+s11], $0x7000, $0x38;
	[tilespmem:$0x1EE80] =	vst v63  }
0x40: {  	_ =	swait.ge [sflag:s8], $0x7000  }
0x41: {  	[sflag:s8] =	ssyncset.done $0x0  }
0x42: {  	[sflag:s8] =	ssyncadd.s32 $0xFFFF9000  }
0x43: {  	s11 =	simm.s32 $0x0;
	[bflag:$0x0] =	sbarrier.arrive $0xFFFF  }
0x44: {  	v5 =	vld [tilespmem:s11+$0x16000]  }
0x45: {  	v4 =	vld [tilespmem:s11+$0x16010]  }
0x46: {  	v3 =	vld [tilespmem:s11+$0x16020]  }
0x47: {  	v2 =	vld [tilespmem:s11+$0x16030]  }
0x48: {  	v1 =	vld [tilespmem:s11+$0x16040]  }
0x49: {  	v0 =	vld [tilespmem:s11+$0x16050]  }
0x4a: {  	v12 =	vld [tilespmem:s11+$0xF000]  }
0x4b: {  	v17 =	vld [tilespmem:s11+$0xF010]  }
0x4c: {  	v11 =	vld [tilespmem:s11+$0xF020]  }
0x4d: {  	v10 =	vld [tilespmem:s11+$0xF030]  }
0x4e: {  	v9 =	vld [tilespmem:s11+$0xF040]  }
0x4f: {  	v8 =	vld [tilespmem:s11+$0xF050]  }
0x50: {  	v7 =	vld [tilespmem:s11+$0xF060]  }
0x51: {  	v6 =	vld [tilespmem:s11+$0xF070]  }
0x52: {  	v18 =	vld [tilespmem:s11+$0x8000]  }
0x53: {  	v19 =	vld [tilespmem:s11+$0x8010]  }
0x54: {  	v16 =	vld [tilespmem:s11+$0x8020]  }
0x55: {  	v15 =	vld [tilespmem:s11+$0x8030]  }
0x56: {  	v14 =	vld [tilespmem:s11+$0x8040]  }
0x57: {  	v13 =	vld [tilespmem:s11+$0x8050];
	v18 =	vmul.f32 v12, v18  }
0x58: {  	s21 =	simm.s32 $0x200;
	v17 =	vmul.f32 v17, v19;
	v12 =	vld [tilespmem:s11+$0x8060]  }
.LBB2_9:
0x59: {  	p2 =	sne.s32 s21, $0x1BE00;
	v5 =	vadd.f32 v5, v18;
	v11 =	vmul.f32 v11, v16;
	v16 =	vld [tilespmem:s11+$0x8070]  }
0x5a: {  	v4 =	vadd.f32 v4, v17;
	v10 =	vmul.f32 v10, v15;
	v15 =	vld [tilespmem:s11+$0x16060]  }
0x5b: {  	s22 =	sshra.s32 s21, $0x2;
	[tilespmem:s11+$0x8000] =	vst v5;
	v3 =	vadd.f32 v3, v11;
	v9 =	vmul.f32 v9, v14;
	v11 =	vld [tilespmem:s11+$0x16070]  }
0x5c: {  	v5 =	vld [tilespmem:s22+$0x16000];
	[tilespmem:s11+$0x8010] =	vst v4;
	v2 =	vadd.f32 v2, v10;
	v8 =	vmul.f32 v8, v13  }
0x5d: {  	v4 =	vld [tilespmem:s22+$0x16010];
	[tilespmem:s11+$0x8020] =	vst v3;
	v1 =	vadd.f32 v1, v9;
	v7 =	vmul.f32 v7, v12  }
0x5e: {  	v3 =	vld [tilespmem:s22+$0x16020];
	[tilespmem:s11+$0x8030] =	vst v2;
	v0 =	vadd.f32 v0, v8;
	v6 =	vmul.f32 v6, v16  }
0x5f: {  	v2 =	vld [tilespmem:s22+$0x16030];
	[tilespmem:s11+$0x8040] =	vst v1;
	v7 =	vadd.f32 v15, v7  }
0x60: {  	v1 =	vld [tilespmem:s22+$0x16040];
	[tilespmem:s11+$0x8050] =	vst v0;
	v6 =	vadd.f32 v11, v6  }
0x61: {  	v0 =	vld [tilespmem:s22+$0x16050];
	[tilespmem:s11+$0x8060] =	vst v7  }
0x62: {  	v12 =	vld [tilespmem:s22+$0xF000];
	[tilespmem:s11+$0x8070] =	vst v6;
	s11 =	smov.u32 s22  }
0x63: {  	v17 =	vld [tilespmem:s11+$0xF010]  }
0x64: {  	v11 =	vld [tilespmem:s11+$0xF020]  }
0x65: {  	v10 =	vld [tilespmem:s11+$0xF030]  }
0x66: {  	v9 =	vld [tilespmem:s11+$0xF040]  }
0x67: {  	v8 =	vld [tilespmem:s11+$0xF050]  }
0x68: {  	v7 =	vld [tilespmem:s11+$0xF060]  }
0x69: {  	v6 =	vld [tilespmem:s11+$0xF070]  }
0x6a: {  	v13 =	vld [tilespmem:s11+$0x8000]  }
0x6b: {  	v19 =	vld [tilespmem:s11+$0x8010]  }
.Ltmp3:
0x6c: {  	v16 =	vld [tilespmem:s11+$0x8020];
	(pc) =	sbr.rel @p2 .LBB2_9-.Ltmp3, $4  }
0x6d: {  	v15 =	vld [tilespmem:s11+$0x8030]  }
0x6e: {  	v14 =	vld [tilespmem:s11+$0x8040]  }
0x6f: {  	v18 =	vmul.f32 v12, v13;
	v13 =	vld [tilespmem:s11+$0x8050]  }
0x70: {  	s21 =	sadd.s32 $0x200, s21;
	v17 =	vmul.f32 v17, v19;
	v12 =	vld [tilespmem:s11+$0x8060]  }
0x71: {  	v5 =	vadd.f32 v5, v18;
	v62 =	vld [tilespmem:s11+$0x8070];
	v11 =	vmul.f32 v11, v16  }
0x72: {  	v63 =	vld [tilespmem:s11+$0x16060];
	v4 =	vadd.f32 v4, v17;
	v10 =	vmul.f32 v10, v15  }
0x73: {  	[tilespmem:s11+$0x8000] =	vst v5;
	v3 =	vadd.f32 v3, v11;
	v5 =	vmul.f32 v9, v14;
	v9 =	vld [tilespmem:s11+$0x16070]  }
0x74: {  	[tilespmem:s11+$0x8010] =	vst v4;
	v2 =	vadd.f32 v2, v10;
	v4 =	vmul.f32 v8, v13  }
0x75: {  	[tilespmem:s11+$0x8020] =	vst v3;
	v1 =	vadd.f32 v1, v5;
	v3 =	vmul.f32 v7, v12  }
0x76: {  	[tilespmem:s11+$0x8030] =	vst v2;
	v0 =	vadd.f32 v0, v4;
	v2 =	vmul.f32 v6, v62  }
0x77: {  	[tilespmem:s11+$0x8040] =	vst v1;
	v1 =	vadd.f32 v63, v3  }
0x78: {  	[tilespmem:s11+$0x8050] =	vst v0;
	v0 =	vadd.f32 v9, v2  }
0x79: {  	[tilespmem:s11+$0x8060] =	vst v1  }
0x7a: {  	s21 =	simm.s32 $0x1D200;
	s22 =	simm.s32 $0x8000;
	[tilespmem:s11+$0x8070] =	vst v0;
	s11 =	rddreg [dreg:$0x3]  }
0x7b: {  	[spmem:s11] =	stream.indirect.scatter.add.f32 [tilespmem:s22], [sflag:$0x1], $0x80, s21, s23, $0xb8;
	[tilespmem:$0x1EE80] =	vst v63  }
0x7c: {  	_ =	swait.ge [sflag:s8], $0x7000  }
0x7d: {  	[sflag:s8] =	ssyncset.done $0x0  }
0x7e: {  	[sflag:s8] =	ssyncadd.s32 $0xFFFF9000  }
0x7f: {  	[bflag:$0x0] =	sbarrier.arrive $0xFFFF  }
0x80: {  	s11 =	simm.s32 @!p0 $0x1C01;
	s21 =	rddreg [dreg:$0xf]  }
0x81: {  	[hbm:s21], [sflag:s11] =	dma.local @!p0 [spmem:s10], $0x1B80  }
0x82: {  	s10 =	simm.s32 @!p0 $0x1  }
0x83: {  	_ =	swait.ge @!p0 [sflag:s10], $0x1B80  }
0x84: {  	[sflag:s10] =	ssyncset.done @!p0 $0x0  }
0x85: {  	s21 =	sshrl.u32 @!p0 s5, $0x3;
	[sflag:s10] =	ssyncadd.s32 @!p0 $0xFFFFE480  }
0x86: {  	[spmem:s21], [sflag:s11] =	dma.local @!p0 [hbm:s12], $0x580  }
0x87: {  	_ =	swait.ge @!p0 [sflag:s10], $0x580  }
0x88: {  	[sflag:s10] =	ssyncset.done @!p0 $0x0  }
0x89: {  	s21 =	sshrl.u32 @!p0 s6, $0x3;
	[sflag:s10] =	ssyncadd.s32 @!p0 $0xFFFFFA80  }
0x8a: {  	[spmem:s21], [sflag:s11] =	dma.local @!p0 [hbm:s12], $0x580  }
0x8b: {  	_ =	swait.ge @!p0 [sflag:s10], $0x580  }
0x8c: {  	[sflag:s10] =	ssyncset.done @!p0 $0x0  }
0x8d: {  	s22 =	simm.s32 $0x0;
	[sflag:s10] =	ssyncadd.s32 @!p0 $0xFFFFFA80  }
0x8e: {  	[tilespmem:s13], [sflag:$0x1] =	stream.linear.gather [hbm4b:s29+s22], $0x40, $0x38;
	[tilespmem:$0x1EE80] =	vst v63  }
0x8f: {  	_ =	swait.ge [sflag:s8], $0x40  }
0x90: {  	[sflag:s8] =	ssyncset.done $0x0  }
0x91: {  	[sflag:s8] =	ssyncadd.s32 $0xFFFFFFC0  }
0x92: {  	[tilespmem:s14], [sflag:$0x1] =	stream.linear.gather [hbm4b:s30+s22], $0x40, $0x38;
	[tilespmem:$0x1EE80] =	vst v63  }
0x93: {  	_ =	swait.ge [sflag:s8], $0x40  }
0x94: {  	[sflag:s8] =	ssyncset.done $0x0  }
0x95: {  	s23 =	rddreg [dreg:$0xc];
	[sflag:s8] =	ssyncadd.s32 $0xFFFFFFC0  }
0x96: {  	[tilespmem:s22], [sflag:$0x1] =	stream.indirect.gather [hbm4b:s23+s15], $0x80, s13, s15, $0xb8;
	[tilespmem:$0x1EE80] =	vst v63  }
0x97: {  	_ =	swait.ge [sflag:s8], $0x2000  }
0x98: {  	[sflag:s8] =	ssyncset.done $0x0  }
0x99: {  	[sflag:s8] =	ssyncadd.s32 $0xFFFFE000  }
0x9a: {  	[tilespmem:s17], [sflag:$0x1] =	stream.linear.gather [hbm4b:s19+s22], $0x2000, $0x38;
	[tilespmem:$0x1EE80] =	vst v63  }
0x9b: {  	_ =	swait.ge [sflag:s8], $0x2000  }
0x9c: {  	[sflag:s8] =	ssyncset.done $0x0  }
0x9d: {  	[sflag:s8] =	ssyncadd.s32 $0xFFFFE000  }
0x9e: {  	[tilespmem:s2], [sflag:$0x1] =	stream.linear.gather [hbm4b:s20+s22], $0x2000, $0x38;
	[tilespmem:$0x1EE80] =	vst v63  }
0x9f: {  	_ =	swait.ge [sflag:s8], $0x2000  }
0xa0: {  	[sflag:s8] =	ssyncset.done $0x0  }
0xa1: {  	[sflag:s8] =	ssyncadd.s32 $0xFFFFE000  }
0xa2: {  	s10 =	simm.s32 $0x0;
	[bflag:$0x0] =	sbarrier.arrive $0xFFFF  }
0xa3: {  	v7 =	vld [tilespmem:s10+$0x2000]  }
0xa4: {  	v11 =	vld [tilespmem:s10+$0x2010]  }
0xa5: {  	v5 =	vld [tilespmem:s10+$0x2020]  }
0xa6: {  	v4 =	vld [tilespmem:s10+$0x2030]  }
0xa7: {  	v3 =	vld [tilespmem:s10+$0x2040]  }
0xa8: {  	v2 =	vld [tilespmem:s10+$0x2050]  }
0xa9: {  	v1 =	vld [tilespmem:s10+$0x2060]  }
0xaa: {  	v0 =	vld [tilespmem:s10+$0x2070]  }
0xab: {  	v12 =	vld [tilespmem:s10+$0x0]  }
0xac: {  	v13 =	vld [tilespmem:s10+$0x10]  }
0xad: {  	v10 =	vld [tilespmem:s10+$0x20]  }
0xae: {  	v9 =	vld [tilespmem:s10+$0x30]  }
0xaf: {  	v8 =	vld [tilespmem:s10+$0x40]  }
0xb0: {  	v6 =	vld [tilespmem:s10+$0x50];
	v12 =	vmul.f32 v7, v12  }
0xb1: {  	s11 =	simm.s32 $0x200;
	v11 =	vmul.f32 v11, v13;
	v7 =	vld [tilespmem:s10+$0x60]  }
.LBB2_11:
0xb2: {  	s21 =	sshra.s32 s11, $0x2;
	p2 =	sne.s32 s11, $0x7E00;
	[tilespmem:s10+$0x0] =	vst v12;
	v5 =	vmul.f32 v5, v10;
	v10 =	vld [tilespmem:s10+$0x70]  }
0xb3: {  	v12 =	vld [tilespmem:s21+$0x2000];
	[tilespmem:s10+$0x10] =	vst v11;
	v4 =	vmul.f32 v4, v9  }
0xb4: {  	v11 =	vld [tilespmem:s21+$0x2010];
	[tilespmem:s10+$0x20] =	vst v5;
	v3 =	vmul.f32 v3, v8  }
0xb5: {  	v5 =	vld [tilespmem:s21+$0x2020];
	[tilespmem:s10+$0x30] =	vst v4;
	v2 =	vmul.f32 v2, v6  }
0xb6: {  	v4 =	vld [tilespmem:s21+$0x2030];
	[tilespmem:s10+$0x40] =	vst v3;
	v1 =	vmul.f32 v1, v7  }
0xb7: {  	v3 =	vld [tilespmem:s21+$0x2040];
	[tilespmem:s10+$0x50] =	vst v2;
	v0 =	vmul.f32 v0, v10  }
0xb8: {  	v2 =	vld [tilespmem:s21+$0x2050];
	[tilespmem:s10+$0x60] =	vst v1  }
0xb9: {  	v1 =	vld [tilespmem:s21+$0x2060];
	[tilespmem:s10+$0x70] =	vst v0;
	s10 =	smov.u32 s21  }
0xba: {  	v0 =	vld [tilespmem:s10+$0x2070]  }
0xbb: {  	v6 =	vld [tilespmem:s10+$0x0]  }
0xbc: {  	v7 =	vld [tilespmem:s10+$0x10]  }
.Ltmp4:
0xbd: {  	v10 =	vld [tilespmem:s10+$0x20];
	(pc) =	sbr.rel @p2 .LBB2_11-.Ltmp4, $4  }
0xbe: {  	v9 =	vld [tilespmem:s10+$0x30]  }
0xbf: {  	v8 =	vld [tilespmem:s10+$0x40]  }
0xc0: {  	v12 =	vmul.f32 v12, v6;
	v6 =	vld [tilespmem:s10+$0x50]  }
0xc1: {  	s11 =	sadd.s32 $0x200, s11;
	v11 =	vmul.f32 v11, v7;
	v7 =	vld [tilespmem:s10+$0x60]  }
0xc2: {  	[tilespmem:s10+$0x0] =	vst v12;
	v5 =	vmul.f32 v5, v10;
	v63 =	vld [tilespmem:s10+$0x70]  }
0xc3: {  	[tilespmem:s10+$0x10] =	vst v11;
	v4 =	vmul.f32 v4, v9  }
0xc4: {  	[tilespmem:s10+$0x20] =	vst v5;
	v3 =	vmul.f32 v3, v8  }
0xc5: {  	[tilespmem:s10+$0x30] =	vst v4;
	v2 =	vmul.f32 v2, v6  }
0xc6: {  	[tilespmem:s10+$0x40] =	vst v3;
	v1 =	vmul.f32 v1, v7  }
0xc7: {  	[tilespmem:s10+$0x50] =	vst v2;
	v0 =	vmul.f32 v0, v63  }
0xc8: {  	[tilespmem:s10+$0x60] =	vst v1  }
0xc9: {  	[tilespmem:s10+$0x70] =	vst v0  }
0xca: {  	[spmem:s5] =	stream.indirect.scatter.add.f32 [tilespmem:s7], [sflag:$0x1], $0x80, s14, s15, $0xb8;
	[tilespmem:$0x1EE80] =	vst v63  }
0xcb: {  	_ =	swait.ge [sflag:s8], $0x2000  }
0xcc: {  	[sflag:s8] =	ssyncset.done $0x0  }
0xcd: {  	[sflag:s8] =	ssyncadd.s32 $0xFFFFE000  }
0xce: {  	[spmem:s6] =	stream.indirect.scatter.add.f32 [tilespmem:s2], [sflag:$0x1], $0x80, s14, s15, $0xb8;
	[tilespmem:$0x1EE80] =	vst v63  }
.Ltmp5:
0xcf: {  	_ =	swait.ge [sflag:s8], $0x2000;
	(pc) =	sbr.rel @p0 .LBB2_15-.Ltmp5, $3  }
0xd0: {  	[sflag:s8] =	ssyncset.done $0x0  }
0xd1: {  	[sflag:s8] =	ssyncadd.s32 $0xFFFFE000  }
0xd2: {  	[bflag:$0x0] =	sbarrier.arrive $0xFFFF;
	_ =	sdelay $0x1  }
0xd3: {  	s10 =	sshrl.u32 s5, $0x3;
	s11 =	rddreg [dreg:$0x13];
	s21 =	simm.s32 $0x1C01  }
0xd4: {  	[hbm:s11], [sflag:s21] =	dma.local [spmem:s10], $0x580  }
.Ltmp6:
0xd5: {  	_ = 	snop;
	(pc) =	sbr.rel .LBB2_14-.Ltmp6, $4  }
0xd6: {  	_ =	swait.ge [sflag:s8], $0x580  }
0xd7: {  	[sflag:s8] =	ssyncset.done $0x0  }
0xd8: {  	s22 =	sshrl.u32 s6, $0x3;
	s23 =	rddreg [dreg:$0x14];
	[sflag:s8] =	ssyncadd.s32 $0xFFFFFA80  }
0xd9: {  	[hbm:s23], [sflag:s21] =	dma.local [spmem:s22], $0x580  }
.LBB2_2:
0xda: {  	s10 =	rddreg [dreg:$0x2]  }
0xdb: {  	s11 =	simm.s32 @!p0 $0x1C01;
	s10 =	sshrl.u32 @!p0 s10, $0x3  }
0xdc: {  	[spmem:s10], [sflag:s11] =	dma.local @!p0 [hbm:s12], $0x580  }
0xdd: {  	s11 =	simm.s32 @!p0 $0x1  }
0xde: {  	_ =	swait.ge @!p0 [sflag:s11], $0x580  }
0xdf: {  	[sflag:s11] =	ssyncset.done @!p0 $0x0  }
0xe0: {  	s21 =	rddreg [dreg:$0x11];
	[sflag:s11] =	ssyncadd.s32 @!p0 $0xFFFFFA80;
	s11 =	simm.s32 $0x0  }
0xe1: {  	[tilespmem:s13], [sflag:$0x1] =	stream.linear.gather [hbm4b:s21+s11], $0x40, $0x38;
	[tilespmem:$0x1EE80] =	vst v63  }
0xe2: {  	_ =	swait.ge [sflag:s8], $0x40  }
0xe3: {  	[sflag:s8] =	ssyncset.done $0x0  }
0xe4: {  	[sflag:s8] =	ssyncadd.s32 $0xFFFFFFC0  }
0xe5: {  	[tilespmem:s14], [sflag:$0x1] =	stream.linear.gather [hbm4b:s25+s11], $0x40, $0x38;
	[tilespmem:$0x1EE80] =	vst v63  }
0xe6: {  	_ =	swait.ge [sflag:s8], $0x40  }
0xe7: {  	[sflag:s8] =	ssyncset.done $0x0  }
0xe8: {  	s22 =	rddreg [dreg:$0x9];
	[sflag:s8] =	ssyncadd.s32 $0xFFFFFFC0  }
0xe9: {  	[tilespmem:s11], [sflag:$0x1] =	stream.indirect.gather [hbm4b:s22+s15], $0x80, s13, s15, $0xb8;
	[tilespmem:$0x1EE80] =	vst v63  }
0xea: {  	_ =	swait.ge [sflag:s8], $0x2000  }
0xeb: {  	[sflag:s8] =	ssyncset.done $0x0  }
0xec: {  	[sflag:s8] =	ssyncadd.s32 $0xFFFFE000  }
0xed: {  	[tilespmem:s17], [sflag:$0x1] =	stream.linear.gather [hbm4b:s31+s11], $0x2000, $0x38;
	[tilespmem:$0x1EE80] =	vst v63  }
0xee: {  	_ =	swait.ge [sflag:s8], $0x2000  }
0xef: {  	[sflag:s8] =	ssyncset.done $0x0  }
0xf0: {  	s23 =	simm.s32 $0x4000;
	[sflag:s8] =	ssyncadd.s32 $0xFFFFE000  }
0xf1: {  	[tilespmem:s23], [sflag:$0x1] =	stream.linear.gather [hbm4b:s1+s11], $0x2000, $0x38;
	[tilespmem:$0x1EE80] =	vst v63  }
0xf2: {  	_ =	swait.ge [sflag:s8], $0x2000  }
0xf3: {  	[sflag:s8] =	ssyncset.done $0x0  }
0xf4: {  	[sflag:s8] =	ssyncadd.s32 $0xFFFFE000  }
0xf5: {  	s11 =	simm.s32 $0x0;
	[bflag:$0x0] =	sbarrier.arrive $0xFFFF  }
0xf6: {  	v5 =	vld [tilespmem:s11+$0x4000]  }
0xf7: {  	v4 =	vld [tilespmem:s11+$0x4010]  }
0xf8: {  	v3 =	vld [tilespmem:s11+$0x4020]  }
0xf9: {  	v2 =	vld [tilespmem:s11+$0x4030]  }
0xfa: {  	v1 =	vld [tilespmem:s11+$0x4040]  }
0xfb: {  	v0 =	vld [tilespmem:s11+$0x4050]  }
0xfc: {  	v12 =	vld [tilespmem:s11+$0x2000]  }
0xfd: {  	v17 =	vld [tilespmem:s11+$0x2010]  }
0xfe: {  	v11 =	vld [tilespmem:s11+$0x2020]  }
0xff: {  	v10 =	vld [tilespmem:s11+$0x2030]  }
0x100: {  	v9 =	vld [tilespmem:s11+$0x2040]  }
0x101: {  	v8 =	vld [tilespmem:s11+$0x2050]  }
0x102: {  	v7 =	vld [tilespmem:s11+$0x2060]  }
0x103: {  	v6 =	vld [tilespmem:s11+$0x2070]  }
0x104: {  	v18 =	vld [tilespmem:s11+$0x0]  }
0x105: {  	v19 =	vld [tilespmem:s11+$0x10]  }
0x106: {  	v16 =	vld [tilespmem:s11+$0x20]  }
0x107: {  	v15 =	vld [tilespmem:s11+$0x30]  }
0x108: {  	v14 =	vld [tilespmem:s11+$0x40]  }
0x109: {  	v13 =	vld [tilespmem:s11+$0x50];
	v18 =	vmul.f32 v12, v18  }
0x10a: {  	s21 =	simm.s32 $0x200;
	v17 =	vmul.f32 v17, v19;
	v12 =	vld [tilespmem:s11+$0x60]  }
.LBB2_3:
0x10b: {  	p2 =	sne.s32 s21, $0x7E00;
	v5 =	vadd.f32 v5, v18;
	v11 =	vmul.f32 v11, v16;
	v16 =	vld [tilespmem:s11+$0x70]  }
0x10c: {  	v4 =	vadd.f32 v4, v17;
	v10 =	vmul.f32 v10, v15;
	v15 =	vld [tilespmem:s11+$0x4060]  }
0x10d: {  	s22 =	sshra.s32 s21, $0x2;
	[tilespmem:s11+$0x0] =	vst v5;
	v3 =	vadd.f32 v3, v11;
	v9 =	vmul.f32 v9, v14;
	v11 =	vld [tilespmem:s11+$0x4070]  }
0x10e: {  	v5 =	vld [tilespmem:s22+$0x4000];
	[tilespmem:s11+$0x10] =	vst v4;
	v2 =	vadd.f32 v2, v10;
	v8 =	vmul.f32 v8, v13  }
0x10f: {  	v4 =	vld [tilespmem:s22+$0x4010];
	[tilespmem:s11+$0x20] =	vst v3;
	v1 =	vadd.f32 v1, v9;
	v7 =	vmul.f32 v7, v12  }
0x110: {  	v3 =	vld [tilespmem:s22+$0x4020];
	[tilespmem:s11+$0x30] =	vst v2;
	v0 =	vadd.f32 v0, v8;
	v6 =	vmul.f32 v6, v16  }
0x111: {  	v2 =	vld [tilespmem:s22+$0x4030];
	[tilespmem:s11+$0x40] =	vst v1;
	v7 =	vadd.f32 v15, v7  }
0x112: {  	v1 =	vld [tilespmem:s22+$0x4040];
	[tilespmem:s11+$0x50] =	vst v0;
	v6 =	vadd.f32 v11, v6  }
0x113: {  	v0 =	vld [tilespmem:s22+$0x4050];
	[tilespmem:s11+$0x60] =	vst v7  }
0x114: {  	v12 =	vld [tilespmem:s22+$0x2000];
	[tilespmem:s11+$0x70] =	vst v6;
	s11 =	smov.u32 s22  }
0x115: {  	v17 =	vld [tilespmem:s11+$0x2010]  }
0x116: {  	v11 =	vld [tilespmem:s11+$0x2020]  }
0x117: {  	v10 =	vld [tilespmem:s11+$0x2030]  }
0x118: {  	v9 =	vld [tilespmem:s11+$0x2040]  }
0x119: {  	v8 =	vld [tilespmem:s11+$0x2050]  }
0x11a: {  	v7 =	vld [tilespmem:s11+$0x2060]  }
0x11b: {  	v6 =	vld [tilespmem:s11+$0x2070]  }
0x11c: {  	v13 =	vld [tilespmem:s11+$0x0]  }
0x11d: {  	v19 =	vld [tilespmem:s11+$0x10]  }
.Ltmp7:
0x11e: {  	v16 =	vld [tilespmem:s11+$0x20];
	(pc) =	sbr.rel @p2 .LBB2_3-.Ltmp7, $4  }
0x11f: {  	v15 =	vld [tilespmem:s11+$0x30]  }
0x120: {  	v14 =	vld [tilespmem:s11+$0x40]  }
0x121: {  	v18 =	vmul.f32 v12, v13;
	v13 =	vld [tilespmem:s11+$0x50]  }
0x122: {  	s21 =	sadd.s32 $0x200, s21;
	v17 =	vmul.f32 v17, v19;
	v12 =	vld [tilespmem:s11+$0x60]  }
0x123: {  	v5 =	vadd.f32 v5, v18;
	v62 =	vld [tilespmem:s11+$0x70];
	v11 =	vmul.f32 v11, v16  }
0x124: {  	v63 =	vld [tilespmem:s11+$0x4060];
	v4 =	vadd.f32 v4, v17;
	v10 =	vmul.f32 v10, v15  }
0x125: {  	[tilespmem:s11+$0x0] =	vst v5;
	v3 =	vadd.f32 v3, v11;
	v5 =	vmul.f32 v9, v14;
	v9 =	vld [tilespmem:s11+$0x4070]  }
0x126: {  	[tilespmem:s11+$0x10] =	vst v4;
	v2 =	vadd.f32 v2, v10;
	v4 =	vmul.f32 v8, v13  }
0x127: {  	[tilespmem:s11+$0x20] =	vst v3;
	v1 =	vadd.f32 v1, v5;
	v3 =	vmul.f32 v7, v12  }
0x128: {  	[tilespmem:s11+$0x30] =	vst v2;
	v0 =	vadd.f32 v0, v4;
	v2 =	vmul.f32 v6, v62  }
0x129: {  	[tilespmem:s11+$0x40] =	vst v1;
	v1 =	vadd.f32 v63, v3  }
0x12a: {  	[tilespmem:s11+$0x50] =	vst v0;
	v0 =	vadd.f32 v9, v2  }
0x12b: {  	[tilespmem:s11+$0x60] =	vst v1  }
0x12c: {  	s21 =	rddreg [dreg:$0x2];
	[tilespmem:s11+$0x70] =	vst v0  }
0x12d: {  	[spmem:s21] =	stream.indirect.scatter.add.f32 [tilespmem:s7], [sflag:$0x1], $0x80, s14, s15, $0xb8;
	[tilespmem:$0x1EE80] =	vst v63  }
0x12e: {  	_ =	swait.ge [sflag:s8], $0x2000  }
0x12f: {  	[sflag:s8] =	ssyncset.done $0x0  }
0x130: {  	[sflag:s8] =	ssyncadd.s32 $0xFFFFE000  }
0x131: {  	[bflag:$0x0] =	sbarrier.arrive $0xFFFF  }
0x132: {  	s11 =	simm.s32 @!p0 $0x1C01;
	s21 =	rddreg [dreg:$0xe]  }
0x133: {  	[hbm:s21], [sflag:s11] =	dma.local @!p0 [spmem:s10], $0x580  }
0x134: {  	s10 =	simm.s32 @!p0 $0x1  }
0x135: {  	_ =	swait.ge @!p0 [sflag:s10], $0x580  }
0x136: {  	[sflag:s10] =	ssyncset.done @!p0 $0x0  }
0x137: {  	s21 =	sshrl.u32 @!p0 s3, $0x3;
	[sflag:s10] =	ssyncadd.s32 @!p0 $0xFFFFFA80  }
0x138: {  	[spmem:s21], [sflag:s11] =	dma.local @!p0 [hbm:s12], $0x580  }
0x139: {  	_ =	swait.ge @!p0 [sflag:s10], $0x580  }
0x13a: {  	[sflag:s10] =	ssyncset.done @!p0 $0x0  }
0x13b: {  	s21 =	sshrl.u32 @!p0 s4, $0x3;
	[sflag:s10] =	ssyncadd.s32 @!p0 $0xFFFFFA80  }
0x13c: {  	[spmem:s21], [sflag:s11] =	dma.local @!p0 [hbm:s12], $0x580  }
0x13d: {  	_ =	swait.ge @!p0 [sflag:s10], $0x580  }
0x13e: {  	[sflag:s10] =	ssyncset.done @!p0 $0x0  }
0x13f: {  	s22 =	simm.s32 $0x0;
	[sflag:s10] =	ssyncadd.s32 @!p0 $0xFFFFFA80  }
0x140: {  	[tilespmem:s13], [sflag:$0x1] =	stream.linear.gather [hbm4b:s26+s22], $0x40, $0x38;
	[tilespmem:$0x1EE80] =	vst v63  }
0x141: {  	_ =	swait.ge [sflag:s8], $0x40  }
0x142: {  	[sflag:s8] =	ssyncset.done $0x0  }
0x143: {  	[sflag:s8] =	ssyncadd.s32 $0xFFFFFFC0  }
0x144: {  	[tilespmem:s14], [sflag:$0x1] =	stream.linear.gather [hbm4b:s28+s22], $0x40, $0x38;
	[tilespmem:$0x1EE80] =	vst v63  }
0x145: {  	_ =	swait.ge [sflag:s8], $0x40  }
0x146: {  	[sflag:s8] =	ssyncset.done $0x0  }
0x147: {  	s23 =	rddreg [dreg:$0xb];
	[sflag:s8] =	ssyncadd.s32 $0xFFFFFFC0  }
0x148: {  	[tilespmem:s22], [sflag:$0x1] =	stream.indirect.gather [hbm4b:s23+s15], $0x80, s13, s15, $0xb8;
	[tilespmem:$0x1EE80] =	vst v63  }
0x149: {  	_ =	swait.ge [sflag:s8], $0x2000  }
0x14a: {  	[sflag:s8] =	ssyncset.done $0x0  }
0x14b: {  	[sflag:s8] =	ssyncadd.s32 $0xFFFFE000  }
0x14c: {  	[tilespmem:s17], [sflag:$0x1] =	stream.linear.gather [hbm4b:s16+s22], $0x2000, $0x38;
	[tilespmem:$0x1EE80] =	vst v63  }
0x14d: {  	_ =	swait.ge [sflag:s8], $0x2000  }
0x14e: {  	[sflag:s8] =	ssyncset.done $0x0  }
0x14f: {  	[sflag:s8] =	ssyncadd.s32 $0xFFFFE000  }
0x150: {  	[tilespmem:s2], [sflag:$0x1] =	stream.linear.gather [hbm4b:s18+s22], $0x2000, $0x38;
	[tilespmem:$0x1EE80] =	vst v63  }
0x151: {  	_ =	swait.ge [sflag:s8], $0x2000  }
0x152: {  	[sflag:s8] =	ssyncset.done $0x0  }
0x153: {  	[sflag:s8] =	ssyncadd.s32 $0xFFFFE000  }
0x154: {  	s10 =	simm.s32 $0x0;
	[bflag:$0x0] =	sbarrier.arrive $0xFFFF  }
0x155: {  	v7 =	vld [tilespmem:s10+$0x2000]  }
0x156: {  	v11 =	vld [tilespmem:s10+$0x2010]  }
0x157: {  	v5 =	vld [tilespmem:s10+$0x2020]  }
0x158: {  	v4 =	vld [tilespmem:s10+$0x2030]  }
0x159: {  	v3 =	vld [tilespmem:s10+$0x2040]  }
0x15a: {  	v2 =	vld [tilespmem:s10+$0x2050]  }
0x15b: {  	v1 =	vld [tilespmem:s10+$0x2060]  }
0x15c: {  	v0 =	vld [tilespmem:s10+$0x2070]  }
0x15d: {  	v12 =	vld [tilespmem:s10+$0x0]  }
0x15e: {  	v13 =	vld [tilespmem:s10+$0x10]  }
0x15f: {  	v10 =	vld [tilespmem:s10+$0x20]  }
0x160: {  	v9 =	vld [tilespmem:s10+$0x30]  }
0x161: {  	v8 =	vld [tilespmem:s10+$0x40]  }
0x162: {  	v6 =	vld [tilespmem:s10+$0x50];
	v12 =	vmul.f32 v7, v12  }
0x163: {  	s11 =	simm.s32 $0x200;
	v11 =	vmul.f32 v11, v13;
	v7 =	vld [tilespmem:s10+$0x60]  }
.LBB2_5:
0x164: {  	s21 =	sshra.s32 s11, $0x2;
	p2 =	sne.s32 s11, $0x7E00;
	[tilespmem:s10+$0x0] =	vst v12;
	v5 =	vmul.f32 v5, v10;
	v10 =	vld [tilespmem:s10+$0x70]  }
0x165: {  	v12 =	vld [tilespmem:s21+$0x2000];
	[tilespmem:s10+$0x10] =	vst v11;
	v4 =	vmul.f32 v4, v9  }
0x166: {  	v11 =	vld [tilespmem:s21+$0x2010];
	[tilespmem:s10+$0x20] =	vst v5;
	v3 =	vmul.f32 v3, v8  }
0x167: {  	v5 =	vld [tilespmem:s21+$0x2020];
	[tilespmem:s10+$0x30] =	vst v4;
	v2 =	vmul.f32 v2, v6  }
0x168: {  	v4 =	vld [tilespmem:s21+$0x2030];
	[tilespmem:s10+$0x40] =	vst v3;
	v1 =	vmul.f32 v1, v7  }
0x169: {  	v3 =	vld [tilespmem:s21+$0x2040];
	[tilespmem:s10+$0x50] =	vst v2;
	v0 =	vmul.f32 v0, v10  }
0x16a: {  	v2 =	vld [tilespmem:s21+$0x2050];
	[tilespmem:s10+$0x60] =	vst v1  }
0x16b: {  	v1 =	vld [tilespmem:s21+$0x2060];
	[tilespmem:s10+$0x70] =	vst v0;
	s10 =	smov.u32 s21  }
0x16c: {  	v0 =	vld [tilespmem:s10+$0x2070]  }
0x16d: {  	v6 =	vld [tilespmem:s10+$0x0]  }
0x16e: {  	v7 =	vld [tilespmem:s10+$0x10]  }
.Ltmp8:
0x16f: {  	v10 =	vld [tilespmem:s10+$0x20];
	(pc) =	sbr.rel @p2 .LBB2_5-.Ltmp8, $4  }
0x170: {  	v9 =	vld [tilespmem:s10+$0x30]  }
0x171: {  	v8 =	vld [tilespmem:s10+$0x40]  }
0x172: {  	v12 =	vmul.f32 v12, v6;
	v6 =	vld [tilespmem:s10+$0x50]  }
0x173: {  	s11 =	sadd.s32 $0x200, s11;
	v11 =	vmul.f32 v11, v7;
	v7 =	vld [tilespmem:s10+$0x60]  }
0x174: {  	[tilespmem:s10+$0x0] =	vst v12;
	v5 =	vmul.f32 v5, v10;
	v63 =	vld [tilespmem:s10+$0x70]  }
0x175: {  	[tilespmem:s10+$0x10] =	vst v11;
	v4 =	vmul.f32 v4, v9  }
0x176: {  	[tilespmem:s10+$0x20] =	vst v5;
	v3 =	vmul.f32 v3, v8  }
0x177: {  	[tilespmem:s10+$0x30] =	vst v4;
	v2 =	vmul.f32 v2, v6  }
0x178: {  	[tilespmem:s10+$0x40] =	vst v3;
	v1 =	vmul.f32 v1, v7  }
0x179: {  	[tilespmem:s10+$0x50] =	vst v2;
	v0 =	vmul.f32 v0, v63  }
0x17a: {  	[tilespmem:s10+$0x60] =	vst v1  }
0x17b: {  	[tilespmem:s10+$0x70] =	vst v0  }
0x17c: {  	[spmem:s3] =	stream.indirect.scatter.add.f32 [tilespmem:s7], [sflag:$0x1], $0x80, s14, s15, $0xb8;
	[tilespmem:$0x1EE80] =	vst v63  }
0x17d: {  	_ =	swait.ge [sflag:s8], $0x2000  }
0x17e: {  	[sflag:s8] =	ssyncset.done $0x0  }
0x17f: {  	[sflag:s8] =	ssyncadd.s32 $0xFFFFE000  }
0x180: {  	[spmem:s4] =	stream.indirect.scatter.add.f32 [tilespmem:s2], [sflag:$0x1], $0x80, s14, s15, $0xb8;
	[tilespmem:$0x1EE80] =	vst v63  }
.Ltmp9:
0x181: {  	_ =	swait.ge [sflag:s8], $0x2000;
	(pc) =	sbr.rel @p0 .LBB2_15-.Ltmp9, $3  }
0x182: {  	[sflag:s8] =	ssyncset.done $0x0  }
0x183: {  	[sflag:s8] =	ssyncadd.s32 $0xFFFFE000  }
0x184: {  	[bflag:$0x0] =	sbarrier.arrive $0xFFFF;
	_ =	sdelay $0x1  }
0x185: {  	s10 =	sshrl.u32 s3, $0x3;
	s11 =	rddreg [dreg:$0x10];
	s21 =	simm.s32 $0x1C01  }
0x186: {  	[hbm:s11], [sflag:s21] =	dma.local [spmem:s10], $0x580  }
.Ltmp10:
0x187: {  	_ = 	snop;
	(pc) =	sbr.rel .LBB2_14-.Ltmp10, $4  }
0x188: {  	_ =	swait.ge [sflag:s8], $0x580  }
0x189: {  	[sflag:s8] =	ssyncset.done $0x0  }
0x18a: {  	s22 =	sshrl.u32 s4, $0x3;
	s23 =	rddreg [dreg:$0x12];
	[sflag:s8] =	ssyncadd.s32 $0xFFFFFA80  }
0x18b: {  	[hbm:s23], [sflag:s21] =	dma.local [spmem:s22], $0x580  }
.LBB2_16:
0x18c: {  	_ =	sfence.sel $0x180000  }
0x18d: {  	[bflag:$0x0] =	sbarrier.arrive $0xFFFF  }
0x18e: {  	_ =	strace $0x90000047  }
0x18f: {  	[bflag:$0x2] =	sbarrier.arrive $0xFFFF  }
0x190: {  	s0 =	rddreg [dreg:$0x8]  }
0x191: {  	s0 =	sadd.s32 @!p0 $0x100000, s0  }
0x192: {  	[sflag:s0] =	ssyncadd.tile.s32 @!p0 $0x1;
	_ =	shalt  }
.Lfunc_end2:
_tile_overlayer_lowered:
.L_overlay_start_2:
0x193: {  	(tag) =	ssettag $0x2  }
0x194: {  	s0 =	rddreg [dreg:$0x0];
	s2 =	stileid.u32  }
0x195: {  	s1 =	rddreg [dreg:$0x1];
	p0 =	sne.s32 s2, $0x0  }
0x196: {  	s3 =	rddreg [dreg:$0x2];
	[bflag:$0x3] =	sbarrier.arrive $0xFFFF;
	s2 =	simm.s32 @!p0 $0x1C01  }
0x197: {  	[timem:s3], [sflag:s2] =	dma.local @!p0 [hbm:s0], s1  }
0x198: {  	s0 =	simm.s32 @!p0 $0x1  }
0x199: {  	_ =	swait.ge @!p0 [sflag:s0], s1  }
0x19a: {  	s1 =	ssub.s32 @!p0 $0x0, s1;
	[sflag:s0] =	ssyncset.done @!p0 $0x0  }
0x19b: {  	[sflag:s0] =	ssyncadd.s32 @!p0 s1  }
0x19c: {  	[bflag:$0x3] =	sbarrier.arrive $0xFFFF  }
0x19d: {  	_ =	shalt  }

</sc_bundles>
